<compile_context>
chip_gen: v7x
topology: tpu7x:2x2x1
jax: 0.10.2.dev20260603
libtpu: 0.0.44.dev20260713+nightly
codegen_flags: <defaults>
</compile_context>

<pallas_src>
import functools

import jax
import jax.numpy as jnp
from jax import lax
from jax.experimental import pallas as pl
from jax.experimental.pallas import tpu as pltpu
from jax.experimental.pallas import tpu_sc as plsc

_NC = 2
_NS = 16
_NW = _NC * _NS
_LANES = 16
_R = 16
_NB = 3


def _make_sc_add(B, T, C):
    rows_per_w = T // _NW
    nchunk = rows_per_w // _R
    nj = nchunk * B
    groups = C // _LANES
    mesh = plsc.VectorSubcoreMesh(core_axis_name="c", subcore_axis_name="s")

    @functools.partial(
        pl.kernel,
        mesh=mesh,
        out_type=jax.ShapeDtypeStruct((B, T, C), jnp.float32),
        scratch_types=[
            pltpu.VMEM((_NB, _R, C), jnp.float32),
            pltpu.VMEM((2, _R, C), jnp.float32),
            pltpu.SemaphoreType.DMA((_NB,)),
            pltpu.SemaphoreType.DMA((_NB,)),
            pltpu.SemaphoreType.DMA((2,)),
        ],
    )
    def sc_add(x_hbm, pos_hbm, out_hbm, xb, pb, sin, sout, spos):
        wid = lax.axis_index("s") * _NC + lax.axis_index("c")
        base = wid * rows_per_w

        def in_copy(j, slot):
            c = j // B
            b = j % B
            row0 = base + c * _R
            return pltpu.make_async_copy(
                x_hbm.at[b, pl.ds(row0, _R), :], xb.at[slot], sin.at[slot])

        def out_copy(j, slot):
            c = j // B
            b = j % B
            row0 = base + c * _R
            return pltpu.make_async_copy(
                xb.at[slot], out_hbm.at[b, pl.ds(row0, _R), :], sout.at[slot])

        def pos_copy(c, pslot):
            row0 = base + c * _R
            return pltpu.make_async_copy(
                pos_hbm.at[pl.ds(row0, _R), :], pb.at[pslot], spos.at[pslot])

        in_copy(0, 0).start()
        pos_copy(0, 0).start()
        in_copy(1, 1).start()

        def job(j, carry):
            slot = j % _NB
            c = j // B
            b = j % B
            pslot = c % 2

            @pl.when(j >= 1)
            def _():
                out_copy(j - 1, (j - 1) % _NB).wait()

            @pl.when(j + 2 < nj)
            def _():
                in_copy(j + 2, (j + 2) % _NB).start()

            @pl.when(jnp.logical_and(b == 0, c + 1 < nchunk))
            def _():
                pos_copy(c + 1, (c + 1) % 2).start()

            in_copy(j, slot).wait()

            @pl.when(b == 0)
            def _():
                pos_copy(c, pslot).wait()

            def row(r, rc):
                for g in range(groups):
                    sl = pl.ds(g * _LANES, _LANES)
                    xb[slot, r, sl] = xb[slot, r, sl] + pb[pslot, r, sl]
                return rc

            lax.fori_loop(0, _R, row, 0)
            out_copy(j, slot).start()
            return carry

        lax.fori_loop(0, nj, job, 0)
        out_copy(nj - 1, (nj - 1) % _NB).wait()

    return sc_add


def kernel(x, pos_emb):
    B, T, C = x.shape
    return _make_sc_add(B, T, C)(x, pos_emb)

# --- scband reference (transcript-rebuilt; emitter-appended) ---
"""Pipeline reference for scband-positional-encoding-1168231104652 (READ-ONLY COPY).

The authoritative reference and input builder live on the scoring server;
editing this copy changes nothing except your own understanding.
"""

import jax, jax.numpy as jnp
import numpy as np


def setup_inputs(seed: int = 0) -> dict:
    key = jax.random.key(seed)
    k1, k2 = jax.random.split(key)
    x = jax.random.normal(k1, (4, 8192, 1024), dtype=jnp.float32)
    # learned positional embedding table sized per init_kwargs:
    # (max_position_embeddings=8192, hidden_dim=1024)
    pos_emb = jax.random.normal(k2, (8192, 1024), dtype=jnp.float32) * 0.02
    return {"x": x, "pos_emb": pos_emb}


def reference(x, pos_emb):
    # Faithful translation of PositionalEncoding.forward (dropout p=0.0 -> identity)
    seq_length = x.shape[1]
    position_ids = jnp.arange(seq_length, dtype=jnp.int32)  # position_ids[:, :seq_length]
    pe = jnp.take(pos_emb, position_ids, axis=0)  # embedding lookup -> (T, C)
    out = x + pe[None, :, :]  # broadcast over batch, matching (1, T, C) position_ids expand
    return out

if __name__ == "__main__":
    import jax
    _d = setup_inputs()
    print(jax.jit(kernel)(*tuple(_d.values())))

</pallas_src>

<mosaic_0001>
#map = affine_map<(d0, d1) -> (0, 0, 0)>
#map1 = affine_map<(d0, d1) -> (0, 0)>
module attributes {stable_mosaic.version = 14 : i64} {
  func.func @sc_add(%arg0: i32, %arg1: i32, %arg2: memref<4x8192x1024xf32, #tpu.memory_space<hbm>>, %arg3: memref<8192x1024xf32, #tpu.memory_space<hbm>>, %arg4: memref<4x8192x1024xf32, #tpu.memory_space<hbm>>, %arg5: memref<3x16x1024xf32, #tpu.memory_space<vmem>>, %arg6: memref<2x16x1024xf32, #tpu.memory_space<vmem>>, %arg7: memref<3x!tpu.dma_semaphore, #tpu.memory_space<semaphore_mem>>, %arg8: memref<3x!tpu.dma_semaphore, #tpu.memory_space<semaphore_mem>>, %arg9: memref<2x!tpu.dma_semaphore, #tpu.memory_space<semaphore_mem>>) attributes {dimension_semantics = [#tpu.dimension_semantics<core_parallel>, #tpu.dimension_semantics<subcore_parallel>], iteration_bounds = array<i64: 2, 16>, scalar_prefetch = 0 : i64, scratch_operands = 5 : i64, tpu.core_type = #tpu.core_type<sc_vector_subcore>, window_params = [{transform_indices = #map}, {transform_indices = #map1}, {transform_indices = #map}]} {
    %mul3A = arith.constant 2 : i32
    %mul3A_0 = arith.muli %arg1, %mul3A : i32
    %add3A = arith.addi %mul3A_0, %arg0 : i32
    %mul3A_1 = arith.constant 256 : i32
    %mul3A_2 = arith.muli %add3A, %mul3A_1 : i32
    %add3A_3 = arith.constant 0 : i32
    %add3A_4 = arith.addi %mul3A_2, %add3A_3 : i32
    %dma_start3A = arith.constant 0 : i32
    %dma_start3A_5 = arith.constant 0 : i32
    %dma_start3A_6 = arith.constant 0 : i32
    %dma_start3A_7 = arith.constant 0 : i32
    %dma_start3A_8 = arith.constant 0 : i32
    %dma_start3A_9 = tpu.memref_slice %arg5[%dma_start3A_5, %dma_start3A_7, %dma_start3A_8] : memref<3x16x1024xf32, #tpu.memory_space<vmem>> -> memref<1x16x1024xf32, #tpu.memory_space<vmem>>
    %dma_start3A_10 = tpu.memref_squeeze %dma_start3A_9 : memref<1x16x1024xf32, #tpu.memory_space<vmem>> -> memref<16x1024xf32, #tpu.memory_space<vmem>>
    %dma_start3A_11 = arith.constant 0 : i32
    %dma_start3A_12 = tpu.memref_slice %arg2[%dma_start3A, %add3A_4, %dma_start3A_11] : memref<4x8192x1024xf32, #tpu.memory_space<hbm>> -> memref<1x16x1024xf32, #tpu.memory_space<hbm>>
    %dma_start3A_13 = tpu.memref_squeeze %dma_start3A_12 : memref<1x16x1024xf32, #tpu.memory_space<hbm>> -> memref<16x1024xf32, #tpu.memory_space<hbm>>
    %dma_start3A_14 = tpu.memref_slice %arg7[%dma_start3A_6] : memref<3x!tpu.dma_semaphore, #tpu.memory_space<semaphore_mem>> -> memref<1x!tpu.dma_semaphore, #tpu.memory_space<semaphore_mem>>
    %dma_start3A_15 = tpu.memref_squeeze %dma_start3A_14 : memref<1x!tpu.dma_semaphore, #tpu.memory_space<semaphore_mem>> -> memref<!tpu.dma_semaphore, #tpu.memory_space<semaphore_mem>>
    %dma_start3A_16 = arith.constant 0 : i32
    %dma_start3A_17 = arith.constant 0 : i32
    %dma_start3A_18 = tpu.memref_slice %arg5[%dma_start3A_5, %dma_start3A_16, %dma_start3A_17] : memref<3x16x1024xf32, #tpu.memory_space<vmem>> -> memref<1x16x1024xf32, #tpu.memory_space<vmem>>
    %dma_start3A_19 = tpu.memref_squeeze %dma_start3A_18 : memref<1x16x1024xf32, #tpu.memory_space<vmem>> -> memref<16x1024xf32, #tpu.memory_space<vmem>>
    %dma_start3A_20 = arith.constant 0 : i32
    %dma_start3A_21 = tpu.memref_slice %arg2[%dma_start3A, %add3A_4, %dma_start3A_20] : memref<4x8192x1024xf32, #tpu.memory_space<hbm>> -> memref<1x16x1024xf32, #tpu.memory_space<hbm>>
    %dma_start3A_22 = tpu.memref_squeeze %dma_start3A_21 : memref<1x16x1024xf32, #tpu.memory_space<hbm>> -> memref<16x1024xf32, #tpu.memory_space<hbm>>
    tpu.enqueue_dma source(%dma_start3A_22 : memref<16x1024xf32, #tpu.memory_space<hbm>>) target(%dma_start3A_19 : memref<16x1024xf32, #tpu.memory_space<vmem>>) target_semaphore(%dma_start3A_15 : memref<!tpu.dma_semaphore, #tpu.memory_space<semaphore_mem>>)
    %add3A_23 = arith.constant 0 : i32
    %add3A_24 = arith.addi %mul3A_2, %add3A_23 : i32
    %dma_start3A_25 = arith.constant 0 : i32
    %dma_start3A_26 = arith.constant 0 : i32
    %dma_start3A_27 = arith.constant 0 : i32
    %dma_start3A_28 = arith.constant 0 : i32
    %dma_start3A_29 = tpu.memref_slice %arg6[%dma_start3A_25, %dma_start3A_27, %dma_start3A_28] : memref<2x16x1024xf32, #tpu.memory_space<vmem>> -> memref<1x16x1024xf32, #tpu.memory_space<vmem>>
    %dma_start3A_30 = tpu.memref_squeeze %dma_start3A_29 : memref<1x16x1024xf32, #tpu.memory_space<vmem>> -> memref<16x1024xf32, #tpu.memory_space<vmem>>
    %dma_start3A_31 = arith.constant 0 : i32
    %dma_start3A_32 = tpu.memref_slice %arg3[%add3A_24, %dma_start3A_31] : memref<8192x1024xf32, #tpu.memory_space<hbm>> -> memref<16x1024xf32, #tpu.memory_space<hbm>>
    %dma_start3A_33 = tpu.memref_slice %arg9[%dma_start3A_26] : memref<2x!tpu.dma_semaphore, #tpu.memory_space<semaphore_mem>> -> memref<1x!tpu.dma_semaphore, #tpu.memory_space<semaphore_mem>>
    %dma_start3A_34 = tpu.memref_squeeze %dma_start3A_33 : memref<1x!tpu.dma_semaphore, #tpu.memory_space<semaphore_mem>> -> memref<!tpu.dma_semaphore, #tpu.memory_space<semaphore_mem>>
    %dma_start3A_35 = arith.constant 0 : i32
    %dma_start3A_36 = arith.constant 0 : i32
    %dma_start3A_37 = tpu.memref_slice %arg6[%dma_start3A_25, %dma_start3A_35, %dma_start3A_36] : memref<2x16x1024xf32, #tpu.memory_space<vmem>> -> memref<1x16x1024xf32, #tpu.memory_space<vmem>>
    %dma_start3A_38 = tpu.memref_squeeze %dma_start3A_37 : memref<1x16x1024xf32, #tpu.memory_space<vmem>> -> memref<16x1024xf32, #tpu.memory_space<vmem>>
    %dma_start3A_39 = arith.constant 0 : i32
    %dma_start3A_40 = tpu.memref_slice %arg3[%add3A_24, %dma_start3A_39] : memref<8192x1024xf32, #tpu.memory_space<hbm>> -> memref<16x1024xf32, #tpu.memory_space<hbm>>
    tpu.enqueue_dma source(%dma_start3A_40 : memref<16x1024xf32, #tpu.memory_space<hbm>>) target(%dma_start3A_38 : memref<16x1024xf32, #tpu.memory_space<vmem>>) target_semaphore(%dma_start3A_34 : memref<!tpu.dma_semaphore, #tpu.memory_space<semaphore_mem>>)
    %add3A_41 = arith.constant 0 : i32
    %add3A_42 = arith.addi %mul3A_2, %add3A_41 : i32
    %dma_start3A_43 = arith.constant 1 : i32
    %dma_start3A_44 = arith.constant 1 : i32
    %dma_start3A_45 = arith.constant 1 : i32
    %dma_start3A_46 = arith.constant 0 : i32
    %dma_start3A_47 = arith.constant 0 : i32
    %dma_start3A_48 = tpu.memref_slice %arg5[%dma_start3A_44, %dma_start3A_46, %dma_start3A_47] : memref<3x16x1024xf32, #tpu.memory_space<vmem>> -> memref<1x16x1024xf32, #tpu.memory_space<vmem>>
    %dma_start3A_49 = tpu.memref_squeeze %dma_start3A_48 : memref<1x16x1024xf32, #tpu.memory_space<vmem>> -> memref<16x1024xf32, #tpu.memory_space<vmem>>
    %dma_start3A_50 = arith.constant 0 : i32
    %dma_start3A_51 = tpu.memref_slice %arg2[%dma_start3A_43, %add3A_42, %dma_start3A_50] : memref<4x8192x1024xf32, #tpu.memory_space<hbm>> -> memref<1x16x1024xf32, #tpu.memory_space<hbm>>
    %dma_start3A_52 = tpu.memref_squeeze %dma_start3A_51 : memref<1x16x1024xf32, #tpu.memory_space<hbm>> -> memref<16x1024xf32, #tpu.memory_space<hbm>>
    %dma_start3A_53 = tpu.memref_slice %arg7[%dma_start3A_45] : memref<3x!tpu.dma_semaphore, #tpu.memory_space<semaphore_mem>> -> memref<1x!tpu.dma_semaphore, #tpu.memory_space<semaphore_mem>>
    %dma_start3A_54 = tpu.memref_squeeze %dma_start3A_53 : memref<1x!tpu.dma_semaphore, #tpu.memory_space<semaphore_mem>> -> memref<!tpu.dma_semaphore, #tpu.memory_space<semaphore_mem>>
    %dma_start3A_55 = arith.constant 0 : i32
    %dma_start3A_56 = arith.constant 0 : i32
    %dma_start3A_57 = tpu.memref_slice %arg5[%dma_start3A_44, %dma_start3A_55, %dma_start3A_56] : memref<3x16x1024xf32, #tpu.memory_space<vmem>> -> memref<1x16x1024xf32, #tpu.memory_space<vmem>>
    %dma_start3A_58 = tpu.memref_squeeze %dma_start3A_57 : memref<1x16x1024xf32, #tpu.memory_space<vmem>> -> memref<16x1024xf32, #tpu.memory_space<vmem>>
    %dma_start3A_59 = arith.constant 0 : i32
    %dma_start3A_60 = tpu.memref_slice %arg2[%dma_start3A_43, %add3A_42, %dma_start3A_59] : memref<4x8192x1024xf32, #tpu.memory_space<hbm>> -> memref<1x16x1024xf32, #tpu.memory_space<hbm>>
    %dma_start3A_61 = tpu.memref_squeeze %dma_start3A_60 : memref<1x16x1024xf32, #tpu.memory_space<hbm>> -> memref<16x1024xf32, #tpu.memory_space<hbm>>
    tpu.enqueue_dma source(%dma_start3A_61 : memref<16x1024xf32, #tpu.memory_space<hbm>>) target(%dma_start3A_58 : memref<16x1024xf32, #tpu.memory_space<vmem>>) target_semaphore(%dma_start3A_54 : memref<!tpu.dma_semaphore, #tpu.memory_space<semaphore_mem>>)
    %scan3A = arith.constant 0 : i32
    %scan3A_62 = arith.constant 0 : i32
    %scan3A_63 = arith.constant 64 : i32
    %scan3A_64 = arith.addi %scan3A_62, %scan3A_63 : i32
    %scan3A_65 = arith.constant 1 : i32
    scf.for %scan3A_87 = %scan3A_62 to %scan3A_64 step %scan3A_65  : i32 {
      %jit3A = arith.constant 3 : i32
      %eq3A = arith.constant 0 : i32
      %eq3A_88 = arith.cmpi eq, %jit3A, %eq3A : i32
      %jit3A_89 = arith.constant 1 : i32
      %select_n3A = arith.select %eq3A_88, %jit3A_89, %jit3A : i32
      %rem3A = arith.remsi %scan3A_87, %select_n3A : i32
      %ne3A = arith.constant 0 : i32
      %ne3A_90 = arith.cmpi ne, %rem3A, %ne3A : i32
      %lt3A = arith.constant 0 : i32
      %lt3A_91 = arith.cmpi slt, %rem3A, %lt3A : i32
      %lt3A_92 = arith.constant 0 : i32
      %lt3A_93 = arith.cmpi slt, %select_n3A, %lt3A_92 : i32
      %ne3A_94 = arith.xori %lt3A_91, %lt3A_93 : i1
      %and3A = arith.andi %ne3A_94, %ne3A_90 : i1
      %add3A_95 = arith.addi %rem3A, %select_n3A : i32
      %select_n3A_96 = arith.select %and3A, %add3A_95, %rem3A : i32
      %jit3A_97 = arith.constant 4 : i32
      %div3A = arith.divsi %scan3A_87, %jit3A_97 : i32
      %sign3A = arith.constant 0 : i32
      %sign3A_98 = arith.cmpi sgt, %scan3A_87, %sign3A : i32
      %sign3A_99 = arith.extui %sign3A_98 : i1 to i32
      %sign3A_100 = arith.constant 0 : i32
      %sign3A_101 = arith.cmpi slt, %scan3A_87, %sign3A_100 : i32
      %sign3A_102 = arith.extui %sign3A_101 : i1 to i32
      %sign3A_103 = arith.subi %sign3A_99, %sign3A_102 : i32
      %sign3A_104 = arith.constant 0 : i32
      %sign3A_105 = arith.cmpi sgt, %jit3A_97, %sign3A_104 : i32
      %sign3A_106 = arith.extui %sign3A_105 : i1 to i32
      %sign3A_107 = arith.constant 0 : i32
      %sign3A_108 = arith.cmpi slt, %jit3A_97, %sign3A_107 : i32
      %sign3A_109 = arith.extui %sign3A_108 : i1 to i32
      %sign3A_110 = arith.subi %sign3A_106, %sign3A_109 : i32
      %ne3A_111 = arith.cmpi ne, %sign3A_103, %sign3A_110 : i32
      %rem3A_112 = arith.remsi %scan3A_87, %jit3A_97 : i32
      %ne3A_113 = arith.constant 0 : i32
      %ne3A_114 = arith.cmpi ne, %rem3A_112, %ne3A_113 : i32
      %and3A_115 = arith.andi %ne3A_111, %ne3A_114 : i1
      %sub3A = arith.constant 1 : i32
      %sub3A_116 = arith.subi %div3A, %sub3A : i32
      %select_n3A_117 = arith.select %and3A_115, %sub3A_116, %div3A : i32
      %jit3A_118 = arith.constant 4 : i32
      %eq3A_119 = arith.constant 0 : i32
      %eq3A_120 = arith.cmpi eq, %jit3A_118, %eq3A_119 : i32
      %jit3A_121 = arith.constant 1 : i32
      %select_n3A_122 = arith.select %eq3A_120, %jit3A_121, %jit3A_118 : i32
      %rem3A_123 = arith.remsi %scan3A_87, %select_n3A_122 : i32
      %ne3A_124 = arith.constant 0 : i32
      %ne3A_125 = arith.cmpi ne, %rem3A_123, %ne3A_124 : i32
      %lt3A_126 = arith.constant 0 : i32
      %lt3A_127 = arith.cmpi slt, %rem3A_123, %lt3A_126 : i32
      %lt3A_128 = arith.constant 0 : i32
      %lt3A_129 = arith.cmpi slt, %select_n3A_122, %lt3A_128 : i32
      %ne3A_130 = arith.xori %lt3A_127, %lt3A_129 : i1
      %and3A_131 = arith.andi %ne3A_130, %ne3A_125 : i1
      %add3A_132 = arith.addi %rem3A_123, %select_n3A_122 : i32
      %select_n3A_133 = arith.select %and3A_131, %add3A_132, %rem3A_123 : i32
      %jit3A_134 = arith.constant 2 : i32
      %eq3A_135 = arith.constant 0 : i32
      %eq3A_136 = arith.cmpi eq, %jit3A_134, %eq3A_135 : i32
      %jit3A_137 = arith.constant 1 : i32
      %select_n3A_138 = arith.select %eq3A_136, %jit3A_137, %jit3A_134 : i32
      %rem3A_139 = arith.remsi %select_n3A_117, %select_n3A_138 : i32
      %ne3A_140 = arith.constant 0 : i32
      %ne3A_141 = arith.cmpi ne, %rem3A_139, %ne3A_140 : i32
      %lt3A_142 = arith.constant 0 : i32
      %lt3A_143 = arith.cmpi slt, %rem3A_139, %lt3A_142 : i32
      %lt3A_144 = arith.constant 0 : i32
      %lt3A_145 = arith.cmpi slt, %select_n3A_138, %lt3A_144 : i32
      %ne3A_146 = arith.xori %lt3A_143, %lt3A_145 : i1
      %and3A_147 = arith.andi %ne3A_146, %ne3A_141 : i1
      %add3A_148 = arith.addi %rem3A_139, %select_n3A_138 : i32
      %select_n3A_149 = arith.select %and3A_147, %add3A_148, %rem3A_139 : i32
      %ge3A = arith.constant 1 : i32
      %ge3A_150 = arith.cmpi sge, %scan3A_87, %ge3A : i32
      %convert_element_type3A = arith.extui %ge3A_150 : i1 to i32
      %cond3A = arith.constant 0 : i32
      %cond3A_151 = arith.cmpi ne, %convert_element_type3A, %cond3A : i32
      scf.if %cond3A_151 {
        %sub3A_298 = arith.constant 1 : i32
        %sub3A_299 = arith.subi %scan3A_87, %sub3A_298 : i32
        %sub3A_300 = arith.constant 1 : i32
        %sub3A_301 = arith.subi %scan3A_87, %sub3A_300 : i32
        %jit3A_302 = arith.constant 3 : i32
        %eq3A_303 = arith.constant 0 : i32
        %eq3A_304 = arith.cmpi eq, %jit3A_302, %eq3A_303 : i32
        %jit3A_305 = arith.constant 1 : i32
        %select_n3A_306 = arith.select %eq3A_304, %jit3A_305, %jit3A_302 : i32
        %rem3A_307 = arith.remsi %sub3A_301, %select_n3A_306 : i32
        %ne3A_308 = arith.constant 0 : i32
        %ne3A_309 = arith.cmpi ne, %rem3A_307, %ne3A_308 : i32
        %lt3A_310 = arith.constant 0 : i32
        %lt3A_311 = arith.cmpi slt, %rem3A_307, %lt3A_310 : i32
        %lt3A_312 = arith.constant 0 : i32
        %lt3A_313 = arith.cmpi slt, %select_n3A_306, %lt3A_312 : i32
        %ne3A_314 = arith.xori %lt3A_311, %lt3A_313 : i1
        %and3A_315 = arith.andi %ne3A_314, %ne3A_309 : i1
        %add3A_316 = arith.addi %rem3A_307, %select_n3A_306 : i32
        %select_n3A_317 = arith.select %and3A_315, %add3A_316, %rem3A_307 : i32
        %jit3A_318 = arith.constant 4 : i32
        %div3A_319 = arith.divsi %sub3A_299, %jit3A_318 : i32
        %sign3A_320 = arith.constant 0 : i32
        %sign3A_321 = arith.cmpi sgt, %sub3A_299, %sign3A_320 : i32
        %sign3A_322 = arith.extui %sign3A_321 : i1 to i32
        %sign3A_323 = arith.constant 0 : i32
        %sign3A_324 = arith.cmpi slt, %sub3A_299, %sign3A_323 : i32
        %sign3A_325 = arith.extui %sign3A_324 : i1 to i32
        %sign3A_326 = arith.subi %sign3A_322, %sign3A_325 : i32
        %sign3A_327 = arith.constant 0 : i32
        %sign3A_328 = arith.cmpi sgt, %jit3A_318, %sign3A_327 : i32
        %sign3A_329 = arith.extui %sign3A_328 : i1 to i32
        %sign3A_330 = arith.constant 0 : i32
        %sign3A_331 = arith.cmpi slt, %jit3A_318, %sign3A_330 : i32
        %sign3A_332 = arith.extui %sign3A_331 : i1 to i32
        %sign3A_333 = arith.subi %sign3A_329, %sign3A_332 : i32
        %ne3A_334 = arith.cmpi ne, %sign3A_326, %sign3A_333 : i32
        %rem3A_335 = arith.remsi %sub3A_299, %jit3A_318 : i32
        %ne3A_336 = arith.constant 0 : i32
        %ne3A_337 = arith.cmpi ne, %rem3A_335, %ne3A_336 : i32
        %and3A_338 = arith.andi %ne3A_334, %ne3A_337 : i1
        %sub3A_339 = arith.constant 1 : i32
        %sub3A_340 = arith.subi %div3A_319, %sub3A_339 : i32
        %select_n3A_341 = arith.select %and3A_338, %sub3A_340, %div3A_319 : i32
        %jit3A_342 = arith.constant 4 : i32
        %eq3A_343 = arith.constant 0 : i32
        %eq3A_344 = arith.cmpi eq, %jit3A_342, %eq3A_343 : i32
        %jit3A_345 = arith.constant 1 : i32
        %select_n3A_346 = arith.select %eq3A_344, %jit3A_345, %jit3A_342 : i32
        %rem3A_347 = arith.remsi %sub3A_299, %select_n3A_346 : i32
        %ne3A_348 = arith.constant 0 : i32
        %ne3A_349 = arith.cmpi ne, %rem3A_347, %ne3A_348 : i32
        %lt3A_350 = arith.constant 0 : i32
        %lt3A_351 = arith.cmpi slt, %rem3A_347, %lt3A_350 : i32
        %lt3A_352 = arith.constant 0 : i32
        %lt3A_353 = arith.cmpi slt, %select_n3A_346, %lt3A_352 : i32
        %ne3A_354 = arith.xori %lt3A_351, %lt3A_353 : i1
        %and3A_355 = arith.andi %ne3A_354, %ne3A_349 : i1
        %add3A_356 = arith.addi %rem3A_347, %select_n3A_346 : i32
        %select_n3A_357 = arith.select %and3A_355, %add3A_356, %rem3A_347 : i32
        %mul3A_358 = arith.constant 16 : i32
        %mul3A_359 = arith.muli %select_n3A_341, %mul3A_358 : i32
        %add3A_360 = arith.addi %mul3A_2, %mul3A_359 : i32
        %dma_wait3A_361 = arith.constant 0 : i32
        %dma_wait3A_362 = arith.constant 0 : i32
        %dma_wait3A_363 = tpu.memref_slice %arg5[%select_n3A_317, %dma_wait3A_361, %dma_wait3A_362] : memref<3x16x1024xf32, #tpu.memory_space<vmem>> -> memref<1x16x1024xf32, #tpu.memory_space<vmem>>
        %dma_wait3A_364 = tpu.memref_squeeze %dma_wait3A_363 : memref<1x16x1024xf32, #tpu.memory_space<vmem>> -> memref<16x1024xf32, #tpu.memory_space<vmem>>
        %dma_wait3A_365 = arith.constant 0 : i32
        %dma_wait3A_366 = tpu.memref_slice %arg4[%select_n3A_357, %add3A_360, %dma_wait3A_365] : memref<4x8192x1024xf32, #tpu.memory_space<hbm>> -> memref<1x16x1024xf32, #tpu.memory_space<hbm>>
        %dma_wait3A_367 = tpu.memref_squeeze %dma_wait3A_366 : memref<1x16x1024xf32, #tpu.memory_space<hbm>> -> memref<16x1024xf32, #tpu.memory_space<hbm>>
        %dma_wait3A_368 = tpu.memref_slice %arg8[%select_n3A_317] : memref<3x!tpu.dma_semaphore, #tpu.memory_space<semaphore_mem>> -> memref<1x!tpu.dma_semaphore, #tpu.memory_space<semaphore_mem>>
        %dma_wait3A_369 = tpu.memref_squeeze %dma_wait3A_368 : memref<1x!tpu.dma_semaphore, #tpu.memory_space<semaphore_mem>> -> memref<!tpu.dma_semaphore, #tpu.memory_space<semaphore_mem>>
        %dma_wait3A_370 = arith.constant 0 : i32
        %dma_wait3A_371 = tpu.memref_slice %arg4[%select_n3A_357, %add3A_360, %dma_wait3A_370] : memref<4x8192x1024xf32, #tpu.memory_space<hbm>> -> memref<1x16x1024xf32, #tpu.memory_space<hbm>>
        %dma_wait3A_372 = tpu.memref_squeeze %dma_wait3A_371 : memref<1x16x1024xf32, #tpu.memory_space<hbm>> -> memref<16x1024xf32, #tpu.memory_space<hbm>>
        %dma_wait3A_373 = arith.constant 0 : i32
        %dma_wait3A_374 = arith.constant 0 : i32
        %dma_wait3A_375 = tpu.memref_slice %arg5[%select_n3A_317, %dma_wait3A_373, %dma_wait3A_374] : memref<3x16x1024xf32, #tpu.memory_space<vmem>> -> memref<1x16x1024xf32, #tpu.memory_space<vmem>>
        %dma_wait3A_376 = tpu.memref_squeeze %dma_wait3A_375 : memref<1x16x1024xf32, #tpu.memory_space<vmem>> -> memref<16x1024xf32, #tpu.memory_space<vmem>>
        tpu.wait_dma2 semaphore(%dma_wait3A_369 : memref<!tpu.dma_semaphore, #tpu.memory_space<semaphore_mem>>) src(%dma_wait3A_376 : memref<16x1024xf32, #tpu.memory_space<vmem>>) dst(%dma_wait3A_372 : memref<16x1024xf32, #tpu.memory_space<hbm>>)
      } else {
      }
      %add3A_152 = arith.constant 2 : i32
      %add3A_153 = arith.addi %scan3A_87, %add3A_152 : i32
      %lt3A_154 = arith.constant 64 : i32
      %lt3A_155 = arith.cmpi slt, %add3A_153, %lt3A_154 : i32
      %convert_element_type3A_156 = arith.extui %lt3A_155 : i1 to i32
      %cond3A_157 = arith.constant 0 : i32
      %cond3A_158 = arith.cmpi ne, %convert_element_type3A_156, %cond3A_157 : i32
      scf.if %cond3A_158 {
        %add3A_298 = arith.constant 2 : i32
        %add3A_299 = arith.addi %scan3A_87, %add3A_298 : i32
        %add3A_300 = arith.constant 2 : i32
        %add3A_301 = arith.addi %scan3A_87, %add3A_300 : i32
        %jit3A_302 = arith.constant 3 : i32
        %eq3A_303 = arith.constant 0 : i32
        %eq3A_304 = arith.cmpi eq, %jit3A_302, %eq3A_303 : i32
        %jit3A_305 = arith.constant 1 : i32
        %select_n3A_306 = arith.select %eq3A_304, %jit3A_305, %jit3A_302 : i32
        %rem3A_307 = arith.remsi %add3A_301, %select_n3A_306 : i32
        %ne3A_308 = arith.constant 0 : i32
        %ne3A_309 = arith.cmpi ne, %rem3A_307, %ne3A_308 : i32
        %lt3A_310 = arith.constant 0 : i32
        %lt3A_311 = arith.cmpi slt, %rem3A_307, %lt3A_310 : i32
        %lt3A_312 = arith.constant 0 : i32
        %lt3A_313 = arith.cmpi slt, %select_n3A_306, %lt3A_312 : i32
        %ne3A_314 = arith.xori %lt3A_311, %lt3A_313 : i1
        %and3A_315 = arith.andi %ne3A_314, %ne3A_309 : i1
        %add3A_316 = arith.addi %rem3A_307, %select_n3A_306 : i32
        %select_n3A_317 = arith.select %and3A_315, %add3A_316, %rem3A_307 : i32
        %jit3A_318 = arith.constant 4 : i32
        %div3A_319 = arith.divsi %add3A_299, %jit3A_318 : i32
        %sign3A_320 = arith.constant 0 : i32
        %sign3A_321 = arith.cmpi sgt, %add3A_299, %sign3A_320 : i32
        %sign3A_322 = arith.extui %sign3A_321 : i1 to i32
        %sign3A_323 = arith.constant 0 : i32
        %sign3A_324 = arith.cmpi slt, %add3A_299, %sign3A_323 : i32
        %sign3A_325 = arith.extui %sign3A_324 : i1 to i32
        %sign3A_326 = arith.subi %sign3A_322, %sign3A_325 : i32
        %sign3A_327 = arith.constant 0 : i32
        %sign3A_328 = arith.cmpi sgt, %jit3A_318, %sign3A_327 : i32
        %sign3A_329 = arith.extui %sign3A_328 : i1 to i32
        %sign3A_330 = arith.constant 0 : i32
        %sign3A_331 = arith.cmpi slt, %jit3A_318, %sign3A_330 : i32
        %sign3A_332 = arith.extui %sign3A_331 : i1 to i32
        %sign3A_333 = arith.subi %sign3A_329, %sign3A_332 : i32
        %ne3A_334 = arith.cmpi ne, %sign3A_326, %sign3A_333 : i32
        %rem3A_335 = arith.remsi %add3A_299, %jit3A_318 : i32
        %ne3A_336 = arith.constant 0 : i32
        %ne3A_337 = arith.cmpi ne, %rem3A_335, %ne3A_336 : i32
        %and3A_338 = arith.andi %ne3A_334, %ne3A_337 : i1
        %sub3A_339 = arith.constant 1 : i32
        %sub3A_340 = arith.subi %div3A_319, %sub3A_339 : i32
        %select_n3A_341 = arith.select %and3A_338, %sub3A_340, %div3A_319 : i32
        %jit3A_342 = arith.constant 4 : i32
        %eq3A_343 = arith.constant 0 : i32
        %eq3A_344 = arith.cmpi eq, %jit3A_342, %eq3A_343 : i32
        %jit3A_345 = arith.constant 1 : i32
        %select_n3A_346 = arith.select %eq3A_344, %jit3A_345, %jit3A_342 : i32
        %rem3A_347 = arith.remsi %add3A_299, %select_n3A_346 : i32
        %ne3A_348 = arith.constant 0 : i32
        %ne3A_349 = arith.cmpi ne, %rem3A_347, %ne3A_348 : i32
        %lt3A_350 = arith.constant 0 : i32
        %lt3A_351 = arith.cmpi slt, %rem3A_347, %lt3A_350 : i32
        %lt3A_352 = arith.constant 0 : i32
        %lt3A_353 = arith.cmpi slt, %select_n3A_346, %lt3A_352 : i32
        %ne3A_354 = arith.xori %lt3A_351, %lt3A_353 : i1
        %and3A_355 = arith.andi %ne3A_354, %ne3A_349 : i1
        %add3A_356 = arith.addi %rem3A_347, %select_n3A_346 : i32
        %select_n3A_357 = arith.select %and3A_355, %add3A_356, %rem3A_347 : i32
        %mul3A_358 = arith.constant 16 : i32
        %mul3A_359 = arith.muli %select_n3A_341, %mul3A_358 : i32
        %add3A_360 = arith.addi %mul3A_2, %mul3A_359 : i32
        %dma_start3A_361 = arith.constant 0 : i32
        %dma_start3A_362 = arith.constant 0 : i32
        %dma_start3A_363 = tpu.memref_slice %arg5[%select_n3A_317, %dma_start3A_361, %dma_start3A_362] : memref<3x16x1024xf32, #tpu.memory_space<vmem>> -> memref<1x16x1024xf32, #tpu.memory_space<vmem>>
        %dma_start3A_364 = tpu.memref_squeeze %dma_start3A_363 : memref<1x16x1024xf32, #tpu.memory_space<vmem>> -> memref<16x1024xf32, #tpu.memory_space<vmem>>
        %dma_start3A_365 = arith.constant 0 : i32
        %dma_start3A_366 = tpu.memref_slice %arg2[%select_n3A_357, %add3A_360, %dma_start3A_365] : memref<4x8192x1024xf32, #tpu.memory_space<hbm>> -> memref<1x16x1024xf32, #tpu.memory_space<hbm>>
        %dma_start3A_367 = tpu.memref_squeeze %dma_start3A_366 : memref<1x16x1024xf32, #tpu.memory_space<hbm>> -> memref<16x1024xf32, #tpu.memory_space<hbm>>
        %dma_start3A_368 = tpu.memref_slice %arg7[%select_n3A_317] : memref<3x!tpu.dma_semaphore, #tpu.memory_space<semaphore_mem>> -> memref<1x!tpu.dma_semaphore, #tpu.memory_space<semaphore_mem>>
        %dma_start3A_369 = tpu.memref_squeeze %dma_start3A_368 : memref<1x!tpu.dma_semaphore, #tpu.memory_space<semaphore_mem>> -> memref<!tpu.dma_semaphore, #tpu.memory_space<semaphore_mem>>
        %dma_start3A_370 = arith.constant 0 : i32
        %dma_start3A_371 = arith.constant 0 : i32
        %dma_start3A_372 = tpu.memref_slice %arg5[%select_n3A_317, %dma_start3A_370, %dma_start3A_371] : memref<3x16x1024xf32, #tpu.memory_space<vmem>> -> memref<1x16x1024xf32, #tpu.memory_space<vmem>>
        %dma_start3A_373 = tpu.memref_squeeze %dma_start3A_372 : memref<1x16x1024xf32, #tpu.memory_space<vmem>> -> memref<16x1024xf32, #tpu.memory_space<vmem>>
        %dma_start3A_374 = arith.constant 0 : i32
        %dma_start3A_375 = tpu.memref_slice %arg2[%select_n3A_357, %add3A_360, %dma_start3A_374] : memref<4x8192x1024xf32, #tpu.memory_space<hbm>> -> memref<1x16x1024xf32, #tpu.memory_space<hbm>>
        %dma_start3A_376 = tpu.memref_squeeze %dma_start3A_375 : memref<1x16x1024xf32, #tpu.memory_space<hbm>> -> memref<16x1024xf32, #tpu.memory_space<hbm>>
        tpu.enqueue_dma source(%dma_start3A_376 : memref<16x1024xf32, #tpu.memory_space<hbm>>) target(%dma_start3A_373 : memref<16x1024xf32, #tpu.memory_space<vmem>>) target_semaphore(%dma_start3A_369 : memref<!tpu.dma_semaphore, #tpu.memory_space<semaphore_mem>>)
      } else {
      }
      %eq3A_159 = arith.constant 0 : i32
      %eq3A_160 = arith.cmpi eq, %select_n3A_133, %eq3A_159 : i32
      %add3A_161 = arith.constant 1 : i32
      %add3A_162 = arith.addi %select_n3A_117, %add3A_161 : i32
      %lt3A_163 = arith.constant 16 : i32
      %lt3A_164 = arith.cmpi slt, %add3A_162, %lt3A_163 : i32
      %and3A_165 = arith.andi %eq3A_160, %lt3A_164 : i1
      %convert_element_type3A_166 = arith.extui %and3A_165 : i1 to i32
      %cond3A_167 = arith.constant 0 : i32
      %cond3A_168 = arith.cmpi ne, %convert_element_type3A_166, %cond3A_167 : i32
      scf.if %cond3A_168 {
        %add3A_298 = arith.constant 1 : i32
        %add3A_299 = arith.addi %select_n3A_117, %add3A_298 : i32
        %add3A_300 = arith.constant 1 : i32
        %add3A_301 = arith.addi %select_n3A_117, %add3A_300 : i32
        %jit3A_302 = arith.constant 2 : i32
        %eq3A_303 = arith.constant 0 : i32
        %eq3A_304 = arith.cmpi eq, %jit3A_302, %eq3A_303 : i32
        %jit3A_305 = arith.constant 1 : i32
        %select_n3A_306 = arith.select %eq3A_304, %jit3A_305, %jit3A_302 : i32
        %rem3A_307 = arith.remsi %add3A_301, %select_n3A_306 : i32
        %ne3A_308 = arith.constant 0 : i32
        %ne3A_309 = arith.cmpi ne, %rem3A_307, %ne3A_308 : i32
        %lt3A_310 = arith.constant 0 : i32
        %lt3A_311 = arith.cmpi slt, %rem3A_307, %lt3A_310 : i32
        %lt3A_312 = arith.constant 0 : i32
        %lt3A_313 = arith.cmpi slt, %select_n3A_306, %lt3A_312 : i32
        %ne3A_314 = arith.xori %lt3A_311, %lt3A_313 : i1
        %and3A_315 = arith.andi %ne3A_314, %ne3A_309 : i1
        %add3A_316 = arith.addi %rem3A_307, %select_n3A_306 : i32
        %select_n3A_317 = arith.select %and3A_315, %add3A_316, %rem3A_307 : i32
        %mul3A_318 = arith.constant 16 : i32
        %mul3A_319 = arith.muli %add3A_299, %mul3A_318 : i32
        %add3A_320 = arith.addi %mul3A_2, %mul3A_319 : i32
        %dma_start3A_321 = arith.constant 0 : i32
        %dma_start3A_322 = arith.constant 0 : i32
        %dma_start3A_323 = tpu.memref_slice %arg6[%select_n3A_317, %dma_start3A_321, %dma_start3A_322] : memref<2x16x1024xf32, #tpu.memory_space<vmem>> -> memref<1x16x1024xf32, #tpu.memory_space<vmem>>
        %dma_start3A_324 = tpu.memref_squeeze %dma_start3A_323 : memref<1x16x1024xf32, #tpu.memory_space<vmem>> -> memref<16x1024xf32, #tpu.memory_space<vmem>>
        %dma_start3A_325 = arith.constant 0 : i32
        %dma_start3A_326 = tpu.memref_slice %arg3[%add3A_320, %dma_start3A_325] : memref<8192x1024xf32, #tpu.memory_space<hbm>> -> memref<16x1024xf32, #tpu.memory_space<hbm>>
        %dma_start3A_327 = tpu.memref_slice %arg9[%select_n3A_317] : memref<2x!tpu.dma_semaphore, #tpu.memory_space<semaphore_mem>> -> memref<1x!tpu.dma_semaphore, #tpu.memory_space<semaphore_mem>>
        %dma_start3A_328 = tpu.memref_squeeze %dma_start3A_327 : memref<1x!tpu.dma_semaphore, #tpu.memory_space<semaphore_mem>> -> memref<!tpu.dma_semaphore, #tpu.memory_space<semaphore_mem>>
        %dma_start3A_329 = arith.constant 0 : i32
        %dma_start3A_330 = arith.constant 0 : i32
        %dma_start3A_331 = tpu.memref_slice %arg6[%select_n3A_317, %dma_start3A_329, %dma_start3A_330] : memref<2x16x1024xf32, #tpu.memory_space<vmem>> -> memref<1x16x1024xf32, #tpu.memory_space<vmem>>
        %dma_start3A_332 = tpu.memref_squeeze %dma_start3A_331 : memref<1x16x1024xf32, #tpu.memory_space<vmem>> -> memref<16x1024xf32, #tpu.memory_space<vmem>>
        %dma_start3A_333 = arith.constant 0 : i32
        %dma_start3A_334 = tpu.memref_slice %arg3[%add3A_320, %dma_start3A_333] : memref<8192x1024xf32, #tpu.memory_space<hbm>> -> memref<16x1024xf32, #tpu.memory_space<hbm>>
        tpu.enqueue_dma source(%dma_start3A_334 : memref<16x1024xf32, #tpu.memory_space<hbm>>) target(%dma_start3A_332 : memref<16x1024xf32, #tpu.memory_space<vmem>>) target_semaphore(%dma_start3A_328 : memref<!tpu.dma_semaphore, #tpu.memory_space<semaphore_mem>>)
      } else {
      }
      %jit3A_169 = arith.constant 4 : i32
      %div3A_170 = arith.divsi %scan3A_87, %jit3A_169 : i32
      %sign3A_171 = arith.constant 0 : i32
      %sign3A_172 = arith.cmpi sgt, %scan3A_87, %sign3A_171 : i32
      %sign3A_173 = arith.extui %sign3A_172 : i1 to i32
      %sign3A_174 = arith.constant 0 : i32
      %sign3A_175 = arith.cmpi slt, %scan3A_87, %sign3A_174 : i32
      %sign3A_176 = arith.extui %sign3A_175 : i1 to i32
      %sign3A_177 = arith.subi %sign3A_173, %sign3A_176 : i32
      %sign3A_178 = arith.constant 0 : i32
      %sign3A_179 = arith.cmpi sgt, %jit3A_169, %sign3A_178 : i32
      %sign3A_180 = arith.extui %sign3A_179 : i1 to i32
      %sign3A_181 = arith.constant 0 : i32
      %sign3A_182 = arith.cmpi slt, %jit3A_169, %sign3A_181 : i32
      %sign3A_183 = arith.extui %sign3A_182 : i1 to i32
      %sign3A_184 = arith.subi %sign3A_180, %sign3A_183 : i32
      %ne3A_185 = arith.cmpi ne, %sign3A_177, %sign3A_184 : i32
      %rem3A_186 = arith.remsi %scan3A_87, %jit3A_169 : i32
      %ne3A_187 = arith.constant 0 : i32
      %ne3A_188 = arith.cmpi ne, %rem3A_186, %ne3A_187 : i32
      %and3A_189 = arith.andi %ne3A_185, %ne3A_188 : i1
      %sub3A_190 = arith.constant 1 : i32
      %sub3A_191 = arith.subi %div3A_170, %sub3A_190 : i32
      %select_n3A_192 = arith.select %and3A_189, %sub3A_191, %div3A_170 : i32
      %jit3A_193 = arith.constant 4 : i32
      %eq3A_194 = arith.constant 0 : i32
      %eq3A_195 = arith.cmpi eq, %jit3A_193, %eq3A_194 : i32
      %jit3A_196 = arith.constant 1 : i32
      %select_n3A_197 = arith.select %eq3A_195, %jit3A_196, %jit3A_193 : i32
      %rem3A_198 = arith.remsi %scan3A_87, %select_n3A_197 : i32
      %ne3A_199 = arith.constant 0 : i32
      %ne3A_200 = arith.cmpi ne, %rem3A_198, %ne3A_199 : i32
      %lt3A_201 = arith.constant 0 : i32
      %lt3A_202 = arith.cmpi slt, %rem3A_198, %lt3A_201 : i32
      %lt3A_203 = arith.constant 0 : i32
      %lt3A_204 = arith.cmpi slt, %select_n3A_197, %lt3A_203 : i32
      %ne3A_205 = arith.xori %lt3A_202, %lt3A_204 : i1
      %and3A_206 = arith.andi %ne3A_205, %ne3A_200 : i1
      %add3A_207 = arith.addi %rem3A_198, %select_n3A_197 : i32
      %select_n3A_208 = arith.select %and3A_206, %add3A_207, %rem3A_198 : i32
      %mul3A_209 = arith.constant 16 : i32
      %mul3A_210 = arith.muli %select_n3A_192, %mul3A_209 : i32
      %add3A_211 = arith.addi %mul3A_2, %mul3A_210 : i32
      %dma_wait3A_212 = arith.constant 0 : i32
      %dma_wait3A_213 = arith.constant 0 : i32
      %dma_wait3A_214 = tpu.memref_slice %arg5[%select_n3A_96, %dma_wait3A_212, %dma_wait3A_213] : memref<3x16x1024xf32, #tpu.memory_space<vmem>> -> memref<1x16x1024xf32, #tpu.memory_space<vmem>>
      %dma_wait3A_215 = tpu.memref_squeeze %dma_wait3A_214 : memref<1x16x1024xf32, #tpu.memory_space<vmem>> -> memref<16x1024xf32, #tpu.memory_space<vmem>>
      %dma_wait3A_216 = arith.constant 0 : i32
      %dma_wait3A_217 = tpu.memref_slice %arg2[%select_n3A_208, %add3A_211, %dma_wait3A_216] : memref<4x8192x1024xf32, #tpu.memory_space<hbm>> -> memref<1x16x1024xf32, #tpu.memory_space<hbm>>
      %dma_wait3A_218 = tpu.memref_squeeze %dma_wait3A_217 : memref<1x16x1024xf32, #tpu.memory_space<hbm>> -> memref<16x1024xf32, #tpu.memory_space<hbm>>
      %dma_wait3A_219 = tpu.memref_slice %arg7[%select_n3A_96] : memref<3x!tpu.dma_semaphore, #tpu.memory_space<semaphore_mem>> -> memref<1x!tpu.dma_semaphore, #tpu.memory_space<semaphore_mem>>
      %dma_wait3A_220 = tpu.memref_squeeze %dma_wait3A_219 : memref<1x!tpu.dma_semaphore, #tpu.memory_space<semaphore_mem>> -> memref<!tpu.dma_semaphore, #tpu.memory_space<semaphore_mem>>
      %dma_wait3A_221 = arith.constant 0 : i32
      %dma_wait3A_222 = arith.constant 0 : i32
      %dma_wait3A_223 = tpu.memref_slice %arg5[%select_n3A_96, %dma_wait3A_221, %dma_wait3A_222] : memref<3x16x1024xf32, #tpu.memory_space<vmem>> -> memref<1x16x1024xf32, #tpu.memory_space<vmem>>
      %dma_wait3A_224 = tpu.memref_squeeze %dma_wait3A_223 : memref<1x16x1024xf32, #tpu.memory_space<vmem>> -> memref<16x1024xf32, #tpu.memory_space<vmem>>
      %dma_wait3A_225 = arith.constant 0 : i32
      %dma_wait3A_226 = tpu.memref_slice %arg2[%select_n3A_208, %add3A_211, %dma_wait3A_225] : memref<4x8192x1024xf32, #tpu.memory_space<hbm>> -> memref<1x16x1024xf32, #tpu.memory_space<hbm>>
      %dma_wait3A_227 = tpu.memref_squeeze %dma_wait3A_226 : memref<1x16x1024xf32, #tpu.memory_space<hbm>> -> memref<16x1024xf32, #tpu.memory_space<hbm>>
      tpu.wait_dma2 semaphore(%dma_wait3A_220 : memref<!tpu.dma_semaphore, #tpu.memory_space<semaphore_mem>>) src(%dma_wait3A_227 : memref<16x1024xf32, #tpu.memory_space<hbm>>) dst(%dma_wait3A_224 : memref<16x1024xf32, #tpu.memory_space<vmem>>)
      %eq3A_228 = arith.constant 0 : i32
      %eq3A_229 = arith.cmpi eq, %select_n3A_133, %eq3A_228 : i32
      %convert_element_type3A_230 = arith.extui %eq3A_229 : i1 to i32
      %cond3A_231 = arith.constant 0 : i32
      %cond3A_232 = arith.cmpi ne, %convert_element_type3A_230, %cond3A_231 : i32
      scf.if %cond3A_232 {
        %mul3A_298 = arith.constant 16 : i32
        %mul3A_299 = arith.muli %select_n3A_117, %mul3A_298 : i32
        %add3A_300 = arith.addi %mul3A_2, %mul3A_299 : i32
        %dma_wait3A_301 = arith.constant 0 : i32
        %dma_wait3A_302 = arith.constant 0 : i32
        %dma_wait3A_303 = tpu.memref_slice %arg6[%select_n3A_149, %dma_wait3A_301, %dma_wait3A_302] : memref<2x16x1024xf32, #tpu.memory_space<vmem>> -> memref<1x16x1024xf32, #tpu.memory_space<vmem>>
        %dma_wait3A_304 = tpu.memref_squeeze %dma_wait3A_303 : memref<1x16x1024xf32, #tpu.memory_space<vmem>> -> memref<16x1024xf32, #tpu.memory_space<vmem>>
        %dma_wait3A_305 = arith.constant 0 : i32
        %dma_wait3A_306 = tpu.memref_slice %arg3[%add3A_300, %dma_wait3A_305] : memref<8192x1024xf32, #tpu.memory_space<hbm>> -> memref<16x1024xf32, #tpu.memory_space<hbm>>
        %dma_wait3A_307 = tpu.memref_slice %arg9[%select_n3A_149] : memref<2x!tpu.dma_semaphore, #tpu.memory_space<semaphore_mem>> -> memref<1x!tpu.dma_semaphore, #tpu.memory_space<semaphore_mem>>
        %dma_wait3A_308 = tpu.memref_squeeze %dma_wait3A_307 : memref<1x!tpu.dma_semaphore, #tpu.memory_space<semaphore_mem>> -> memref<!tpu.dma_semaphore, #tpu.memory_space<semaphore_mem>>
        %dma_wait3A_309 = arith.constant 0 : i32
        %dma_wait3A_310 = arith.constant 0 : i32
        %dma_wait3A_311 = tpu.memref_slice %arg6[%select_n3A_149, %dma_wait3A_309, %dma_wait3A_310] : memref<2x16x1024xf32, #tpu.memory_space<vmem>> -> memref<1x16x1024xf32, #tpu.memory_space<vmem>>
        %dma_wait3A_312 = tpu.memref_squeeze %dma_wait3A_311 : memref<1x16x1024xf32, #tpu.memory_space<vmem>> -> memref<16x1024xf32, #tpu.memory_space<vmem>>
        %dma_wait3A_313 = arith.constant 0 : i32
        %dma_wait3A_314 = tpu.memref_slice %arg3[%add3A_300, %dma_wait3A_313] : memref<8192x1024xf32, #tpu.memory_space<hbm>> -> memref<16x1024xf32, #tpu.memory_space<hbm>>
        tpu.wait_dma2 semaphore(%dma_wait3A_308 : memref<!tpu.dma_semaphore, #tpu.memory_space<semaphore_mem>>) src(%dma_wait3A_314 : memref<16x1024xf32, #tpu.memory_space<hbm>>) dst(%dma_wait3A_312 : memref<16x1024xf32, #tpu.memory_space<vmem>>)
      } else {
      }
      %scan3A_233 = arith.constant 0 : i32
      %scan3A_234 = arith.constant 0 : i32
      %scan3A_235 = arith.constant 16 : i32
      %scan3A_236 = arith.addi %scan3A_234, %scan3A_235 : i32
      %scan3A_237 = arith.constant 1 : i32
      scf.for %scan3A_298 = %scan3A_234 to %scan3A_236 step %scan3A_237  : i32 {
        %get3A = arith.index_cast %select_n3A_96 : i32 to index
        %get3A_299 = arith.index_cast %scan3A_298 : i32 to index
        %get3A_300 = arith.constant 0 : index
        %get3A_301 = tpu.vector_load %arg5[%get3A, %get3A_299, %get3A_300] {strides = array<i32>} : memref<3x16x1024xf32, #tpu.memory_space<vmem>>, vector<1x1x16xf32>,
        %get3A_302 = vector.shape_cast %get3A_301 : vector<1x1x16xf32> to vector<16xf32>
        %get3A_303 = arith.index_cast %select_n3A_149 : i32 to index
        %get3A_304 = arith.index_cast %scan3A_298 : i32 to index
        %get3A_305 = arith.constant 0 : index
        %get3A_306 = tpu.vector_load %arg6[%get3A_303, %get3A_304, %get3A_305] {strides = array<i32>} : memref<2x16x1024xf32, #tpu.memory_space<vmem>>, vector<1x1x16xf32>,
        %get3A_307 = vector.shape_cast %get3A_306 : vector<1x1x16xf32> to vector<16xf32>
        %add3A_308 = arith.addf %get3A_302, %get3A_307 : vector<16xf32>
        %swap3A = arith.index_cast %select_n3A_96 : i32 to index
        %swap3A_309 = arith.index_cast %scan3A_298 : i32 to index
        %swap3A_310 = arith.constant 0 : index
        %swap3A_311 = tpu.vector_load %arg5[%swap3A, %swap3A_309, %swap3A_310] {strides = array<i32>} : memref<3x16x1024xf32, #tpu.memory_space<vmem>>, vector<1x1x16xf32>,
        %swap3A_312 = vector.shape_cast %swap3A_311 : vector<1x1x16xf32> to vector<16xf32>
        %swap3A_313 = vector.shape_cast %add3A_308 : vector<16xf32> to vector<1x1x16xf32>
        tpu.vector_store %arg5[%swap3A, %swap3A_309, %swap3A_310], %swap3A_313 {strides = array<i32>} : memref<3x16x1024xf32, #tpu.memory_space<vmem>>, vector<1x1x16xf32>,
        %get3A_314 = arith.index_cast %select_n3A_96 : i32 to index
        %get3A_315 = arith.index_cast %scan3A_298 : i32 to index
        %get3A_316 = arith.constant 16 : index
        %get3A_317 = tpu.vector_load %arg5[%get3A_314, %get3A_315, %get3A_316] {strides = array<i32>} : memref<3x16x1024xf32, #tpu.memory_space<vmem>>, vector<1x1x16xf32>,
        %get3A_318 = vector.shape_cast %get3A_317 : vector<1x1x16xf32> to vector<16xf32>
        %get3A_319 = arith.index_cast %select_n3A_149 : i32 to index
        %get3A_320 = arith.index_cast %scan3A_298 : i32 to index
        %get3A_321 = arith.constant 16 : index
        %get3A_322 = tpu.vector_load %arg6[%get3A_319, %get3A_320, %get3A_321] {strides = array<i32>} : memref<2x16x1024xf32, #tpu.memory_space<vmem>>, vector<1x1x16xf32>,
        %get3A_323 = vector.shape_cast %get3A_322 : vector<1x1x16xf32> to vector<16xf32>
        %add3A_324 = arith.addf %get3A_318, %get3A_323 : vector<16xf32>
        %swap3A_325 = arith.index_cast %select_n3A_96 : i32 to index
        %swap3A_326 = arith.index_cast %scan3A_298 : i32 to index
        %swap3A_327 = arith.constant 16 : index
        %swap3A_328 = tpu.vector_load %arg5[%swap3A_325, %swap3A_326, %swap3A_327] {strides = array<i32>} : memref<3x16x1024xf32, #tpu.memory_space<vmem>>, vector<1x1x16xf32>,
        %swap3A_329 = vector.shape_cast %swap3A_328 : vector<1x1x16xf32> to vector<16xf32>
        %swap3A_330 = vector.shape_cast %add3A_324 : vector<16xf32> to vector<1x1x16xf32>
        tpu.vector_store %arg5[%swap3A_325, %swap3A_326, %swap3A_327], %swap3A_330 {strides = array<i32>} : memref<3x16x1024xf32, #tpu.memory_space<vmem>>, vector<1x1x16xf32>,
        %get3A_331 = arith.index_cast %select_n3A_96 : i32 to index
        %get3A_332 = arith.index_cast %scan3A_298 : i32 to index
        %get3A_333 = arith.constant 32 : index
        %get3A_334 = tpu.vector_load %arg5[%get3A_331, %get3A_332, %get3A_333] {strides = array<i32>} : memref<3x16x1024xf32, #tpu.memory_space<vmem>>, vector<1x1x16xf32>,
        %get3A_335 = vector.shape_cast %get3A_334 : vector<1x1x16xf32> to vector<16xf32>
        %get3A_336 = arith.index_cast %select_n3A_149 : i32 to index
        %get3A_337 = arith.index_cast %scan3A_298 : i32 to index
        %get3A_338 = arith.constant 32 : index
        %get3A_339 = tpu.vector_load %arg6[%get3A_336, %get3A_337, %get3A_338] {strides = array<i32>} : memref<2x16x1024xf32, #tpu.memory_space<vmem>>, vector<1x1x16xf32>,
        %get3A_340 = vector.shape_cast %get3A_339 : vector<1x1x16xf32> to vector<16xf32>
        %add3A_341 = arith.addf %get3A_335, %get3A_340 : vector<16xf32>
        %swap3A_342 = arith.index_cast %select_n3A_96 : i32 to index
        %swap3A_343 = arith.index_cast %scan3A_298 : i32 to index
        %swap3A_344 = arith.constant 32 : index
        %swap3A_345 = tpu.vector_load %arg5[%swap3A_342, %swap3A_343, %swap3A_344] {strides = array<i32>} : memref<3x16x1024xf32, #tpu.memory_space<vmem>>, vector<1x1x16xf32>,
        %swap3A_346 = vector.shape_cast %swap3A_345 : vector<1x1x16xf32> to vector<16xf32>
        %swap3A_347 = vector.shape_cast %add3A_341 : vector<16xf32> to vector<1x1x16xf32>
        tpu.vector_store %arg5[%swap3A_342, %swap3A_343, %swap3A_344], %swap3A_347 {strides = array<i32>} : memref<3x16x1024xf32, #tpu.memory_space<vmem>>, vector<1x1x16xf32>,
        %get3A_348 = arith.index_cast %select_n3A_96 : i32 to index
        %get3A_349 = arith.index_cast %scan3A_298 : i32 to index
        %get3A_350 = arith.constant 48 : index
        %get3A_351 = tpu.vector_load %arg5[%get3A_348, %get3A_349, %get3A_350] {strides = array<i32>} : memref<3x16x1024xf32, #tpu.memory_space<vmem>>, vector<1x1x16xf32>,
        %get3A_352 = vector.shape_cast %get3A_351 : vector<1x1x16xf32> to vector<16xf32>
        %get3A_353 = arith.index_cast %select_n3A_149 : i32 to index
        %get3A_354 = arith.index_cast %scan3A_298 : i32 to index
        %get3A_355 = arith.constant 48 : index
        %get3A_356 = tpu.vector_load %arg6[%get3A_353, %get3A_354, %get3A_355] {strides = array<i32>} : memref<2x16x1024xf32, #tpu.memory_space<vmem>>, vector<1x1x16xf32>,
        %get3A_357 = vector.shape_cast %get3A_356 : vector<1x1x16xf32> to vector<16xf32>
        %add3A_358 = arith.addf %get3A_352, %get3A_357 : vector<16xf32>
        %swap3A_359 = arith.index_cast %select_n3A_96 : i32 to index
        %swap3A_360 = arith.index_cast %scan3A_298 : i32 to index
        %swap3A_361 = arith.constant 48 : index
        %swap3A_362 = tpu.vector_load %arg5[%swap3A_359, %swap3A_360, %swap3A_361] {strides = array<i32>} : memref<3x16x1024xf32, #tpu.memory_space<vmem>>, vector<1x1x16xf32>,
        %swap3A_363 = vector.shape_cast %swap3A_362 : vector<1x1x16xf32> to vector<16xf32>
        %swap3A_364 = vector.shape_cast %add3A_358 : vector<16xf32> to vector<1x1x16xf32>
        tpu.vector_store %arg5[%swap3A_359, %swap3A_360, %swap3A_361], %swap3A_364 {strides = array<i32>} : memref<3x16x1024xf32, #tpu.memory_space<vmem>>, vector<1x1x16xf32>,
        %get3A_365 = arith.index_cast %select_n3A_96 : i32 to index
        %get3A_366 = arith.index_cast %scan3A_298 : i32 to index
        %get3A_367 = arith.constant 64 : index
        %get3A_368 = tpu.vector_load %arg5[%get3A_365, %get3A_366, %get3A_367] {strides = array<i32>} : memref<3x16x1024xf32, #tpu.memory_space<vmem>>, vector<1x1x16xf32>,
        %get3A_369 = vector.shape_cast %get3A_368 : vector<1x1x16xf32> to vector<16xf32>
        %get3A_370 = arith.index_cast %select_n3A_149 : i32 to index
        %get3A_371 = arith.index_cast %scan3A_298 : i32 to index
        %get3A_372 = arith.constant 64 : index
        %get3A_373 = tpu.vector_load %arg6[%get3A_370, %get3A_371, %get3A_372] {strides = array<i32>} : memref<2x16x1024xf32, #tpu.memory_space<vmem>>, vector<1x1x16xf32>,
        %get3A_374 = vector.shape_cast %get3A_373 : vector<1x1x16xf32> to vector<16xf32>
        %add3A_375 = arith.addf %get3A_369, %get3A_374 : vector<16xf32>
        %swap3A_376 = arith.index_cast %select_n3A_96 : i32 to index
        %swap3A_377 = arith.index_cast %scan3A_298 : i32 to index
        %swap3A_378 = arith.constant 64 : index
        %swap3A_379 = tpu.vector_load %arg5[%swap3A_376, %swap3A_377, %swap3A_378] {strides = array<i32>} : memref<3x16x1024xf32, #tpu.memory_space<vmem>>, vector<1x1x16xf32>,
        %swap3A_380 = vector.shape_cast %swap3A_379 : vector<1x1x16xf32> to vector<16xf32>
        %swap3A_381 = vector.shape_cast %add3A_375 : vector<16xf32> to vector<1x1x16xf32>
        tpu.vector_store %arg5[%swap3A_376, %swap3A_377, %swap3A_378], %swap3A_381 {strides = array<i32>} : memref<3x16x1024xf32, #tpu.memory_space<vmem>>, vector<1x1x16xf32>,
        %get3A_382 = arith.index_cast %select_n3A_96 : i32 to index
        %get3A_383 = arith.index_cast %scan3A_298 : i32 to index
        %get3A_384 = arith.constant 80 : index
        %get3A_385 = tpu.vector_load %arg5[%get3A_382, %get3A_383, %get3A_384] {strides = array<i32>} : memref<3x16x1024xf32, #tpu.memory_space<vmem>>, vector<1x1x16xf32>,
        %get3A_386 = vector.shape_cast %get3A_385 : vector<1x1x16xf32> to vector<16xf32>
        %get3A_387 = arith.index_cast %select_n3A_149 : i32 to index
        %get3A_388 = arith.index_cast %scan3A_298 : i32 to index
        %get3A_389 = arith.constant 80 : index
        %get3A_390 = tpu.vector_load %arg6[%get3A_387, %get3A_388, %get3A_389] {strides = array<i32>} : memref<2x16x1024xf32, #tpu.memory_space<vmem>>, vector<1x1x16xf32>,
        %get3A_391 = vector.shape_cast %get3A_390 : vector<1x1x16xf32> to vector<16xf32>
        %add3A_392 = arith.addf %get3A_386, %get3A_391 : vector<16xf32>
        %swap3A_393 = arith.index_cast %select_n3A_96 : i32 to index
        %swap3A_394 = arith.index_cast %scan3A_298 : i32 to index
        %swap3A_395 = arith.constant 80 : index
        %swap3A_396 = tpu.vector_load %arg5[%swap3A_393, %swap3A_394, %swap3A_395] {strides = array<i32>} : memref<3x16x1024xf32, #tpu.memory_space<vmem>>, vector<1x1x16xf32>,
        %swap3A_397 = vector.shape_cast %swap3A_396 : vector<1x1x16xf32> to vector<16xf32>
        %swap3A_398 = vector.shape_cast %add3A_392 : vector<16xf32> to vector<1x1x16xf32>
        tpu.vector_store %arg5[%swap3A_393, %swap3A_394, %swap3A_395], %swap3A_398 {strides = array<i32>} : memref<3x16x1024xf32, #tpu.memory_space<vmem>>, vector<1x1x16xf32>,
        %get3A_399 = arith.index_cast %select_n3A_96 : i32 to index
        %get3A_400 = arith.index_cast %scan3A_298 : i32 to index
        %get3A_401 = arith.constant 96 : index
        %get3A_402 = tpu.vector_load %arg5[%get3A_399, %get3A_400, %get3A_401] {strides = array<i32>} : memref<3x16x1024xf32, #tpu.memory_space<vmem>>, vector<1x1x16xf32>,
        %get3A_403 = vector.shape_cast %get3A_402 : vector<1x1x16xf32> to vector<16xf32>
        %get3A_404 = arith.index_cast %select_n3A_149 : i32 to index
        %get3A_405 = arith.index_cast %scan3A_298 : i32 to index
        %get3A_406 = arith.constant 96 : index
        %get3A_407 = tpu.vector_load %arg6[%get3A_404, %get3A_405, %get3A_406] {strides = array<i32>} : memref<2x16x1024xf32, #tpu.memory_space<vmem>>, vector<1x1x16xf32>,
        %get3A_408 = vector.shape_cast %get3A_407 : vector<1x1x16xf32> to vector<16xf32>
        %add3A_409 = arith.addf %get3A_403, %get3A_408 : vector<16xf32>
        %swap3A_410 = arith.index_cast %select_n3A_96 : i32 to index
        %swap3A_411 = arith.index_cast %scan3A_298 : i32 to index
        %swap3A_412 = arith.constant 96 : index
        %swap3A_413 = tpu.vector_load %arg5[%swap3A_410, %swap3A_411, %swap3A_412] {strides = array<i32>} : memref<3x16x1024xf32, #tpu.memory_space<vmem>>, vector<1x1x16xf32>,
        %swap3A_414 = vector.shape_cast %swap3A_413 : vector<1x1x16xf32> to vector<16xf32>
        %swap3A_415 = vector.shape_cast %add3A_409 : vector<16xf32> to vector<1x1x16xf32>
        tpu.vector_store %arg5[%swap3A_410, %swap3A_411, %swap3A_412], %swap3A_415 {strides = array<i32>} : memref<3x16x1024xf32, #tpu.memory_space<vmem>>, vector<1x1x16xf32>,
        %get3A_416 = arith.index_cast %select_n3A_96 : i32 to index
        %get3A_417 = arith.index_cast %scan3A_298 : i32 to index
        %get3A_418 = arith.constant 112 : index
        %get3A_419 = tpu.vector_load %arg5[%get3A_416, %get3A_417, %get3A_418] {strides = array<i32>} : memref<3x16x1024xf32, #tpu.memory_space<vmem>>, vector<1x1x16xf32>,
        %get3A_420 = vector.shape_cast %get3A_419 : vector<1x1x16xf32> to vector<16xf32>
        %get3A_421 = arith.index_cast %select_n3A_149 : i32 to index
        %get3A_422 = arith.index_cast %scan3A_298 : i32 to index
        %get3A_423 = arith.constant 112 : index
        %get3A_424 = tpu.vector_load %arg6[%get3A_421, %get3A_422, %get3A_423] {strides = array<i32>} : memref<2x16x1024xf32, #tpu.memory_space<vmem>>, vector<1x1x16xf32>,
        %get3A_425 = vector.shape_cast %get3A_424 : vector<1x1x16xf32> to vector<16xf32>
        %add3A_426 = arith.addf %get3A_420, %get3A_425 : vector<16xf32>
        %swap3A_427 = arith.index_cast %select_n3A_96 : i32 to index
        %swap3A_428 = arith.index_cast %scan3A_298 : i32 to index
        %swap3A_429 = arith.constant 112 : index
        %swap3A_430 = tpu.vector_load %arg5[%swap3A_427, %swap3A_428, %swap3A_429] {strides = array<i32>} : memref<3x16x1024xf32, #tpu.memory_space<vmem>>, vector<1x1x16xf32>,
        %swap3A_431 = vector.shape_cast %swap3A_430 : vector<1x1x16xf32> to vector<16xf32>
        %swap3A_432 = vector.shape_cast %add3A_426 : vector<16xf32> to vector<1x1x16xf32>
        tpu.vector_store %arg5[%swap3A_427, %swap3A_428, %swap3A_429], %swap3A_432 {strides = array<i32>} : memref<3x16x1024xf32, #tpu.memory_space<vmem>>, vector<1x1x16xf32>,
        %get3A_433 = arith.index_cast %select_n3A_96 : i32 to index
        %get3A_434 = arith.index_cast %scan3A_298 : i32 to index
        %get3A_435 = arith.constant 128 : index
        %get3A_436 = tpu.vector_load %arg5[%get3A_433, %get3A_434, %get3A_435] {strides = array<i32>} : memref<3x16x1024xf32, #tpu.memory_space<vmem>>, vector<1x1x16xf32>,
        %get3A_437 = vector.shape_cast %get3A_436 : vector<1x1x16xf32> to vector<16xf32>
        %get3A_438 = arith.index_cast %select_n3A_149 : i32 to index
        %get3A_439 = arith.index_cast %scan3A_298 : i32 to index
        %get3A_440 = arith.constant 128 : index
        %get3A_441 = tpu.vector_load %arg6[%get3A_438, %get3A_439, %get3A_440] {strides = array<i32>} : memref<2x16x1024xf32, #tpu.memory_space<vmem>>, vector<1x1x16xf32>,
        %get3A_442 = vector.shape_cast %get3A_441 : vector<1x1x16xf32> to vector<16xf32>
        %add3A_443 = arith.addf %get3A_437, %get3A_442 : vector<16xf32>
        %swap3A_444 = arith.index_cast %select_n3A_96 : i32 to index
        %swap3A_445 = arith.index_cast %scan3A_298 : i32 to index
        %swap3A_446 = arith.constant 128 : index
        %swap3A_447 = tpu.vector_load %arg5[%swap3A_444, %swap3A_445, %swap3A_446] {strides = array<i32>} : memref<3x16x1024xf32, #tpu.memory_space<vmem>>, vector<1x1x16xf32>,
        %swap3A_448 = vector.shape_cast %swap3A_447 : vector<1x1x16xf32> to vector<16xf32>
        %swap3A_449 = vector.shape_cast %add3A_443 : vector<16xf32> to vector<1x1x16xf32>
        tpu.vector_store %arg5[%swap3A_444, %swap3A_445, %swap3A_446], %swap3A_449 {strides = array<i32>} : memref<3x16x1024xf32, #tpu.memory_space<vmem>>, vector<1x1x16xf32>,
        %get3A_450 = arith.index_cast %select_n3A_96 : i32 to index
        %get3A_451 = arith.index_cast %scan3A_298 : i32 to index
        %get3A_452 = arith.constant 144 : index
        %get3A_453 = tpu.vector_load %arg5[%get3A_450, %get3A_451, %get3A_452] {strides = array<i32>} : memref<3x16x1024xf32, #tpu.memory_space<vmem>>, vector<1x1x16xf32>,
        %get3A_454 = vector.shape_cast %get3A_453 : vector<1x1x16xf32> to vector<16xf32>
        %get3A_455 = arith.index_cast %select_n3A_149 : i32 to index
        %get3A_456 = arith.index_cast %scan3A_298 : i32 to index
        %get3A_457 = arith.constant 144 : index
        %get3A_458 = tpu.vector_load %arg6[%get3A_455, %get3A_456, %get3A_457] {strides = array<i32>} : memref<2x16x1024xf32, #tpu.memory_space<vmem>>, vector<1x1x16xf32>,
        %get3A_459 = vector.shape_cast %get3A_458 : vector<1x1x16xf32> to vector<16xf32>
        %add3A_460 = arith.addf %get3A_454, %get3A_459 : vector<16xf32>
        %swap3A_461 = arith.index_cast %select_n3A_96 : i32 to index
        %swap3A_462 = arith.index_cast %scan3A_298 : i32 to index
        %swap3A_463 = arith.constant 144 : index
        %swap3A_464 = tpu.vector_load %arg5[%swap3A_461, %swap3A_462, %swap3A_463] {strides = array<i32>} : memref<3x16x1024xf32, #tpu.memory_space<vmem>>, vector<1x1x16xf32>,
        %swap3A_465 = vector.shape_cast %swap3A_464 : vector<1x1x16xf32> to vector<16xf32>
        %swap3A_466 = vector.shape_cast %add3A_460 : vector<16xf32> to vector<1x1x16xf32>
        tpu.vector_store %arg5[%swap3A_461, %swap3A_462, %swap3A_463], %swap3A_466 {strides = array<i32>} : memref<3x16x1024xf32, #tpu.memory_space<vmem>>, vector<1x1x16xf32>,
        %get3A_467 = arith.index_cast %select_n3A_96 : i32 to index
        %get3A_468 = arith.index_cast %scan3A_298 : i32 to index
        %get3A_469 = arith.constant 160 : index
        %get3A_470 = tpu.vector_load %arg5[%get3A_467, %get3A_468, %get3A_469] {strides = array<i32>} : memref<3x16x1024xf32, #tpu.memory_space<vmem>>, vector<1x1x16xf32>,
        %get3A_471 = vector.shape_cast %get3A_470 : vector<1x1x16xf32> to vector<16xf32>
        %get3A_472 = arith.index_cast %select_n3A_149 : i32 to index
        %get3A_473 = arith.index_cast %scan3A_298 : i32 to index
        %get3A_474 = arith.constant 160 : index
        %get3A_475 = tpu.vector_load %arg6[%get3A_472, %get3A_473, %get3A_474] {strides = array<i32>} : memref<2x16x1024xf32, #tpu.memory_space<vmem>>, vector<1x1x16xf32>,
        %get3A_476 = vector.shape_cast %get3A_475 : vector<1x1x16xf32> to vector<16xf32>
        %add3A_477 = arith.addf %get3A_471, %get3A_476 : vector<16xf32>
        %swap3A_478 = arith.index_cast %select_n3A_96 : i32 to index
        %swap3A_479 = arith.index_cast %scan3A_298 : i32 to index
        %swap3A_480 = arith.constant 160 : index
        %swap3A_481 = tpu.vector_load %arg5[%swap3A_478, %swap3A_479, %swap3A_480] {strides = array<i32>} : memref<3x16x1024xf32, #tpu.memory_space<vmem>>, vector<1x1x16xf32>,
        %swap3A_482 = vector.shape_cast %swap3A_481 : vector<1x1x16xf32> to vector<16xf32>
        %swap3A_483 = vector.shape_cast %add3A_477 : vector<16xf32> to vector<1x1x16xf32>
        tpu.vector_store %arg5[%swap3A_478, %swap3A_479, %swap3A_480], %swap3A_483 {strides = array<i32>} : memref<3x16x1024xf32, #tpu.memory_space<vmem>>, vector<1x1x16xf32>,
        %get3A_484 = arith.index_cast %select_n3A_96 : i32 to index
        %get3A_485 = arith.index_cast %scan3A_298 : i32 to index
        %get3A_486 = arith.constant 176 : index
        %get3A_487 = tpu.vector_load %arg5[%get3A_484, %get3A_485, %get3A_486] {strides = array<i32>} : memref<3x16x1024xf32, #tpu.memory_space<vmem>>, vector<1x1x16xf32>,
        %get3A_488 = vector.shape_cast %get3A_487 : vector<1x1x16xf32> to vector<16xf32>
        %get3A_489 = arith.index_cast %select_n3A_149 : i32 to index
        %get3A_490 = arith.index_cast %scan3A_298 : i32 to index
        %get3A_491 = arith.constant 176 : index
        %get3A_492 = tpu.vector_load %arg6[%get3A_489, %get3A_490, %get3A_491] {strides = array<i32>} : memref<2x16x1024xf32, #tpu.memory_space<vmem>>, vector<1x1x16xf32>,
        %get3A_493 = vector.shape_cast %get3A_492 : vector<1x1x16xf32> to vector<16xf32>
        %add3A_494 = arith.addf %get3A_488, %get3A_493 : vector<16xf32>
        %swap3A_495 = arith.index_cast %select_n3A_96 : i32 to index
        %swap3A_496 = arith.index_cast %scan3A_298 : i32 to index
        %swap3A_497 = arith.constant 176 : index
        %swap3A_498 = tpu.vector_load %arg5[%swap3A_495, %swap3A_496, %swap3A_497] {strides = array<i32>} : memref<3x16x1024xf32, #tpu.memory_space<vmem>>, vector<1x1x16xf32>,
        %swap3A_499 = vector.shape_cast %swap3A_498 : vector<1x1x16xf32> to vector<16xf32>
        %swap3A_500 = vector.shape_cast %add3A_494 : vector<16xf32> to vector<1x1x16xf32>
        tpu.vector_store %arg5[%swap3A_495, %swap3A_496, %swap3A_497], %swap3A_500 {strides = array<i32>} : memref<3x16x1024xf32, #tpu.memory_space<vmem>>, vector<1x1x16xf32>,
        %get3A_501 = arith.index_cast %select_n3A_96 : i32 to index
        %get3A_502 = arith.index_cast %scan3A_298 : i32 to index
        %get3A_503 = arith.constant 192 : index
        %get3A_504 = tpu.vector_load %arg5[%get3A_501, %get3A_502, %get3A_503] {strides = array<i32>} : memref<3x16x1024xf32, #tpu.memory_space<vmem>>, vector<1x1x16xf32>,
        %get3A_505 = vector.shape_cast %get3A_504 : vector<1x1x16xf32> to vector<16xf32>
        %get3A_506 = arith.index_cast %select_n3A_149 : i32 to index
        %get3A_507 = arith.index_cast %scan3A_298 : i32 to index
        %get3A_508 = arith.constant 192 : index
        %get3A_509 = tpu.vector_load %arg6[%get3A_506, %get3A_507, %get3A_508] {strides = array<i32>} : memref<2x16x1024xf32, #tpu.memory_space<vmem>>, vector<1x1x16xf32>,
        %get3A_510 = vector.shape_cast %get3A_509 : vector<1x1x16xf32> to vector<16xf32>
        %add3A_511 = arith.addf %get3A_505, %get3A_510 : vector<16xf32>
        %swap3A_512 = arith.index_cast %select_n3A_96 : i32 to index
        %swap3A_513 = arith.index_cast %scan3A_298 : i32 to index
        %swap3A_514 = arith.constant 192 : index
        %swap3A_515 = tpu.vector_load %arg5[%swap3A_512, %swap3A_513, %swap3A_514] {strides = array<i32>} : memref<3x16x1024xf32, #tpu.memory_space<vmem>>, vector<1x1x16xf32>,
        %swap3A_516 = vector.shape_cast %swap3A_515 : vector<1x1x16xf32> to vector<16xf32>
        %swap3A_517 = vector.shape_cast %add3A_511 : vector<16xf32> to vector<1x1x16xf32>
        tpu.vector_store %arg5[%swap3A_512, %swap3A_513, %swap3A_514], %swap3A_517 {strides = array<i32>} : memref<3x16x1024xf32, #tpu.memory_space<vmem>>, vector<1x1x16xf32>,
        %get3A_518 = arith.index_cast %select_n3A_96 : i32 to index
        %get3A_519 = arith.index_cast %scan3A_298 : i32 to index
        %get3A_520 = arith.constant 208 : index
        %get3A_521 = tpu.vector_load %arg5[%get3A_518, %get3A_519, %get3A_520] {strides = array<i32>} : memref<3x16x1024xf32, #tpu.memory_space<vmem>>, vector<1x1x16xf32>,
        %get3A_522 = vector.shape_cast %get3A_521 : vector<1x1x16xf32> to vector<16xf32>
        %get3A_523 = arith.index_cast %select_n3A_149 : i32 to index
        %get3A_524 = arith.index_cast %scan3A_298 : i32 to index
        %get3A_525 = arith.constant 208 : index
        %get3A_526 = tpu.vector_load %arg6[%get3A_523, %get3A_524, %get3A_525] {strides = array<i32>} : memref<2x16x1024xf32, #tpu.memory_space<vmem>>, vector<1x1x16xf32>,
        %get3A_527 = vector.shape_cast %get3A_526 : vector<1x1x16xf32> to vector<16xf32>
        %add3A_528 = arith.addf %get3A_522, %get3A_527 : vector<16xf32>
        %swap3A_529 = arith.index_cast %select_n3A_96 : i32 to index
        %swap3A_530 = arith.index_cast %scan3A_298 : i32 to index
        %swap3A_531 = arith.constant 208 : index
        %swap3A_532 = tpu.vector_load %arg5[%swap3A_529, %swap3A_530, %swap3A_531] {strides = array<i32>} : memref<3x16x1024xf32, #tpu.memory_space<vmem>>, vector<1x1x16xf32>,
        %swap3A_533 = vector.shape_cast %swap3A_532 : vector<1x1x16xf32> to vector<16xf32>
        %swap3A_534 = vector.shape_cast %add3A_528 : vector<16xf32> to vector<1x1x16xf32>
        tpu.vector_store %arg5[%swap3A_529, %swap3A_530, %swap3A_531], %swap3A_534 {strides = array<i32>} : memref<3x16x1024xf32, #tpu.memory_space<vmem>>, vector<1x1x16xf32>,
        %get3A_535 = arith.index_cast %select_n3A_96 : i32 to index
        %get3A_536 = arith.index_cast %scan3A_298 : i32 to index
        %get3A_537 = arith.constant 224 : index
        %get3A_538 = tpu.vector_load %arg5[%get3A_535, %get3A_536, %get3A_537] {strides = array<i32>} : memref<3x16x1024xf32, #tpu.memory_space<vmem>>, vector<1x1x16xf32>,
        %get3A_539 = vector.shape_cast %get3A_538 : vector<1x1x16xf32> to vector<16xf32>
        %get3A_540 = arith.index_cast %select_n3A_149 : i32 to index
        %get3A_541 = arith.index_cast %scan3A_298 : i32 to index
        %get3A_542 = arith.constant 224 : index
        %get3A_543 = tpu.vector_load %arg6[%get3A_540, %get3A_541, %get3A_542] {strides = array<i32>} : memref<2x16x1024xf32, #tpu.memory_space<vmem>>, vector<1x1x16xf32>,
        %get3A_544 = vector.shape_cast %get3A_543 : vector<1x1x16xf32> to vector<16xf32>
        %add3A_545 = arith.addf %get3A_539, %get3A_544 : vector<16xf32>
        %swap3A_546 = arith.index_cast %select_n3A_96 : i32 to index
        %swap3A_547 = arith.index_cast %scan3A_298 : i32 to index
        %swap3A_548 = arith.constant 224 : index
        %swap3A_549 = tpu.vector_load %arg5[%swap3A_546, %swap3A_547, %swap3A_548] {strides = array<i32>} : memref<3x16x1024xf32, #tpu.memory_space<vmem>>, vector<1x1x16xf32>,
        %swap3A_550 = vector.shape_cast %swap3A_549 : vector<1x1x16xf32> to vector<16xf32>
        %swap3A_551 = vector.shape_cast %add3A_545 : vector<16xf32> to vector<1x1x16xf32>
        tpu.vector_store %arg5[%swap3A_546, %swap3A_547, %swap3A_548], %swap3A_551 {strides = array<i32>} : memref<3x16x1024xf32, #tpu.memory_space<vmem>>, vector<1x1x16xf32>,
        %get3A_552 = arith.index_cast %select_n3A_96 : i32 to index
        %get3A_553 = arith.index_cast %scan3A_298 : i32 to index
        %get3A_554 = arith.constant 240 : index
        %get3A_555 = tpu.vector_load %arg5[%get3A_552, %get3A_553, %get3A_554] {strides = array<i32>} : memref<3x16x1024xf32, #tpu.memory_space<vmem>>, vector<1x1x16xf32>,
        %get3A_556 = vector.shape_cast %get3A_555 : vector<1x1x16xf32> to vector<16xf32>
        %get3A_557 = arith.index_cast %select_n3A_149 : i32 to index
        %get3A_558 = arith.index_cast %scan3A_298 : i32 to index
        %get3A_559 = arith.constant 240 : index
        %get3A_560 = tpu.vector_load %arg6[%get3A_557, %get3A_558, %get3A_559] {strides = array<i32>} : memref<2x16x1024xf32, #tpu.memory_space<vmem>>, vector<1x1x16xf32>,
        %get3A_561 = vector.shape_cast %get3A_560 : vector<1x1x16xf32> to vector<16xf32>
        %add3A_562 = arith.addf %get3A_556, %get3A_561 : vector<16xf32>
        %swap3A_563 = arith.index_cast %select_n3A_96 : i32 to index
        %swap3A_564 = arith.index_cast %scan3A_298 : i32 to index
        %swap3A_565 = arith.constant 240 : index
        %swap3A_566 = tpu.vector_load %arg5[%swap3A_563, %swap3A_564, %swap3A_565] {strides = array<i32>} : memref<3x16x1024xf32, #tpu.memory_space<vmem>>, vector<1x1x16xf32>,
        %swap3A_567 = vector.shape_cast %swap3A_566 : vector<1x1x16xf32> to vector<16xf32>
        %swap3A_568 = vector.shape_cast %add3A_562 : vector<16xf32> to vector<1x1x16xf32>
        tpu.vector_store %arg5[%swap3A_563, %swap3A_564, %swap3A_565], %swap3A_568 {strides = array<i32>} : memref<3x16x1024xf32, #tpu.memory_space<vmem>>, vector<1x1x16xf32>,
        %get3A_569 = arith.index_cast %select_n3A_96 : i32 to index
        %get3A_570 = arith.index_cast %scan3A_298 : i32 to index
        %get3A_571 = arith.constant 256 : index
        %get3A_572 = tpu.vector_load %arg5[%get3A_569, %get3A_570, %get3A_571] {strides = array<i32>} : memref<3x16x1024xf32, #tpu.memory_space<vmem>>, vector<1x1x16xf32>,
        %get3A_573 = vector.shape_cast %get3A_572 : vector<1x1x16xf32> to vector<16xf32>
        %get3A_574 = arith.index_cast %select_n3A_149 : i32 to index
        %get3A_575 = arith.index_cast %scan3A_298 : i32 to index
        %get3A_576 = arith.constant 256 : index
        %get3A_577 = tpu.vector_load %arg6[%get3A_574, %get3A_575, %get3A_576] {strides = array<i32>} : memref<2x16x1024xf32, #tpu.memory_space<vmem>>, vector<1x1x16xf32>,
        %get3A_578 = vector.shape_cast %get3A_577 : vector<1x1x16xf32> to vector<16xf32>
        %add3A_579 = arith.addf %get3A_573, %get3A_578 : vector<16xf32>
        %swap3A_580 = arith.index_cast %select_n3A_96 : i32 to index
        %swap3A_581 = arith.index_cast %scan3A_298 : i32 to index
        %swap3A_582 = arith.constant 256 : index
        %swap3A_583 = tpu.vector_load %arg5[%swap3A_580, %swap3A_581, %swap3A_582] {strides = array<i32>} : memref<3x16x1024xf32, #tpu.memory_space<vmem>>, vector<1x1x16xf32>,
        %swap3A_584 = vector.shape_cast %swap3A_583 : vector<1x1x16xf32> to vector<16xf32>
        %swap3A_585 = vector.shape_cast %add3A_579 : vector<16xf32> to vector<1x1x16xf32>
        tpu.vector_store %arg5[%swap3A_580, %swap3A_581, %swap3A_582], %swap3A_585 {strides = array<i32>} : memref<3x16x1024xf32, #tpu.memory_space<vmem>>, vector<1x1x16xf32>,
        %get3A_586 = arith.index_cast %select_n3A_96 : i32 to index
        %get3A_587 = arith.index_cast %scan3A_298 : i32 to index
        %get3A_588 = arith.constant 272 : index
        %get3A_589 = tpu.vector_load %arg5[%get3A_586, %get3A_587, %get3A_588] {strides = array<i32>} : memref<3x16x1024xf32, #tpu.memory_space<vmem>>, vector<1x1x16xf32>,
        %get3A_590 = vector.shape_cast %get3A_589 : vector<1x1x16xf32> to vector<16xf32>
        %get3A_591 = arith.index_cast %select_n3A_149 : i32 to index
        %get3A_592 = arith.index_cast %scan3A_298 : i32 to index
        %get3A_593 = arith.constant 272 : index
        %get3A_594 = tpu.vector_load %arg6[%get3A_591, %get3A_592, %get3A_593] {strides = array<i32>} : memref<2x16x1024xf32, #tpu.memory_space<vmem>>, vector<1x1x16xf32>,
        %get3A_595 = vector.shape_cast %get3A_594 : vector<1x1x16xf32> to vector<16xf32>
        %add3A_596 = arith.addf %get3A_590, %get3A_595 : vector<16xf32>
        %swap3A_597 = arith.index_cast %select_n3A_96 : i32 to index
        %swap3A_598 = arith.index_cast %scan3A_298 : i32 to index
        %swap3A_599 = arith.constant 272 : index
        %swap3A_600 = tpu.vector_load %arg5[%swap3A_597, %swap3A_598, %swap3A_599] {strides = array<i32>} : memref<3x16x1024xf32, #tpu.memory_space<vmem>>, vector<1x1x16xf32>,
        %swap3A_601 = vector.shape_cast %swap3A_600 : vector<1x1x16xf32> to vector<16xf32>
        %swap3A_602 = vector.shape_cast %add3A_596 : vector<16xf32> to vector<1x1x16xf32>
        tpu.vector_store %arg5[%swap3A_597, %swap3A_598, %swap3A_599], %swap3A_602 {strides = array<i32>} : memref<3x16x1024xf32, #tpu.memory_space<vmem>>, vector<1x1x16xf32>,
        %get3A_603 = arith.index_cast %select_n3A_96 : i32 to index
        %get3A_604 = arith.index_cast %scan3A_298 : i32 to index
        %get3A_605 = arith.constant 288 : index
        %get3A_606 = tpu.vector_load %arg5[%get3A_603, %get3A_604, %get3A_605] {strides = array<i32>} : memref<3x16x1024xf32, #tpu.memory_space<vmem>>, vector<1x1x16xf32>,
        %get3A_607 = vector.shape_cast %get3A_606 : vector<1x1x16xf32> to vector<16xf32>
        %get3A_608 = arith.index_cast %select_n3A_149 : i32 to index
        %get3A_609 = arith.index_cast %scan3A_298 : i32 to index
        %get3A_610 = arith.constant 288 : index
        %get3A_611 = tpu.vector_load %arg6[%get3A_608, %get3A_609, %get3A_610] {strides = array<i32>} : memref<2x16x1024xf32, #tpu.memory_space<vmem>>, vector<1x1x16xf32>,
        %get3A_612 = vector.shape_cast %get3A_611 : vector<1x1x16xf32> to vector<16xf32>
        %add3A_613 = arith.addf %get3A_607, %get3A_612 : vector<16xf32>
        %swap3A_614 = arith.index_cast %select_n3A_96 : i32 to index
        %swap3A_615 = arith.index_cast %scan3A_298 : i32 to index
        %swap3A_616 = arith.constant 288 : index
        %swap3A_617 = tpu.vector_load %arg5[%swap3A_614, %swap3A_615, %swap3A_616] {strides = array<i32>} : memref<3x16x1024xf32, #tpu.memory_space<vmem>>, vector<1x1x16xf32>,
        %swap3A_618 = vector.shape_cast %swap3A_617 : vector<1x1x16xf32> to vector<16xf32>
        %swap3A_619 = vector.shape_cast %add3A_613 : vector<16xf32> to vector<1x1x16xf32>
        tpu.vector_store %arg5[%swap3A_614, %swap3A_615, %swap3A_616], %swap3A_619 {strides = array<i32>} : memref<3x16x1024xf32, #tpu.memory_space<vmem>>, vector<1x1x16xf32>,
        %get3A_620 = arith.index_cast %select_n3A_96 : i32 to index
        %get3A_621 = arith.index_cast %scan3A_298 : i32 to index
        %get3A_622 = arith.constant 304 : index
        %get3A_623 = tpu.vector_load %arg5[%get3A_620, %get3A_621, %get3A_622] {strides = array<i32>} : memref<3x16x1024xf32, #tpu.memory_space<vmem>>, vector<1x1x16xf32>,
        %get3A_624 = vector.shape_cast %get3A_623 : vector<1x1x16xf32> to vector<16xf32>
        %get3A_625 = arith.index_cast %select_n3A_149 : i32 to index
        %get3A_626 = arith.index_cast %scan3A_298 : i32 to index
        %get3A_627 = arith.constant 304 : index
        %get3A_628 = tpu.vector_load %arg6[%get3A_625, %get3A_626, %get3A_627] {strides = array<i32>} : memref<2x16x1024xf32, #tpu.memory_space<vmem>>, vector<1x1x16xf32>,
        %get3A_629 = vector.shape_cast %get3A_628 : vector<1x1x16xf32> to vector<16xf32>
        %add3A_630 = arith.addf %get3A_624, %get3A_629 : vector<16xf32>
        %swap3A_631 = arith.index_cast %select_n3A_96 : i32 to index
        %swap3A_632 = arith.index_cast %scan3A_298 : i32 to index
        %swap3A_633 = arith.constant 304 : index
        %swap3A_634 = tpu.vector_load %arg5[%swap3A_631, %swap3A_632, %swap3A_633] {strides = array<i32>} : memref<3x16x1024xf32, #tpu.memory_space<vmem>>, vector<1x1x16xf32>,
        %swap3A_635 = vector.shape_cast %swap3A_634 : vector<1x1x16xf32> to vector<16xf32>
        %swap3A_636 = vector.shape_cast %add3A_630 : vector<16xf32> to vector<1x1x16xf32>
        tpu.vector_store %arg5[%swap3A_631, %swap3A_632, %swap3A_633], %swap3A_636 {strides = array<i32>} : memref<3x16x1024xf32, #tpu.memory_space<vmem>>, vector<1x1x16xf32>,
        %get3A_637 = arith.index_cast %select_n3A_96 : i32 to index
        %get3A_638 = arith.index_cast %scan3A_298 : i32 to index
        %get3A_639 = arith.constant 320 : index
        %get3A_640 = tpu.vector_load %arg5[%get3A_637, %get3A_638, %get3A_639] {strides = array<i32>} : memref<3x16x1024xf32, #tpu.memory_space<vmem>>, vector<1x1x16xf32>,
        %get3A_641 = vector.shape_cast %get3A_640 : vector<1x1x16xf32> to vector<16xf32>
        %get3A_642 = arith.index_cast %select_n3A_149 : i32 to index
        %get3A_643 = arith.index_cast %scan3A_298 : i32 to index
        %get3A_644 = arith.constant 320 : index
        %get3A_645 = tpu.vector_load %arg6[%get3A_642, %get3A_643, %get3A_644] {strides = array<i32>} : memref<2x16x1024xf32, #tpu.memory_space<vmem>>, vector<1x1x16xf32>,
        %get3A_646 = vector.shape_cast %get3A_645 : vector<1x1x16xf32> to vector<16xf32>
        %add3A_647 = arith.addf %get3A_641, %get3A_646 : vector<16xf32>
        %swap3A_648 = arith.index_cast %select_n3A_96 : i32 to index
        %swap3A_649 = arith.index_cast %scan3A_298 : i32 to index
        %swap3A_650 = arith.constant 320 : index
        %swap3A_651 = tpu.vector_load %arg5[%swap3A_648, %swap3A_649, %swap3A_650] {strides = array<i32>} : memref<3x16x1024xf32, #tpu.memory_space<vmem>>, vector<1x1x16xf32>,
        %swap3A_652 = vector.shape_cast %swap3A_651 : vector<1x1x16xf32> to vector<16xf32>
        %swap3A_653 = vector.shape_cast %add3A_647 : vector<16xf32> to vector<1x1x16xf32>
        tpu.vector_store %arg5[%swap3A_648, %swap3A_649, %swap3A_650], %swap3A_653 {strides = array<i32>} : memref<3x16x1024xf32, #tpu.memory_space<vmem>>, vector<1x1x16xf32>,
        %get3A_654 = arith.index_cast %select_n3A_96 : i32 to index
        %get3A_655 = arith.index_cast %scan3A_298 : i32 to index
        %get3A_656 = arith.constant 336 : index
        %get3A_657 = tpu.vector_load %arg5[%get3A_654, %get3A_655, %get3A_656] {strides = array<i32>} : memref<3x16x1024xf32, #tpu.memory_space<vmem>>, vector<1x1x16xf32>,
        %get3A_658 = vector.shape_cast %get3A_657 : vector<1x1x16xf32> to vector<16xf32>
        %get3A_659 = arith.index_cast %select_n3A_149 : i32 to index
        %get3A_660 = arith.index_cast %scan3A_298 : i32 to index
        %get3A_661 = arith.constant 336 : index
        %get3A_662 = tpu.vector_load %arg6[%get3A_659, %get3A_660, %get3A_661] {strides = array<i32>} : memref<2x16x1024xf32, #tpu.memory_space<vmem>>, vector<1x1x16xf32>,
        %get3A_663 = vector.shape_cast %get3A_662 : vector<1x1x16xf32> to vector<16xf32>
        %add3A_664 = arith.addf %get3A_658, %get3A_663 : vector<16xf32>
        %swap3A_665 = arith.index_cast %select_n3A_96 : i32 to index
        %swap3A_666 = arith.index_cast %scan3A_298 : i32 to index
        %swap3A_667 = arith.constant 336 : index
        %swap3A_668 = tpu.vector_load %arg5[%swap3A_665, %swap3A_666, %swap3A_667] {strides = array<i32>} : memref<3x16x1024xf32, #tpu.memory_space<vmem>>, vector<1x1x16xf32>,
        %swap3A_669 = vector.shape_cast %swap3A_668 : vector<1x1x16xf32> to vector<16xf32>
        %swap3A_670 = vector.shape_cast %add3A_664 : vector<16xf32> to vector<1x1x16xf32>
        tpu.vector_store %arg5[%swap3A_665, %swap3A_666, %swap3A_667], %swap3A_670 {strides = array<i32>} : memref<3x16x1024xf32, #tpu.memory_space<vmem>>, vector<1x1x16xf32>,
        %get3A_671 = arith.index_cast %select_n3A_96 : i32 to index
        %get3A_672 = arith.index_cast %scan3A_298 : i32 to index
        %get3A_673 = arith.constant 352 : index
        %get3A_674 = tpu.vector_load %arg5[%get3A_671, %get3A_672, %get3A_673] {strides = array<i32>} : memref<3x16x1024xf32, #tpu.memory_space<vmem>>, vector<1x1x16xf32>,
        %get3A_675 = vector.shape_cast %get3A_674 : vector<1x1x16xf32> to vector<16xf32>
        %get3A_676 = arith.index_cast %select_n3A_149 : i32 to index
        %get3A_677 = arith.index_cast %scan3A_298 : i32 to index
        %get3A_678 = arith.constant 352 : index
        %get3A_679 = tpu.vector_load %arg6[%get3A_676, %get3A_677, %get3A_678] {strides = array<i32>} : memref<2x16x1024xf32, #tpu.memory_space<vmem>>, vector<1x1x16xf32>,
        %get3A_680 = vector.shape_cast %get3A_679 : vector<1x1x16xf32> to vector<16xf32>
        %add3A_681 = arith.addf %get3A_675, %get3A_680 : vector<16xf32>
        %swap3A_682 = arith.index_cast %select_n3A_96 : i32 to index
        %swap3A_683 = arith.index_cast %scan3A_298 : i32 to index
        %swap3A_684 = arith.constant 352 : index
        %swap3A_685 = tpu.vector_load %arg5[%swap3A_682, %swap3A_683, %swap3A_684] {strides = array<i32>} : memref<3x16x1024xf32, #tpu.memory_space<vmem>>, vector<1x1x16xf32>,
        %swap3A_686 = vector.shape_cast %swap3A_685 : vector<1x1x16xf32> to vector<16xf32>
        %swap3A_687 = vector.shape_cast %add3A_681 : vector<16xf32> to vector<1x1x16xf32>
        tpu.vector_store %arg5[%swap3A_682, %swap3A_683, %swap3A_684], %swap3A_687 {strides = array<i32>} : memref<3x16x1024xf32, #tpu.memory_space<vmem>>, vector<1x1x16xf32>,
        %get3A_688 = arith.index_cast %select_n3A_96 : i32 to index
        %get3A_689 = arith.index_cast %scan3A_298 : i32 to index
        %get3A_690 = arith.constant 368 : index
        %get3A_691 = tpu.vector_load %arg5[%get3A_688, %get3A_689, %get3A_690] {strides = array<i32>} : memref<3x16x1024xf32, #tpu.memory_space<vmem>>, vector<1x1x16xf32>,
        %get3A_692 = vector.shape_cast %get3A_691 : vector<1x1x16xf32> to vector<16xf32>
        %get3A_693 = arith.index_cast %select_n3A_149 : i32 to index
        %get3A_694 = arith.index_cast %scan3A_298 : i32 to index
        %get3A_695 = arith.constant 368 : index
        %get3A_696 = tpu.vector_load %arg6[%get3A_693, %get3A_694, %get3A_695] {strides = array<i32>} : memref<2x16x1024xf32, #tpu.memory_space<vmem>>, vector<1x1x16xf32>,
        %get3A_697 = vector.shape_cast %get3A_696 : vector<1x1x16xf32> to vector<16xf32>
        %add3A_698 = arith.addf %get3A_692, %get3A_697 : vector<16xf32>
        %swap3A_699 = arith.index_cast %select_n3A_96 : i32 to index
        %swap3A_700 = arith.index_cast %scan3A_298 : i32 to index
        %swap3A_701 = arith.constant 368 : index
        %swap3A_702 = tpu.vector_load %arg5[%swap3A_699, %swap3A_700, %swap3A_701] {strides = array<i32>} : memref<3x16x1024xf32, #tpu.memory_space<vmem>>, vector<1x1x16xf32>,
        %swap3A_703 = vector.shape_cast %swap3A_702 : vector<1x1x16xf32> to vector<16xf32>
        %swap3A_704 = vector.shape_cast %add3A_698 : vector<16xf32> to vector<1x1x16xf32>
        tpu.vector_store %arg5[%swap3A_699, %swap3A_700, %swap3A_701], %swap3A_704 {strides = array<i32>} : memref<3x16x1024xf32, #tpu.memory_space<vmem>>, vector<1x1x16xf32>,
        %get3A_705 = arith.index_cast %select_n3A_96 : i32 to index
        %get3A_706 = arith.index_cast %scan3A_298 : i32 to index
        %get3A_707 = arith.constant 384 : index
        %get3A_708 = tpu.vector_load %arg5[%get3A_705, %get3A_706, %get3A_707] {strides = array<i32>} : memref<3x16x1024xf32, #tpu.memory_space<vmem>>, vector<1x1x16xf32>,
        %get3A_709 = vector.shape_cast %get3A_708 : vector<1x1x16xf32> to vector<16xf32>
        %get3A_710 = arith.index_cast %select_n3A_149 : i32 to index
        %get3A_711 = arith.index_cast %scan3A_298 : i32 to index
        %get3A_712 = arith.constant 384 : index
        %get3A_713 = tpu.vector_load %arg6[%get3A_710, %get3A_711, %get3A_712] {strides = array<i32>} : memref<2x16x1024xf32, #tpu.memory_space<vmem>>, vector<1x1x16xf32>,
        %get3A_714 = vector.shape_cast %get3A_713 : vector<1x1x16xf32> to vector<16xf32>
        %add3A_715 = arith.addf %get3A_709, %get3A_714 : vector<16xf32>
        %swap3A_716 = arith.index_cast %select_n3A_96 : i32 to index
        %swap3A_717 = arith.index_cast %scan3A_298 : i32 to index
        %swap3A_718 = arith.constant 384 : index
        %swap3A_719 = tpu.vector_load %arg5[%swap3A_716, %swap3A_717, %swap3A_718] {strides = array<i32>} : memref<3x16x1024xf32, #tpu.memory_space<vmem>>, vector<1x1x16xf32>,
        %swap3A_720 = vector.shape_cast %swap3A_719 : vector<1x1x16xf32> to vector<16xf32>
        %swap3A_721 = vector.shape_cast %add3A_715 : vector<16xf32> to vector<1x1x16xf32>
        tpu.vector_store %arg5[%swap3A_716, %swap3A_717, %swap3A_718], %swap3A_721 {strides = array<i32>} : memref<3x16x1024xf32, #tpu.memory_space<vmem>>, vector<1x1x16xf32>,
        %get3A_722 = arith.index_cast %select_n3A_96 : i32 to index
        %get3A_723 = arith.index_cast %scan3A_298 : i32 to index
        %get3A_724 = arith.constant 400 : index
        %get3A_725 = tpu.vector_load %arg5[%get3A_722, %get3A_723, %get3A_724] {strides = array<i32>} : memref<3x16x1024xf32, #tpu.memory_space<vmem>>, vector<1x1x16xf32>,
        %get3A_726 = vector.shape_cast %get3A_725 : vector<1x1x16xf32> to vector<16xf32>
        %get3A_727 = arith.index_cast %select_n3A_149 : i32 to index
        %get3A_728 = arith.index_cast %scan3A_298 : i32 to index
        %get3A_729 = arith.constant 400 : index
        %get3A_730 = tpu.vector_load %arg6[%get3A_727, %get3A_728, %get3A_729] {strides = array<i32>} : memref<2x16x1024xf32, #tpu.memory_space<vmem>>, vector<1x1x16xf32>,
        %get3A_731 = vector.shape_cast %get3A_730 : vector<1x1x16xf32> to vector<16xf32>
        %add3A_732 = arith.addf %get3A_726, %get3A_731 : vector<16xf32>
        %swap3A_733 = arith.index_cast %select_n3A_96 : i32 to index
        %swap3A_734 = arith.index_cast %scan3A_298 : i32 to index
        %swap3A_735 = arith.constant 400 : index
        %swap3A_736 = tpu.vector_load %arg5[%swap3A_733, %swap3A_734, %swap3A_735] {strides = array<i32>} : memref<3x16x1024xf32, #tpu.memory_space<vmem>>, vector<1x1x16xf32>,
        %swap3A_737 = vector.shape_cast %swap3A_736 : vector<1x1x16xf32> to vector<16xf32>
        %swap3A_738 = vector.shape_cast %add3A_732 : vector<16xf32> to vector<1x1x16xf32>
        tpu.vector_store %arg5[%swap3A_733, %swap3A_734, %swap3A_735], %swap3A_738 {strides = array<i32>} : memref<3x16x1024xf32, #tpu.memory_space<vmem>>, vector<1x1x16xf32>,
        %get3A_739 = arith.index_cast %select_n3A_96 : i32 to index
        %get3A_740 = arith.index_cast %scan3A_298 : i32 to index
        %get3A_741 = arith.constant 416 : index
        %get3A_742 = tpu.vector_load %arg5[%get3A_739, %get3A_740, %get3A_741] {strides = array<i32>} : memref<3x16x1024xf32, #tpu.memory_space<vmem>>, vector<1x1x16xf32>,
        %get3A_743 = vector.shape_cast %get3A_742 : vector<1x1x16xf32> to vector<16xf32>
        %get3A_744 = arith.index_cast %select_n3A_149 : i32 to index
        %get3A_745 = arith.index_cast %scan3A_298 : i32 to index
        %get3A_746 = arith.constant 416 : index
        %get3A_747 = tpu.vector_load %arg6[%get3A_744, %get3A_745, %get3A_746] {strides = array<i32>} : memref<2x16x1024xf32, #tpu.memory_space<vmem>>, vector<1x1x16xf32>,
        %get3A_748 = vector.shape_cast %get3A_747 : vector<1x1x16xf32> to vector<16xf32>
        %add3A_749 = arith.addf %get3A_743, %get3A_748 : vector<16xf32>
        %swap3A_750 = arith.index_cast %select_n3A_96 : i32 to index
        %swap3A_751 = arith.index_cast %scan3A_298 : i32 to index
        %swap3A_752 = arith.constant 416 : index
        %swap3A_753 = tpu.vector_load %arg5[%swap3A_750, %swap3A_751, %swap3A_752] {strides = array<i32>} : memref<3x16x1024xf32, #tpu.memory_space<vmem>>, vector<1x1x16xf32>,
        %swap3A_754 = vector.shape_cast %swap3A_753 : vector<1x1x16xf32> to vector<16xf32>
        %swap3A_755 = vector.shape_cast %add3A_749 : vector<16xf32> to vector<1x1x16xf32>
        tpu.vector_store %arg5[%swap3A_750, %swap3A_751, %swap3A_752], %swap3A_755 {strides = array<i32>} : memref<3x16x1024xf32, #tpu.memory_space<vmem>>, vector<1x1x16xf32>,
        %get3A_756 = arith.index_cast %select_n3A_96 : i32 to index
        %get3A_757 = arith.index_cast %scan3A_298 : i32 to index
        %get3A_758 = arith.constant 432 : index
        %get3A_759 = tpu.vector_load %arg5[%get3A_756, %get3A_757, %get3A_758] {strides = array<i32>} : memref<3x16x1024xf32, #tpu.memory_space<vmem>>, vector<1x1x16xf32>,
        %get3A_760 = vector.shape_cast %get3A_759 : vector<1x1x16xf32> to vector<16xf32>
        %get3A_761 = arith.index_cast %select_n3A_149 : i32 to index
        %get3A_762 = arith.index_cast %scan3A_298 : i32 to index
        %get3A_763 = arith.constant 432 : index
        %get3A_764 = tpu.vector_load %arg6[%get3A_761, %get3A_762, %get3A_763] {strides = array<i32>} : memref<2x16x1024xf32, #tpu.memory_space<vmem>>, vector<1x1x16xf32>,
        %get3A_765 = vector.shape_cast %get3A_764 : vector<1x1x16xf32> to vector<16xf32>
        %add3A_766 = arith.addf %get3A_760, %get3A_765 : vector<16xf32>
        %swap3A_767 = arith.index_cast %select_n3A_96 : i32 to index
        %swap3A_768 = arith.index_cast %scan3A_298 : i32 to index
        %swap3A_769 = arith.constant 432 : index
        %swap3A_770 = tpu.vector_load %arg5[%swap3A_767, %swap3A_768, %swap3A_769] {strides = array<i32>} : memref<3x16x1024xf32, #tpu.memory_space<vmem>>, vector<1x1x16xf32>,
        %swap3A_771 = vector.shape_cast %swap3A_770 : vector<1x1x16xf32> to vector<16xf32>
        %swap3A_772 = vector.shape_cast %add3A_766 : vector<16xf32> to vector<1x1x16xf32>
        tpu.vector_store %arg5[%swap3A_767, %swap3A_768, %swap3A_769], %swap3A_772 {strides = array<i32>} : memref<3x16x1024xf32, #tpu.memory_space<vmem>>, vector<1x1x16xf32>,
        %get3A_773 = arith.index_cast %select_n3A_96 : i32 to index
        %get3A_774 = arith.index_cast %scan3A_298 : i32 to index
        %get3A_775 = arith.constant 448 : index
        %get3A_776 = tpu.vector_load %arg5[%get3A_773, %get3A_774, %get3A_775] {strides = array<i32>} : memref<3x16x1024xf32, #tpu.memory_space<vmem>>, vector<1x1x16xf32>,
        %get3A_777 = vector.shape_cast %get3A_776 : vector<1x1x16xf32> to vector<16xf32>
        %get3A_778 = arith.index_cast %select_n3A_149 : i32 to index
        %get3A_779 = arith.index_cast %scan3A_298 : i32 to index
        %get3A_780 = arith.constant 448 : index
        %get3A_781 = tpu.vector_load %arg6[%get3A_778, %get3A_779, %get3A_780] {strides = array<i32>} : memref<2x16x1024xf32, #tpu.memory_space<vmem>>, vector<1x1x16xf32>,
        %get3A_782 = vector.shape_cast %get3A_781 : vector<1x1x16xf32> to vector<16xf32>
        %add3A_783 = arith.addf %get3A_777, %get3A_782 : vector<16xf32>
        %swap3A_784 = arith.index_cast %select_n3A_96 : i32 to index
        %swap3A_785 = arith.index_cast %scan3A_298 : i32 to index
        %swap3A_786 = arith.constant 448 : index
        %swap3A_787 = tpu.vector_load %arg5[%swap3A_784, %swap3A_785, %swap3A_786] {strides = array<i32>} : memref<3x16x1024xf32, #tpu.memory_space<vmem>>, vector<1x1x16xf32>,
        %swap3A_788 = vector.shape_cast %swap3A_787 : vector<1x1x16xf32> to vector<16xf32>
        %swap3A_789 = vector.shape_cast %add3A_783 : vector<16xf32> to vector<1x1x16xf32>
        tpu.vector_store %arg5[%swap3A_784, %swap3A_785, %swap3A_786], %swap3A_789 {strides = array<i32>} : memref<3x16x1024xf32, #tpu.memory_space<vmem>>, vector<1x1x16xf32>,
        %get3A_790 = arith.index_cast %select_n3A_96 : i32 to index
        %get3A_791 = arith.index_cast %scan3A_298 : i32 to index
        %get3A_792 = arith.constant 464 : index
        %get3A_793 = tpu.vector_load %arg5[%get3A_790, %get3A_791, %get3A_792] {strides = array<i32>} : memref<3x16x1024xf32, #tpu.memory_space<vmem>>, vector<1x1x16xf32>,
        %get3A_794 = vector.shape_cast %get3A_793 : vector<1x1x16xf32> to vector<16xf32>
        %get3A_795 = arith.index_cast %select_n3A_149 : i32 to index
        %get3A_796 = arith.index_cast %scan3A_298 : i32 to index
        %get3A_797 = arith.constant 464 : index
        %get3A_798 = tpu.vector_load %arg6[%get3A_795, %get3A_796, %get3A_797] {strides = array<i32>} : memref<2x16x1024xf32, #tpu.memory_space<vmem>>, vector<1x1x16xf32>,
        %get3A_799 = vector.shape_cast %get3A_798 : vector<1x1x16xf32> to vector<16xf32>
        %add3A_800 = arith.addf %get3A_794, %get3A_799 : vector<16xf32>
        %swap3A_801 = arith.index_cast %select_n3A_96 : i32 to index
        %swap3A_802 = arith.index_cast %scan3A_298 : i32 to index
        %swap3A_803 = arith.constant 464 : index
        %swap3A_804 = tpu.vector_load %arg5[%swap3A_801, %swap3A_802, %swap3A_803] {strides = array<i32>} : memref<3x16x1024xf32, #tpu.memory_space<vmem>>, vector<1x1x16xf32>,
        %swap3A_805 = vector.shape_cast %swap3A_804 : vector<1x1x16xf32> to vector<16xf32>
        %swap3A_806 = vector.shape_cast %add3A_800 : vector<16xf32> to vector<1x1x16xf32>
        tpu.vector_store %arg5[%swap3A_801, %swap3A_802, %swap3A_803], %swap3A_806 {strides = array<i32>} : memref<3x16x1024xf32, #tpu.memory_space<vmem>>, vector<1x1x16xf32>,
        %get3A_807 = arith.index_cast %select_n3A_96 : i32 to index
        %get3A_808 = arith.index_cast %scan3A_298 : i32 to index
        %get3A_809 = arith.constant 480 : index
        %get3A_810 = tpu.vector_load %arg5[%get3A_807, %get3A_808, %get3A_809] {strides = array<i32>} : memref<3x16x1024xf32, #tpu.memory_space<vmem>>, vector<1x1x16xf32>,
        %get3A_811 = vector.shape_cast %get3A_810 : vector<1x1x16xf32> to vector<16xf32>
        %get3A_812 = arith.index_cast %select_n3A_149 : i32 to index
        %get3A_813 = arith.index_cast %scan3A_298 : i32 to index
        %get3A_814 = arith.constant 480 : index
        %get3A_815 = tpu.vector_load %arg6[%get3A_812, %get3A_813, %get3A_814] {strides = array<i32>} : memref<2x16x1024xf32, #tpu.memory_space<vmem>>, vector<1x1x16xf32>,
        %get3A_816 = vector.shape_cast %get3A_815 : vector<1x1x16xf32> to vector<16xf32>
        %add3A_817 = arith.addf %get3A_811, %get3A_816 : vector<16xf32>
        %swap3A_818 = arith.index_cast %select_n3A_96 : i32 to index
        %swap3A_819 = arith.index_cast %scan3A_298 : i32 to index
        %swap3A_820 = arith.constant 480 : index
        %swap3A_821 = tpu.vector_load %arg5[%swap3A_818, %swap3A_819, %swap3A_820] {strides = array<i32>} : memref<3x16x1024xf32, #tpu.memory_space<vmem>>, vector<1x1x16xf32>,
        %swap3A_822 = vector.shape_cast %swap3A_821 : vector<1x1x16xf32> to vector<16xf32>
        %swap3A_823 = vector.shape_cast %add3A_817 : vector<16xf32> to vector<1x1x16xf32>
        tpu.vector_store %arg5[%swap3A_818, %swap3A_819, %swap3A_820], %swap3A_823 {strides = array<i32>} : memref<3x16x1024xf32, #tpu.memory_space<vmem>>, vector<1x1x16xf32>,
        %get3A_824 = arith.index_cast %select_n3A_96 : i32 to index
        %get3A_825 = arith.index_cast %scan3A_298 : i32 to index
        %get3A_826 = arith.constant 496 : index
        %get3A_827 = tpu.vector_load %arg5[%get3A_824, %get3A_825, %get3A_826] {strides = array<i32>} : memref<3x16x1024xf32, #tpu.memory_space<vmem>>, vector<1x1x16xf32>,
        %get3A_828 = vector.shape_cast %get3A_827 : vector<1x1x16xf32> to vector<16xf32>
        %get3A_829 = arith.index_cast %select_n3A_149 : i32 to index
        %get3A_830 = arith.index_cast %scan3A_298 : i32 to index
        %get3A_831 = arith.constant 496 : index
        %get3A_832 = tpu.vector_load %arg6[%get3A_829, %get3A_830, %get3A_831] {strides = array<i32>} : memref<2x16x1024xf32, #tpu.memory_space<vmem>>, vector<1x1x16xf32>,
        %get3A_833 = vector.shape_cast %get3A_832 : vector<1x1x16xf32> to vector<16xf32>
        %add3A_834 = arith.addf %get3A_828, %get3A_833 : vector<16xf32>
        %swap3A_835 = arith.index_cast %select_n3A_96 : i32 to index
        %swap3A_836 = arith.index_cast %scan3A_298 : i32 to index
        %swap3A_837 = arith.constant 496 : index
        %swap3A_838 = tpu.vector_load %arg5[%swap3A_835, %swap3A_836, %swap3A_837] {strides = array<i32>} : memref<3x16x1024xf32, #tpu.memory_space<vmem>>, vector<1x1x16xf32>,
        %swap3A_839 = vector.shape_cast %swap3A_838 : vector<1x1x16xf32> to vector<16xf32>
        %swap3A_840 = vector.shape_cast %add3A_834 : vector<16xf32> to vector<1x1x16xf32>
        tpu.vector_store %arg5[%swap3A_835, %swap3A_836, %swap3A_837], %swap3A_840 {strides = array<i32>} : memref<3x16x1024xf32, #tpu.memory_space<vmem>>, vector<1x1x16xf32>,
        %get3A_841 = arith.index_cast %select_n3A_96 : i32 to index
        %get3A_842 = arith.index_cast %scan3A_298 : i32 to index
        %get3A_843 = arith.constant 512 : index
        %get3A_844 = tpu.vector_load %arg5[%get3A_841, %get3A_842, %get3A_843] {strides = array<i32>} : memref<3x16x1024xf32, #tpu.memory_space<vmem>>, vector<1x1x16xf32>,
        %get3A_845 = vector.shape_cast %get3A_844 : vector<1x1x16xf32> to vector<16xf32>
        %get3A_846 = arith.index_cast %select_n3A_149 : i32 to index
        %get3A_847 = arith.index_cast %scan3A_298 : i32 to index
        %get3A_848 = arith.constant 512 : index
        %get3A_849 = tpu.vector_load %arg6[%get3A_846, %get3A_847, %get3A_848] {strides = array<i32>} : memref<2x16x1024xf32, #tpu.memory_space<vmem>>, vector<1x1x16xf32>,
        %get3A_850 = vector.shape_cast %get3A_849 : vector<1x1x16xf32> to vector<16xf32>
        %add3A_851 = arith.addf %get3A_845, %get3A_850 : vector<16xf32>
        %swap3A_852 = arith.index_cast %select_n3A_96 : i32 to index
        %swap3A_853 = arith.index_cast %scan3A_298 : i32 to index
        %swap3A_854 = arith.constant 512 : index
        %swap3A_855 = tpu.vector_load %arg5[%swap3A_852, %swap3A_853, %swap3A_854] {strides = array<i32>} : memref<3x16x1024xf32, #tpu.memory_space<vmem>>, vector<1x1x16xf32>,
        %swap3A_856 = vector.shape_cast %swap3A_855 : vector<1x1x16xf32> to vector<16xf32>
        %swap3A_857 = vector.shape_cast %add3A_851 : vector<16xf32> to vector<1x1x16xf32>
        tpu.vector_store %arg5[%swap3A_852, %swap3A_853, %swap3A_854], %swap3A_857 {strides = array<i32>} : memref<3x16x1024xf32, #tpu.memory_space<vmem>>, vector<1x1x16xf32>,
        %get3A_858 = arith.index_cast %select_n3A_96 : i32 to index
        %get3A_859 = arith.index_cast %scan3A_298 : i32 to index
        %get3A_860 = arith.constant 528 : index
        %get3A_861 = tpu.vector_load %arg5[%get3A_858, %get3A_859, %get3A_860] {strides = array<i32>} : memref<3x16x1024xf32, #tpu.memory_space<vmem>>, vector<1x1x16xf32>,
        %get3A_862 = vector.shape_cast %get3A_861 : vector<1x1x16xf32> to vector<16xf32>
        %get3A_863 = arith.index_cast %select_n3A_149 : i32 to index
        %get3A_864 = arith.index_cast %scan3A_298 : i32 to index
        %get3A_865 = arith.constant 528 : index
        %get3A_866 = tpu.vector_load %arg6[%get3A_863, %get3A_864, %get3A_865] {strides = array<i32>} : memref<2x16x1024xf32, #tpu.memory_space<vmem>>, vector<1x1x16xf32>,
        %get3A_867 = vector.shape_cast %get3A_866 : vector<1x1x16xf32> to vector<16xf32>
        %add3A_868 = arith.addf %get3A_862, %get3A_867 : vector<16xf32>
        %swap3A_869 = arith.index_cast %select_n3A_96 : i32 to index
        %swap3A_870 = arith.index_cast %scan3A_298 : i32 to index
        %swap3A_871 = arith.constant 528 : index
        %swap3A_872 = tpu.vector_load %arg5[%swap3A_869, %swap3A_870, %swap3A_871] {strides = array<i32>} : memref<3x16x1024xf32, #tpu.memory_space<vmem>>, vector<1x1x16xf32>,
        %swap3A_873 = vector.shape_cast %swap3A_872 : vector<1x1x16xf32> to vector<16xf32>
        %swap3A_874 = vector.shape_cast %add3A_868 : vector<16xf32> to vector<1x1x16xf32>
        tpu.vector_store %arg5[%swap3A_869, %swap3A_870, %swap3A_871], %swap3A_874 {strides = array<i32>} : memref<3x16x1024xf32, #tpu.memory_space<vmem>>, vector<1x1x16xf32>,
        %get3A_875 = arith.index_cast %select_n3A_96 : i32 to index
        %get3A_876 = arith.index_cast %scan3A_298 : i32 to index
        %get3A_877 = arith.constant 544 : index
        %get3A_878 = tpu.vector_load %arg5[%get3A_875, %get3A_876, %get3A_877] {strides = array<i32>} : memref<3x16x1024xf32, #tpu.memory_space<vmem>>, vector<1x1x16xf32>,
        %get3A_879 = vector.shape_cast %get3A_878 : vector<1x1x16xf32> to vector<16xf32>
        %get3A_880 = arith.index_cast %select_n3A_149 : i32 to index
        %get3A_881 = arith.index_cast %scan3A_298 : i32 to index
        %get3A_882 = arith.constant 544 : index
        %get3A_883 = tpu.vector_load %arg6[%get3A_880, %get3A_881, %get3A_882] {strides = array<i32>} : memref<2x16x1024xf32, #tpu.memory_space<vmem>>, vector<1x1x16xf32>,
        %get3A_884 = vector.shape_cast %get3A_883 : vector<1x1x16xf32> to vector<16xf32>
        %add3A_885 = arith.addf %get3A_879, %get3A_884 : vector<16xf32>
        %swap3A_886 = arith.index_cast %select_n3A_96 : i32 to index
        %swap3A_887 = arith.index_cast %scan3A_298 : i32 to index
        %swap3A_888 = arith.constant 544 : index
        %swap3A_889 = tpu.vector_load %arg5[%swap3A_886, %swap3A_887, %swap3A_888] {strides = array<i32>} : memref<3x16x1024xf32, #tpu.memory_space<vmem>>, vector<1x1x16xf32>,
        %swap3A_890 = vector.shape_cast %swap3A_889 : vector<1x1x16xf32> to vector<16xf32>
        %swap3A_891 = vector.shape_cast %add3A_885 : vector<16xf32> to vector<1x1x16xf32>
        tpu.vector_store %arg5[%swap3A_886, %swap3A_887, %swap3A_888], %swap3A_891 {strides = array<i32>} : memref<3x16x1024xf32, #tpu.memory_space<vmem>>, vector<1x1x16xf32>,
        %get3A_892 = arith.index_cast %select_n3A_96 : i32 to index
        %get3A_893 = arith.index_cast %scan3A_298 : i32 to index
        %get3A_894 = arith.constant 560 : index
        %get3A_895 = tpu.vector_load %arg5[%get3A_892, %get3A_893, %get3A_894] {strides = array<i32>} : memref<3x16x1024xf32, #tpu.memory_space<vmem>>, vector<1x1x16xf32>,
        %get3A_896 = vector.shape_cast %get3A_895 : vector<1x1x16xf32> to vector<16xf32>
        %get3A_897 = arith.index_cast %select_n3A_149 : i32 to index
        %get3A_898 = arith.index_cast %scan3A_298 : i32 to index
        %get3A_899 = arith.constant 560 : index
        %get3A_900 = tpu.vector_load %arg6[%get3A_897, %get3A_898, %get3A_899] {strides = array<i32>} : memref<2x16x1024xf32, #tpu.memory_space<vmem>>, vector<1x1x16xf32>,
        %get3A_901 = vector.shape_cast %get3A_900 : vector<1x1x16xf32> to vector<16xf32>
        %add3A_902 = arith.addf %get3A_896, %get3A_901 : vector<16xf32>
        %swap3A_903 = arith.index_cast %select_n3A_96 : i32 to index
        %swap3A_904 = arith.index_cast %scan3A_298 : i32 to index
        %swap3A_905 = arith.constant 560 : index
        %swap3A_906 = tpu.vector_load %arg5[%swap3A_903, %swap3A_904, %swap3A_905] {strides = array<i32>} : memref<3x16x1024xf32, #tpu.memory_space<vmem>>, vector<1x1x16xf32>,
        %swap3A_907 = vector.shape_cast %swap3A_906 : vector<1x1x16xf32> to vector<16xf32>
        %swap3A_908 = vector.shape_cast %add3A_902 : vector<16xf32> to vector<1x1x16xf32>
        tpu.vector_store %arg5[%swap3A_903, %swap3A_904, %swap3A_905], %swap3A_908 {strides = array<i32>} : memref<3x16x1024xf32, #tpu.memory_space<vmem>>, vector<1x1x16xf32>,
        %get3A_909 = arith.index_cast %select_n3A_96 : i32 to index
        %get3A_910 = arith.index_cast %scan3A_298 : i32 to index
        %get3A_911 = arith.constant 576 : index
        %get3A_912 = tpu.vector_load %arg5[%get3A_909, %get3A_910, %get3A_911] {strides = array<i32>} : memref<3x16x1024xf32, #tpu.memory_space<vmem>>, vector<1x1x16xf32>,
        %get3A_913 = vector.shape_cast %get3A_912 : vector<1x1x16xf32> to vector<16xf32>
        %get3A_914 = arith.index_cast %select_n3A_149 : i32 to index
        %get3A_915 = arith.index_cast %scan3A_298 : i32 to index
        %get3A_916 = arith.constant 576 : index
        %get3A_917 = tpu.vector_load %arg6[%get3A_914, %get3A_915, %get3A_916] {strides = array<i32>} : memref<2x16x1024xf32, #tpu.memory_space<vmem>>, vector<1x1x16xf32>,
        %get3A_918 = vector.shape_cast %get3A_917 : vector<1x1x16xf32> to vector<16xf32>
        %add3A_919 = arith.addf %get3A_913, %get3A_918 : vector<16xf32>
        %swap3A_920 = arith.index_cast %select_n3A_96 : i32 to index
        %swap3A_921 = arith.index_cast %scan3A_298 : i32 to index
        %swap3A_922 = arith.constant 576 : index
        %swap3A_923 = tpu.vector_load %arg5[%swap3A_920, %swap3A_921, %swap3A_922] {strides = array<i32>} : memref<3x16x1024xf32, #tpu.memory_space<vmem>>, vector<1x1x16xf32>,
        %swap3A_924 = vector.shape_cast %swap3A_923 : vector<1x1x16xf32> to vector<16xf32>
        %swap3A_925 = vector.shape_cast %add3A_919 : vector<16xf32> to vector<1x1x16xf32>
        tpu.vector_store %arg5[%swap3A_920, %swap3A_921, %swap3A_922], %swap3A_925 {strides = array<i32>} : memref<3x16x1024xf32, #tpu.memory_space<vmem>>, vector<1x1x16xf32>,
        %get3A_926 = arith.index_cast %select_n3A_96 : i32 to index
        %get3A_927 = arith.index_cast %scan3A_298 : i32 to index
        %get3A_928 = arith.constant 592 : index
        %get3A_929 = tpu.vector_load %arg5[%get3A_926, %get3A_927, %get3A_928] {strides = array<i32>} : memref<3x16x1024xf32, #tpu.memory_space<vmem>>, vector<1x1x16xf32>,
        %get3A_930 = vector.shape_cast %get3A_929 : vector<1x1x16xf32> to vector<16xf32>
        %get3A_931 = arith.index_cast %select_n3A_149 : i32 to index
        %get3A_932 = arith.index_cast %scan3A_298 : i32 to index
        %get3A_933 = arith.constant 592 : index
        %get3A_934 = tpu.vector_load %arg6[%get3A_931, %get3A_932, %get3A_933] {strides = array<i32>} : memref<2x16x1024xf32, #tpu.memory_space<vmem>>, vector<1x1x16xf32>,
        %get3A_935 = vector.shape_cast %get3A_934 : vector<1x1x16xf32> to vector<16xf32>
        %add3A_936 = arith.addf %get3A_930, %get3A_935 : vector<16xf32>
        %swap3A_937 = arith.index_cast %select_n3A_96 : i32 to index
        %swap3A_938 = arith.index_cast %scan3A_298 : i32 to index
        %swap3A_939 = arith.constant 592 : index
        %swap3A_940 = tpu.vector_load %arg5[%swap3A_937, %swap3A_938, %swap3A_939] {strides = array<i32>} : memref<3x16x1024xf32, #tpu.memory_space<vmem>>, vector<1x1x16xf32>,
        %swap3A_941 = vector.shape_cast %swap3A_940 : vector<1x1x16xf32> to vector<16xf32>
        %swap3A_942 = vector.shape_cast %add3A_936 : vector<16xf32> to vector<1x1x16xf32>
        tpu.vector_store %arg5[%swap3A_937, %swap3A_938, %swap3A_939], %swap3A_942 {strides = array<i32>} : memref<3x16x1024xf32, #tpu.memory_space<vmem>>, vector<1x1x16xf32>,
        %get3A_943 = arith.index_cast %select_n3A_96 : i32 to index
        %get3A_944 = arith.index_cast %scan3A_298 : i32 to index
        %get3A_945 = arith.constant 608 : index
        %get3A_946 = tpu.vector_load %arg5[%get3A_943, %get3A_944, %get3A_945] {strides = array<i32>} : memref<3x16x1024xf32, #tpu.memory_space<vmem>>, vector<1x1x16xf32>,
        %get3A_947 = vector.shape_cast %get3A_946 : vector<1x1x16xf32> to vector<16xf32>
        %get3A_948 = arith.index_cast %select_n3A_149 : i32 to index
        %get3A_949 = arith.index_cast %scan3A_298 : i32 to index
        %get3A_950 = arith.constant 608 : index
        %get3A_951 = tpu.vector_load %arg6[%get3A_948, %get3A_949, %get3A_950] {strides = array<i32>} : memref<2x16x1024xf32, #tpu.memory_space<vmem>>, vector<1x1x16xf32>,
        %get3A_952 = vector.shape_cast %get3A_951 : vector<1x1x16xf32> to vector<16xf32>
        %add3A_953 = arith.addf %get3A_947, %get3A_952 : vector<16xf32>
        %swap3A_954 = arith.index_cast %select_n3A_96 : i32 to index
        %swap3A_955 = arith.index_cast %scan3A_298 : i32 to index
        %swap3A_956 = arith.constant 608 : index
        %swap3A_957 = tpu.vector_load %arg5[%swap3A_954, %swap3A_955, %swap3A_956] {strides = array<i32>} : memref<3x16x1024xf32, #tpu.memory_space<vmem>>, vector<1x1x16xf32>,
        %swap3A_958 = vector.shape_cast %swap3A_957 : vector<1x1x16xf32> to vector<16xf32>
        %swap3A_959 = vector.shape_cast %add3A_953 : vector<16xf32> to vector<1x1x16xf32>
        tpu.vector_store %arg5[%swap3A_954, %swap3A_955, %swap3A_956], %swap3A_959 {strides = array<i32>} : memref<3x16x1024xf32, #tpu.memory_space<vmem>>, vector<1x1x16xf32>,
        %get3A_960 = arith.index_cast %select_n3A_96 : i32 to index
        %get3A_961 = arith.index_cast %scan3A_298 : i32 to index
        %get3A_962 = arith.constant 624 : index
        %get3A_963 = tpu.vector_load %arg5[%get3A_960, %get3A_961, %get3A_962] {strides = array<i32>} : memref<3x16x1024xf32, #tpu.memory_space<vmem>>, vector<1x1x16xf32>,
        %get3A_964 = vector.shape_cast %get3A_963 : vector<1x1x16xf32> to vector<16xf32>
        %get3A_965 = arith.index_cast %select_n3A_149 : i32 to index
        %get3A_966 = arith.index_cast %scan3A_298 : i32 to index
        %get3A_967 = arith.constant 624 : index
        %get3A_968 = tpu.vector_load %arg6[%get3A_965, %get3A_966, %get3A_967] {strides = array<i32>} : memref<2x16x1024xf32, #tpu.memory_space<vmem>>, vector<1x1x16xf32>,
        %get3A_969 = vector.shape_cast %get3A_968 : vector<1x1x16xf32> to vector<16xf32>
        %add3A_970 = arith.addf %get3A_964, %get3A_969 : vector<16xf32>
        %swap3A_971 = arith.index_cast %select_n3A_96 : i32 to index
        %swap3A_972 = arith.index_cast %scan3A_298 : i32 to index
        %swap3A_973 = arith.constant 624 : index
        %swap3A_974 = tpu.vector_load %arg5[%swap3A_971, %swap3A_972, %swap3A_973] {strides = array<i32>} : memref<3x16x1024xf32, #tpu.memory_space<vmem>>, vector<1x1x16xf32>,
        %swap3A_975 = vector.shape_cast %swap3A_974 : vector<1x1x16xf32> to vector<16xf32>
        %swap3A_976 = vector.shape_cast %add3A_970 : vector<16xf32> to vector<1x1x16xf32>
        tpu.vector_store %arg5[%swap3A_971, %swap3A_972, %swap3A_973], %swap3A_976 {strides = array<i32>} : memref<3x16x1024xf32, #tpu.memory_space<vmem>>, vector<1x1x16xf32>,
        %get3A_977 = arith.index_cast %select_n3A_96 : i32 to index
        %get3A_978 = arith.index_cast %scan3A_298 : i32 to index
        %get3A_979 = arith.constant 640 : index
        %get3A_980 = tpu.vector_load %arg5[%get3A_977, %get3A_978, %get3A_979] {strides = array<i32>} : memref<3x16x1024xf32, #tpu.memory_space<vmem>>, vector<1x1x16xf32>,
        %get3A_981 = vector.shape_cast %get3A_980 : vector<1x1x16xf32> to vector<16xf32>
        %get3A_982 = arith.index_cast %select_n3A_149 : i32 to index
        %get3A_983 = arith.index_cast %scan3A_298 : i32 to index
        %get3A_984 = arith.constant 640 : index
        %get3A_985 = tpu.vector_load %arg6[%get3A_982, %get3A_983, %get3A_984] {strides = array<i32>} : memref<2x16x1024xf32, #tpu.memory_space<vmem>>, vector<1x1x16xf32>,
        %get3A_986 = vector.shape_cast %get3A_985 : vector<1x1x16xf32> to vector<16xf32>
        %add3A_987 = arith.addf %get3A_981, %get3A_986 : vector<16xf32>
        %swap3A_988 = arith.index_cast %select_n3A_96 : i32 to index
        %swap3A_989 = arith.index_cast %scan3A_298 : i32 to index
        %swap3A_990 = arith.constant 640 : index
        %swap3A_991 = tpu.vector_load %arg5[%swap3A_988, %swap3A_989, %swap3A_990] {strides = array<i32>} : memref<3x16x1024xf32, #tpu.memory_space<vmem>>, vector<1x1x16xf32>,
        %swap3A_992 = vector.shape_cast %swap3A_991 : vector<1x1x16xf32> to vector<16xf32>
        %swap3A_993 = vector.shape_cast %add3A_987 : vector<16xf32> to vector<1x1x16xf32>
        tpu.vector_store %arg5[%swap3A_988, %swap3A_989, %swap3A_990], %swap3A_993 {strides = array<i32>} : memref<3x16x1024xf32, #tpu.memory_space<vmem>>, vector<1x1x16xf32>,
        %get3A_994 = arith.index_cast %select_n3A_96 : i32 to index
        %get3A_995 = arith.index_cast %scan3A_298 : i32 to index
        %get3A_996 = arith.constant 656 : index
        %get3A_997 = tpu.vector_load %arg5[%get3A_994, %get3A_995, %get3A_996] {strides = array<i32>} : memref<3x16x1024xf32, #tpu.memory_space<vmem>>, vector<1x1x16xf32>,
        %get3A_998 = vector.shape_cast %get3A_997 : vector<1x1x16xf32> to vector<16xf32>
        %get3A_999 = arith.index_cast %select_n3A_149 : i32 to index
        %get3A_1000 = arith.index_cast %scan3A_298 : i32 to index
        %get3A_1001 = arith.constant 656 : index
        %get3A_1002 = tpu.vector_load %arg6[%get3A_999, %get3A_1000, %get3A_1001] {strides = array<i32>} : memref<2x16x1024xf32, #tpu.memory_space<vmem>>, vector<1x1x16xf32>,
        %get3A_1003 = vector.shape_cast %get3A_1002 : vector<1x1x16xf32> to vector<16xf32>
        %add3A_1004 = arith.addf %get3A_998, %get3A_1003 : vector<16xf32>
        %swap3A_1005 = arith.index_cast %select_n3A_96 : i32 to index
        %swap3A_1006 = arith.index_cast %scan3A_298 : i32 to index
        %swap3A_1007 = arith.constant 656 : index
        %swap3A_1008 = tpu.vector_load %arg5[%swap3A_1005, %swap3A_1006, %swap3A_1007] {strides = array<i32>} : memref<3x16x1024xf32, #tpu.memory_space<vmem>>, vector<1x1x16xf32>,
        %swap3A_1009 = vector.shape_cast %swap3A_1008 : vector<1x1x16xf32> to vector<16xf32>
        %swap3A_1010 = vector.shape_cast %add3A_1004 : vector<16xf32> to vector<1x1x16xf32>
        tpu.vector_store %arg5[%swap3A_1005, %swap3A_1006, %swap3A_1007], %swap3A_1010 {strides = array<i32>} : memref<3x16x1024xf32, #tpu.memory_space<vmem>>, vector<1x1x16xf32>,
        %get3A_1011 = arith.index_cast %select_n3A_96 : i32 to index
        %get3A_1012 = arith.index_cast %scan3A_298 : i32 to index
        %get3A_1013 = arith.constant 672 : index
        %get3A_1014 = tpu.vector_load %arg5[%get3A_1011, %get3A_1012, %get3A_1013] {strides = array<i32>} : memref<3x16x1024xf32, #tpu.memory_space<vmem>>, vector<1x1x16xf32>,
        %get3A_1015 = vector.shape_cast %get3A_1014 : vector<1x1x16xf32> to vector<16xf32>
        %get3A_1016 = arith.index_cast %select_n3A_149 : i32 to index
        %get3A_1017 = arith.index_cast %scan3A_298 : i32 to index
        %get3A_1018 = arith.constant 672 : index
        %get3A_1019 = tpu.vector_load %arg6[%get3A_1016, %get3A_1017, %get3A_1018] {strides = array<i32>} : memref<2x16x1024xf32, #tpu.memory_space<vmem>>, vector<1x1x16xf32>,
        %get3A_1020 = vector.shape_cast %get3A_1019 : vector<1x1x16xf32> to vector<16xf32>
        %add3A_1021 = arith.addf %get3A_1015, %get3A_1020 : vector<16xf32>
        %swap3A_1022 = arith.index_cast %select_n3A_96 : i32 to index
        %swap3A_1023 = arith.index_cast %scan3A_298 : i32 to index
        %swap3A_1024 = arith.constant 672 : index
        %swap3A_1025 = tpu.vector_load %arg5[%swap3A_1022, %swap3A_1023, %swap3A_1024] {strides = array<i32>} : memref<3x16x1024xf32, #tpu.memory_space<vmem>>, vector<1x1x16xf32>,
        %swap3A_1026 = vector.shape_cast %swap3A_1025 : vector<1x1x16xf32> to vector<16xf32>
        %swap3A_1027 = vector.shape_cast %add3A_1021 : vector<16xf32> to vector<1x1x16xf32>
        tpu.vector_store %arg5[%swap3A_1022, %swap3A_1023, %swap3A_1024], %swap3A_1027 {strides = array<i32>} : memref<3x16x1024xf32, #tpu.memory_space<vmem>>, vector<1x1x16xf32>,
        %get3A_1028 = arith.index_cast %select_n3A_96 : i32 to index
        %get3A_1029 = arith.index_cast %scan3A_298 : i32 to index
        %get3A_1030 = arith.constant 688 : index
        %get3A_1031 = tpu.vector_load %arg5[%get3A_1028, %get3A_1029, %get3A_1030] {strides = array<i32>} : memref<3x16x1024xf32, #tpu.memory_space<vmem>>, vector<1x1x16xf32>,
        %get3A_1032 = vector.shape_cast %get3A_1031 : vector<1x1x16xf32> to vector<16xf32>
        %get3A_1033 = arith.index_cast %select_n3A_149 : i32 to index
        %get3A_1034 = arith.index_cast %scan3A_298 : i32 to index
        %get3A_1035 = arith.constant 688 : index
        %get3A_1036 = tpu.vector_load %arg6[%get3A_1033, %get3A_1034, %get3A_1035] {strides = array<i32>} : memref<2x16x1024xf32, #tpu.memory_space<vmem>>, vector<1x1x16xf32>,
        %get3A_1037 = vector.shape_cast %get3A_1036 : vector<1x1x16xf32> to vector<16xf32>
        %add3A_1038 = arith.addf %get3A_1032, %get3A_1037 : vector<16xf32>
        %swap3A_1039 = arith.index_cast %select_n3A_96 : i32 to index
        %swap3A_1040 = arith.index_cast %scan3A_298 : i32 to index
        %swap3A_1041 = arith.constant 688 : index
        %swap3A_1042 = tpu.vector_load %arg5[%swap3A_1039, %swap3A_1040, %swap3A_1041] {strides = array<i32>} : memref<3x16x1024xf32, #tpu.memory_space<vmem>>, vector<1x1x16xf32>,
        %swap3A_1043 = vector.shape_cast %swap3A_1042 : vector<1x1x16xf32> to vector<16xf32>
        %swap3A_1044 = vector.shape_cast %add3A_1038 : vector<16xf32> to vector<1x1x16xf32>
        tpu.vector_store %arg5[%swap3A_1039, %swap3A_1040, %swap3A_1041], %swap3A_1044 {strides = array<i32>} : memref<3x16x1024xf32, #tpu.memory_space<vmem>>, vector<1x1x16xf32>,
        %get3A_1045 = arith.index_cast %select_n3A_96 : i32 to index
        %get3A_1046 = arith.index_cast %scan3A_298 : i32 to index
        %get3A_1047 = arith.constant 704 : index
        %get3A_1048 = tpu.vector_load %arg5[%get3A_1045, %get3A_1046, %get3A_1047] {strides = array<i32>} : memref<3x16x1024xf32, #tpu.memory_space<vmem>>, vector<1x1x16xf32>,
        %get3A_1049 = vector.shape_cast %get3A_1048 : vector<1x1x16xf32> to vector<16xf32>
        %get3A_1050 = arith.index_cast %select_n3A_149 : i32 to index
        %get3A_1051 = arith.index_cast %scan3A_298 : i32 to index
        %get3A_1052 = arith.constant 704 : index
        %get3A_1053 = tpu.vector_load %arg6[%get3A_1050, %get3A_1051, %get3A_1052] {strides = array<i32>} : memref<2x16x1024xf32, #tpu.memory_space<vmem>>, vector<1x1x16xf32>,
        %get3A_1054 = vector.shape_cast %get3A_1053 : vector<1x1x16xf32> to vector<16xf32>
        %add3A_1055 = arith.addf %get3A_1049, %get3A_1054 : vector<16xf32>
        %swap3A_1056 = arith.index_cast %select_n3A_96 : i32 to index
        %swap3A_1057 = arith.index_cast %scan3A_298 : i32 to index
        %swap3A_1058 = arith.constant 704 : index
        %swap3A_1059 = tpu.vector_load %arg5[%swap3A_1056, %swap3A_1057, %swap3A_1058] {strides = array<i32>} : memref<3x16x1024xf32, #tpu.memory_space<vmem>>, vector<1x1x16xf32>,
        %swap3A_1060 = vector.shape_cast %swap3A_1059 : vector<1x1x16xf32> to vector<16xf32>
        %swap3A_1061 = vector.shape_cast %add3A_1055 : vector<16xf32> to vector<1x1x16xf32>
        tpu.vector_store %arg5[%swap3A_1056, %swap3A_1057, %swap3A_1058], %swap3A_1061 {strides = array<i32>} : memref<3x16x1024xf32, #tpu.memory_space<vmem>>, vector<1x1x16xf32>,
        %get3A_1062 = arith.index_cast %select_n3A_96 : i32 to index
        %get3A_1063 = arith.index_cast %scan3A_298 : i32 to index
        %get3A_1064 = arith.constant 720 : index
        %get3A_1065 = tpu.vector_load %arg5[%get3A_1062, %get3A_1063, %get3A_1064] {strides = array<i32>} : memref<3x16x1024xf32, #tpu.memory_space<vmem>>, vector<1x1x16xf32>,
        %get3A_1066 = vector.shape_cast %get3A_1065 : vector<1x1x16xf32> to vector<16xf32>
        %get3A_1067 = arith.index_cast %select_n3A_149 : i32 to index
        %get3A_1068 = arith.index_cast %scan3A_298 : i32 to index
        %get3A_1069 = arith.constant 720 : index
        %get3A_1070 = tpu.vector_load %arg6[%get3A_1067, %get3A_1068, %get3A_1069] {strides = array<i32>} : memref<2x16x1024xf32, #tpu.memory_space<vmem>>, vector<1x1x16xf32>,
        %get3A_1071 = vector.shape_cast %get3A_1070 : vector<1x1x16xf32> to vector<16xf32>
        %add3A_1072 = arith.addf %get3A_1066, %get3A_1071 : vector<16xf32>
        %swap3A_1073 = arith.index_cast %select_n3A_96 : i32 to index
        %swap3A_1074 = arith.index_cast %scan3A_298 : i32 to index
        %swap3A_1075 = arith.constant 720 : index
        %swap3A_1076 = tpu.vector_load %arg5[%swap3A_1073, %swap3A_1074, %swap3A_1075] {strides = array<i32>} : memref<3x16x1024xf32, #tpu.memory_space<vmem>>, vector<1x1x16xf32>,
        %swap3A_1077 = vector.shape_cast %swap3A_1076 : vector<1x1x16xf32> to vector<16xf32>
        %swap3A_1078 = vector.shape_cast %add3A_1072 : vector<16xf32> to vector<1x1x16xf32>
        tpu.vector_store %arg5[%swap3A_1073, %swap3A_1074, %swap3A_1075], %swap3A_1078 {strides = array<i32>} : memref<3x16x1024xf32, #tpu.memory_space<vmem>>, vector<1x1x16xf32>,
        %get3A_1079 = arith.index_cast %select_n3A_96 : i32 to index
        %get3A_1080 = arith.index_cast %scan3A_298 : i32 to index
        %get3A_1081 = arith.constant 736 : index
        %get3A_1082 = tpu.vector_load %arg5[%get3A_1079, %get3A_1080, %get3A_1081] {strides = array<i32>} : memref<3x16x1024xf32, #tpu.memory_space<vmem>>, vector<1x1x16xf32>,
        %get3A_1083 = vector.shape_cast %get3A_1082 : vector<1x1x16xf32> to vector<16xf32>
        %get3A_1084 = arith.index_cast %select_n3A_149 : i32 to index
        %get3A_1085 = arith.index_cast %scan3A_298 : i32 to index
        %get3A_1086 = arith.constant 736 : index
        %get3A_1087 = tpu.vector_load %arg6[%get3A_1084, %get3A_1085, %get3A_1086] {strides = array<i32>} : memref<2x16x1024xf32, #tpu.memory_space<vmem>>, vector<1x1x16xf32>,
        %get3A_1088 = vector.shape_cast %get3A_1087 : vector<1x1x16xf32> to vector<16xf32>
        %add3A_1089 = arith.addf %get3A_1083, %get3A_1088 : vector<16xf32>
        %swap3A_1090 = arith.index_cast %select_n3A_96 : i32 to index
        %swap3A_1091 = arith.index_cast %scan3A_298 : i32 to index
        %swap3A_1092 = arith.constant 736 : index
        %swap3A_1093 = tpu.vector_load %arg5[%swap3A_1090, %swap3A_1091, %swap3A_1092] {strides = array<i32>} : memref<3x16x1024xf32, #tpu.memory_space<vmem>>, vector<1x1x16xf32>,
        %swap3A_1094 = vector.shape_cast %swap3A_1093 : vector<1x1x16xf32> to vector<16xf32>
        %swap3A_1095 = vector.shape_cast %add3A_1089 : vector<16xf32> to vector<1x1x16xf32>
        tpu.vector_store %arg5[%swap3A_1090, %swap3A_1091, %swap3A_1092], %swap3A_1095 {strides = array<i32>} : memref<3x16x1024xf32, #tpu.memory_space<vmem>>, vector<1x1x16xf32>,
        %get3A_1096 = arith.index_cast %select_n3A_96 : i32 to index
        %get3A_1097 = arith.index_cast %scan3A_298 : i32 to index
        %get3A_1098 = arith.constant 752 : index
        %get3A_1099 = tpu.vector_load %arg5[%get3A_1096, %get3A_1097, %get3A_1098] {strides = array<i32>} : memref<3x16x1024xf32, #tpu.memory_space<vmem>>, vector<1x1x16xf32>,
        %get3A_1100 = vector.shape_cast %get3A_1099 : vector<1x1x16xf32> to vector<16xf32>
        %get3A_1101 = arith.index_cast %select_n3A_149 : i32 to index
        %get3A_1102 = arith.index_cast %scan3A_298 : i32 to index
        %get3A_1103 = arith.constant 752 : index
        %get3A_1104 = tpu.vector_load %arg6[%get3A_1101, %get3A_1102, %get3A_1103] {strides = array<i32>} : memref<2x16x1024xf32, #tpu.memory_space<vmem>>, vector<1x1x16xf32>,
        %get3A_1105 = vector.shape_cast %get3A_1104 : vector<1x1x16xf32> to vector<16xf32>
        %add3A_1106 = arith.addf %get3A_1100, %get3A_1105 : vector<16xf32>
        %swap3A_1107 = arith.index_cast %select_n3A_96 : i32 to index
        %swap3A_1108 = arith.index_cast %scan3A_298 : i32 to index
        %swap3A_1109 = arith.constant 752 : index
        %swap3A_1110 = tpu.vector_load %arg5[%swap3A_1107, %swap3A_1108, %swap3A_1109] {strides = array<i32>} : memref<3x16x1024xf32, #tpu.memory_space<vmem>>, vector<1x1x16xf32>,
        %swap3A_1111 = vector.shape_cast %swap3A_1110 : vector<1x1x16xf32> to vector<16xf32>
        %swap3A_1112 = vector.shape_cast %add3A_1106 : vector<16xf32> to vector<1x1x16xf32>
        tpu.vector_store %arg5[%swap3A_1107, %swap3A_1108, %swap3A_1109], %swap3A_1112 {strides = array<i32>} : memref<3x16x1024xf32, #tpu.memory_space<vmem>>, vector<1x1x16xf32>,
        %get3A_1113 = arith.index_cast %select_n3A_96 : i32 to index
        %get3A_1114 = arith.index_cast %scan3A_298 : i32 to index
        %get3A_1115 = arith.constant 768 : index
        %get3A_1116 = tpu.vector_load %arg5[%get3A_1113, %get3A_1114, %get3A_1115] {strides = array<i32>} : memref<3x16x1024xf32, #tpu.memory_space<vmem>>, vector<1x1x16xf32>,
        %get3A_1117 = vector.shape_cast %get3A_1116 : vector<1x1x16xf32> to vector<16xf32>
        %get3A_1118 = arith.index_cast %select_n3A_149 : i32 to index
        %get3A_1119 = arith.index_cast %scan3A_298 : i32 to index
        %get3A_1120 = arith.constant 768 : index
        %get3A_1121 = tpu.vector_load %arg6[%get3A_1118, %get3A_1119, %get3A_1120] {strides = array<i32>} : memref<2x16x1024xf32, #tpu.memory_space<vmem>>, vector<1x1x16xf32>,
        %get3A_1122 = vector.shape_cast %get3A_1121 : vector<1x1x16xf32> to vector<16xf32>
        %add3A_1123 = arith.addf %get3A_1117, %get3A_1122 : vector<16xf32>
        %swap3A_1124 = arith.index_cast %select_n3A_96 : i32 to index
        %swap3A_1125 = arith.index_cast %scan3A_298 : i32 to index
        %swap3A_1126 = arith.constant 768 : index
        %swap3A_1127 = tpu.vector_load %arg5[%swap3A_1124, %swap3A_1125, %swap3A_1126] {strides = array<i32>} : memref<3x16x1024xf32, #tpu.memory_space<vmem>>, vector<1x1x16xf32>,
        %swap3A_1128 = vector.shape_cast %swap3A_1127 : vector<1x1x16xf32> to vector<16xf32>
        %swap3A_1129 = vector.shape_cast %add3A_1123 : vector<16xf32> to vector<1x1x16xf32>
        tpu.vector_store %arg5[%swap3A_1124, %swap3A_1125, %swap3A_1126], %swap3A_1129 {strides = array<i32>} : memref<3x16x1024xf32, #tpu.memory_space<vmem>>, vector<1x1x16xf32>,
        %get3A_1130 = arith.index_cast %select_n3A_96 : i32 to index
        %get3A_1131 = arith.index_cast %scan3A_298 : i32 to index
        %get3A_1132 = arith.constant 784 : index
        %get3A_1133 = tpu.vector_load %arg5[%get3A_1130, %get3A_1131, %get3A_1132] {strides = array<i32>} : memref<3x16x1024xf32, #tpu.memory_space<vmem>>, vector<1x1x16xf32>,
        %get3A_1134 = vector.shape_cast %get3A_1133 : vector<1x1x16xf32> to vector<16xf32>
        %get3A_1135 = arith.index_cast %select_n3A_149 : i32 to index
        %get3A_1136 = arith.index_cast %scan3A_298 : i32 to index
        %get3A_1137 = arith.constant 784 : index
        %get3A_1138 = tpu.vector_load %arg6[%get3A_1135, %get3A_1136, %get3A_1137] {strides = array<i32>} : memref<2x16x1024xf32, #tpu.memory_space<vmem>>, vector<1x1x16xf32>,
        %get3A_1139 = vector.shape_cast %get3A_1138 : vector<1x1x16xf32> to vector<16xf32>
        %add3A_1140 = arith.addf %get3A_1134, %get3A_1139 : vector<16xf32>
        %swap3A_1141 = arith.index_cast %select_n3A_96 : i32 to index
        %swap3A_1142 = arith.index_cast %scan3A_298 : i32 to index
        %swap3A_1143 = arith.constant 784 : index
        %swap3A_1144 = tpu.vector_load %arg5[%swap3A_1141, %swap3A_1142, %swap3A_1143] {strides = array<i32>} : memref<3x16x1024xf32, #tpu.memory_space<vmem>>, vector<1x1x16xf32>,
        %swap3A_1145 = vector.shape_cast %swap3A_1144 : vector<1x1x16xf32> to vector<16xf32>
        %swap3A_1146 = vector.shape_cast %add3A_1140 : vector<16xf32> to vector<1x1x16xf32>
        tpu.vector_store %arg5[%swap3A_1141, %swap3A_1142, %swap3A_1143], %swap3A_1146 {strides = array<i32>} : memref<3x16x1024xf32, #tpu.memory_space<vmem>>, vector<1x1x16xf32>,
        %get3A_1147 = arith.index_cast %select_n3A_96 : i32 to index
        %get3A_1148 = arith.index_cast %scan3A_298 : i32 to index
        %get3A_1149 = arith.constant 800 : index
        %get3A_1150 = tpu.vector_load %arg5[%get3A_1147, %get3A_1148, %get3A_1149] {strides = array<i32>} : memref<3x16x1024xf32, #tpu.memory_space<vmem>>, vector<1x1x16xf32>,
        %get3A_1151 = vector.shape_cast %get3A_1150 : vector<1x1x16xf32> to vector<16xf32>
        %get3A_1152 = arith.index_cast %select_n3A_149 : i32 to index
        %get3A_1153 = arith.index_cast %scan3A_298 : i32 to index
        %get3A_1154 = arith.constant 800 : index
        %get3A_1155 = tpu.vector_load %arg6[%get3A_1152, %get3A_1153, %get3A_1154] {strides = array<i32>} : memref<2x16x1024xf32, #tpu.memory_space<vmem>>, vector<1x1x16xf32>,
        %get3A_1156 = vector.shape_cast %get3A_1155 : vector<1x1x16xf32> to vector<16xf32>
        %add3A_1157 = arith.addf %get3A_1151, %get3A_1156 : vector<16xf32>
        %swap3A_1158 = arith.index_cast %select_n3A_96 : i32 to index
        %swap3A_1159 = arith.index_cast %scan3A_298 : i32 to index
        %swap3A_1160 = arith.constant 800 : index
        %swap3A_1161 = tpu.vector_load %arg5[%swap3A_1158, %swap3A_1159, %swap3A_1160] {strides = array<i32>} : memref<3x16x1024xf32, #tpu.memory_space<vmem>>, vector<1x1x16xf32>,
        %swap3A_1162 = vector.shape_cast %swap3A_1161 : vector<1x1x16xf32> to vector<16xf32>
        %swap3A_1163 = vector.shape_cast %add3A_1157 : vector<16xf32> to vector<1x1x16xf32>
        tpu.vector_store %arg5[%swap3A_1158, %swap3A_1159, %swap3A_1160], %swap3A_1163 {strides = array<i32>} : memref<3x16x1024xf32, #tpu.memory_space<vmem>>, vector<1x1x16xf32>,
        %get3A_1164 = arith.index_cast %select_n3A_96 : i32 to index
        %get3A_1165 = arith.index_cast %scan3A_298 : i32 to index
        %get3A_1166 = arith.constant 816 : index
        %get3A_1167 = tpu.vector_load %arg5[%get3A_1164, %get3A_1165, %get3A_1166] {strides = array<i32>} : memref<3x16x1024xf32, #tpu.memory_space<vmem>>, vector<1x1x16xf32>,
        %get3A_1168 = vector.shape_cast %get3A_1167 : vector<1x1x16xf32> to vector<16xf32>
        %get3A_1169 = arith.index_cast %select_n3A_149 : i32 to index
        %get3A_1170 = arith.index_cast %scan3A_298 : i32 to index
        %get3A_1171 = arith.constant 816 : index
        %get3A_1172 = tpu.vector_load %arg6[%get3A_1169, %get3A_1170, %get3A_1171] {strides = array<i32>} : memref<2x16x1024xf32, #tpu.memory_space<vmem>>, vector<1x1x16xf32>,
        %get3A_1173 = vector.shape_cast %get3A_1172 : vector<1x1x16xf32> to vector<16xf32>
        %add3A_1174 = arith.addf %get3A_1168, %get3A_1173 : vector<16xf32>
        %swap3A_1175 = arith.index_cast %select_n3A_96 : i32 to index
        %swap3A_1176 = arith.index_cast %scan3A_298 : i32 to index
        %swap3A_1177 = arith.constant 816 : index
        %swap3A_1178 = tpu.vector_load %arg5[%swap3A_1175, %swap3A_1176, %swap3A_1177] {strides = array<i32>} : memref<3x16x1024xf32, #tpu.memory_space<vmem>>, vector<1x1x16xf32>,
        %swap3A_1179 = vector.shape_cast %swap3A_1178 : vector<1x1x16xf32> to vector<16xf32>
        %swap3A_1180 = vector.shape_cast %add3A_1174 : vector<16xf32> to vector<1x1x16xf32>
        tpu.vector_store %arg5[%swap3A_1175, %swap3A_1176, %swap3A_1177], %swap3A_1180 {strides = array<i32>} : memref<3x16x1024xf32, #tpu.memory_space<vmem>>, vector<1x1x16xf32>,
        %get3A_1181 = arith.index_cast %select_n3A_96 : i32 to index
        %get3A_1182 = arith.index_cast %scan3A_298 : i32 to index
        %get3A_1183 = arith.constant 832 : index
        %get3A_1184 = tpu.vector_load %arg5[%get3A_1181, %get3A_1182, %get3A_1183] {strides = array<i32>} : memref<3x16x1024xf32, #tpu.memory_space<vmem>>, vector<1x1x16xf32>,
        %get3A_1185 = vector.shape_cast %get3A_1184 : vector<1x1x16xf32> to vector<16xf32>
        %get3A_1186 = arith.index_cast %select_n3A_149 : i32 to index
        %get3A_1187 = arith.index_cast %scan3A_298 : i32 to index
        %get3A_1188 = arith.constant 832 : index
        %get3A_1189 = tpu.vector_load %arg6[%get3A_1186, %get3A_1187, %get3A_1188] {strides = array<i32>} : memref<2x16x1024xf32, #tpu.memory_space<vmem>>, vector<1x1x16xf32>,
        %get3A_1190 = vector.shape_cast %get3A_1189 : vector<1x1x16xf32> to vector<16xf32>
        %add3A_1191 = arith.addf %get3A_1185, %get3A_1190 : vector<16xf32>
        %swap3A_1192 = arith.index_cast %select_n3A_96 : i32 to index
        %swap3A_1193 = arith.index_cast %scan3A_298 : i32 to index
        %swap3A_1194 = arith.constant 832 : index
        %swap3A_1195 = tpu.vector_load %arg5[%swap3A_1192, %swap3A_1193, %swap3A_1194] {strides = array<i32>} : memref<3x16x1024xf32, #tpu.memory_space<vmem>>, vector<1x1x16xf32>,
        %swap3A_1196 = vector.shape_cast %swap3A_1195 : vector<1x1x16xf32> to vector<16xf32>
        %swap3A_1197 = vector.shape_cast %add3A_1191 : vector<16xf32> to vector<1x1x16xf32>
        tpu.vector_store %arg5[%swap3A_1192, %swap3A_1193, %swap3A_1194], %swap3A_1197 {strides = array<i32>} : memref<3x16x1024xf32, #tpu.memory_space<vmem>>, vector<1x1x16xf32>,
        %get3A_1198 = arith.index_cast %select_n3A_96 : i32 to index
        %get3A_1199 = arith.index_cast %scan3A_298 : i32 to index
        %get3A_1200 = arith.constant 848 : index
        %get3A_1201 = tpu.vector_load %arg5[%get3A_1198, %get3A_1199, %get3A_1200] {strides = array<i32>} : memref<3x16x1024xf32, #tpu.memory_space<vmem>>, vector<1x1x16xf32>,
        %get3A_1202 = vector.shape_cast %get3A_1201 : vector<1x1x16xf32> to vector<16xf32>
        %get3A_1203 = arith.index_cast %select_n3A_149 : i32 to index
        %get3A_1204 = arith.index_cast %scan3A_298 : i32 to index
        %get3A_1205 = arith.constant 848 : index
        %get3A_1206 = tpu.vector_load %arg6[%get3A_1203, %get3A_1204, %get3A_1205] {strides = array<i32>} : memref<2x16x1024xf32, #tpu.memory_space<vmem>>, vector<1x1x16xf32>,
        %get3A_1207 = vector.shape_cast %get3A_1206 : vector<1x1x16xf32> to vector<16xf32>
        %add3A_1208 = arith.addf %get3A_1202, %get3A_1207 : vector<16xf32>
        %swap3A_1209 = arith.index_cast %select_n3A_96 : i32 to index
        %swap3A_1210 = arith.index_cast %scan3A_298 : i32 to index
        %swap3A_1211 = arith.constant 848 : index
        %swap3A_1212 = tpu.vector_load %arg5[%swap3A_1209, %swap3A_1210, %swap3A_1211] {strides = array<i32>} : memref<3x16x1024xf32, #tpu.memory_space<vmem>>, vector<1x1x16xf32>,
        %swap3A_1213 = vector.shape_cast %swap3A_1212 : vector<1x1x16xf32> to vector<16xf32>
        %swap3A_1214 = vector.shape_cast %add3A_1208 : vector<16xf32> to vector<1x1x16xf32>
        tpu.vector_store %arg5[%swap3A_1209, %swap3A_1210, %swap3A_1211], %swap3A_1214 {strides = array<i32>} : memref<3x16x1024xf32, #tpu.memory_space<vmem>>, vector<1x1x16xf32>,
        %get3A_1215 = arith.index_cast %select_n3A_96 : i32 to index
        %get3A_1216 = arith.index_cast %scan3A_298 : i32 to index
        %get3A_1217 = arith.constant 864 : index
        %get3A_1218 = tpu.vector_load %arg5[%get3A_1215, %get3A_1216, %get3A_1217] {strides = array<i32>} : memref<3x16x1024xf32, #tpu.memory_space<vmem>>, vector<1x1x16xf32>,
        %get3A_1219 = vector.shape_cast %get3A_1218 : vector<1x1x16xf32> to vector<16xf32>
        %get3A_1220 = arith.index_cast %select_n3A_149 : i32 to index
        %get3A_1221 = arith.index_cast %scan3A_298 : i32 to index
        %get3A_1222 = arith.constant 864 : index
        %get3A_1223 = tpu.vector_load %arg6[%get3A_1220, %get3A_1221, %get3A_1222] {strides = array<i32>} : memref<2x16x1024xf32, #tpu.memory_space<vmem>>, vector<1x1x16xf32>,
        %get3A_1224 = vector.shape_cast %get3A_1223 : vector<1x1x16xf32> to vector<16xf32>
        %add3A_1225 = arith.addf %get3A_1219, %get3A_1224 : vector<16xf32>
        %swap3A_1226 = arith.index_cast %select_n3A_96 : i32 to index
        %swap3A_1227 = arith.index_cast %scan3A_298 : i32 to index
        %swap3A_1228 = arith.constant 864 : index
        %swap3A_1229 = tpu.vector_load %arg5[%swap3A_1226, %swap3A_1227, %swap3A_1228] {strides = array<i32>} : memref<3x16x1024xf32, #tpu.memory_space<vmem>>, vector<1x1x16xf32>,
        %swap3A_1230 = vector.shape_cast %swap3A_1229 : vector<1x1x16xf32> to vector<16xf32>
        %swap3A_1231 = vector.shape_cast %add3A_1225 : vector<16xf32> to vector<1x1x16xf32>
        tpu.vector_store %arg5[%swap3A_1226, %swap3A_1227, %swap3A_1228], %swap3A_1231 {strides = array<i32>} : memref<3x16x1024xf32, #tpu.memory_space<vmem>>, vector<1x1x16xf32>,
        %get3A_1232 = arith.index_cast %select_n3A_96 : i32 to index
        %get3A_1233 = arith.index_cast %scan3A_298 : i32 to index
        %get3A_1234 = arith.constant 880 : index
        %get3A_1235 = tpu.vector_load %arg5[%get3A_1232, %get3A_1233, %get3A_1234] {strides = array<i32>} : memref<3x16x1024xf32, #tpu.memory_space<vmem>>, vector<1x1x16xf32>,
        %get3A_1236 = vector.shape_cast %get3A_1235 : vector<1x1x16xf32> to vector<16xf32>
        %get3A_1237 = arith.index_cast %select_n3A_149 : i32 to index
        %get3A_1238 = arith.index_cast %scan3A_298 : i32 to index
        %get3A_1239 = arith.constant 880 : index
        %get3A_1240 = tpu.vector_load %arg6[%get3A_1237, %get3A_1238, %get3A_1239] {strides = array<i32>} : memref<2x16x1024xf32, #tpu.memory_space<vmem>>, vector<1x1x16xf32>,
        %get3A_1241 = vector.shape_cast %get3A_1240 : vector<1x1x16xf32> to vector<16xf32>
        %add3A_1242 = arith.addf %get3A_1236, %get3A_1241 : vector<16xf32>
        %swap3A_1243 = arith.index_cast %select_n3A_96 : i32 to index
        %swap3A_1244 = arith.index_cast %scan3A_298 : i32 to index
        %swap3A_1245 = arith.constant 880 : index
        %swap3A_1246 = tpu.vector_load %arg5[%swap3A_1243, %swap3A_1244, %swap3A_1245] {strides = array<i32>} : memref<3x16x1024xf32, #tpu.memory_space<vmem>>, vector<1x1x16xf32>,
        %swap3A_1247 = vector.shape_cast %swap3A_1246 : vector<1x1x16xf32> to vector<16xf32>
        %swap3A_1248 = vector.shape_cast %add3A_1242 : vector<16xf32> to vector<1x1x16xf32>
        tpu.vector_store %arg5[%swap3A_1243, %swap3A_1244, %swap3A_1245], %swap3A_1248 {strides = array<i32>} : memref<3x16x1024xf32, #tpu.memory_space<vmem>>, vector<1x1x16xf32>,
        %get3A_1249 = arith.index_cast %select_n3A_96 : i32 to index
        %get3A_1250 = arith.index_cast %scan3A_298 : i32 to index
        %get3A_1251 = arith.constant 896 : index
        %get3A_1252 = tpu.vector_load %arg5[%get3A_1249, %get3A_1250, %get3A_1251] {strides = array<i32>} : memref<3x16x1024xf32, #tpu.memory_space<vmem>>, vector<1x1x16xf32>,
        %get3A_1253 = vector.shape_cast %get3A_1252 : vector<1x1x16xf32> to vector<16xf32>
        %get3A_1254 = arith.index_cast %select_n3A_149 : i32 to index
        %get3A_1255 = arith.index_cast %scan3A_298 : i32 to index
        %get3A_1256 = arith.constant 896 : index
        %get3A_1257 = tpu.vector_load %arg6[%get3A_1254, %get3A_1255, %get3A_1256] {strides = array<i32>} : memref<2x16x1024xf32, #tpu.memory_space<vmem>>, vector<1x1x16xf32>,
        %get3A_1258 = vector.shape_cast %get3A_1257 : vector<1x1x16xf32> to vector<16xf32>
        %add3A_1259 = arith.addf %get3A_1253, %get3A_1258 : vector<16xf32>
        %swap3A_1260 = arith.index_cast %select_n3A_96 : i32 to index
        %swap3A_1261 = arith.index_cast %scan3A_298 : i32 to index
        %swap3A_1262 = arith.constant 896 : index
        %swap3A_1263 = tpu.vector_load %arg5[%swap3A_1260, %swap3A_1261, %swap3A_1262] {strides = array<i32>} : memref<3x16x1024xf32, #tpu.memory_space<vmem>>, vector<1x1x16xf32>,
        %swap3A_1264 = vector.shape_cast %swap3A_1263 : vector<1x1x16xf32> to vector<16xf32>
        %swap3A_1265 = vector.shape_cast %add3A_1259 : vector<16xf32> to vector<1x1x16xf32>
        tpu.vector_store %arg5[%swap3A_1260, %swap3A_1261, %swap3A_1262], %swap3A_1265 {strides = array<i32>} : memref<3x16x1024xf32, #tpu.memory_space<vmem>>, vector<1x1x16xf32>,
        %get3A_1266 = arith.index_cast %select_n3A_96 : i32 to index
        %get3A_1267 = arith.index_cast %scan3A_298 : i32 to index
        %get3A_1268 = arith.constant 912 : index
        %get3A_1269 = tpu.vector_load %arg5[%get3A_1266, %get3A_1267, %get3A_1268] {strides = array<i32>} : memref<3x16x1024xf32, #tpu.memory_space<vmem>>, vector<1x1x16xf32>,
        %get3A_1270 = vector.shape_cast %get3A_1269 : vector<1x1x16xf32> to vector<16xf32>
        %get3A_1271 = arith.index_cast %select_n3A_149 : i32 to index
        %get3A_1272 = arith.index_cast %scan3A_298 : i32 to index
        %get3A_1273 = arith.constant 912 : index
        %get3A_1274 = tpu.vector_load %arg6[%get3A_1271, %get3A_1272, %get3A_1273] {strides = array<i32>} : memref<2x16x1024xf32, #tpu.memory_space<vmem>>, vector<1x1x16xf32>,
        %get3A_1275 = vector.shape_cast %get3A_1274 : vector<1x1x16xf32> to vector<16xf32>
        %add3A_1276 = arith.addf %get3A_1270, %get3A_1275 : vector<16xf32>
        %swap3A_1277 = arith.index_cast %select_n3A_96 : i32 to index
        %swap3A_1278 = arith.index_cast %scan3A_298 : i32 to index
        %swap3A_1279 = arith.constant 912 : index
        %swap3A_1280 = tpu.vector_load %arg5[%swap3A_1277, %swap3A_1278, %swap3A_1279] {strides = array<i32>} : memref<3x16x1024xf32, #tpu.memory_space<vmem>>, vector<1x1x16xf32>,
        %swap3A_1281 = vector.shape_cast %swap3A_1280 : vector<1x1x16xf32> to vector<16xf32>
        %swap3A_1282 = vector.shape_cast %add3A_1276 : vector<16xf32> to vector<1x1x16xf32>
        tpu.vector_store %arg5[%swap3A_1277, %swap3A_1278, %swap3A_1279], %swap3A_1282 {strides = array<i32>} : memref<3x16x1024xf32, #tpu.memory_space<vmem>>, vector<1x1x16xf32>,
        %get3A_1283 = arith.index_cast %select_n3A_96 : i32 to index
        %get3A_1284 = arith.index_cast %scan3A_298 : i32 to index
        %get3A_1285 = arith.constant 928 : index
        %get3A_1286 = tpu.vector_load %arg5[%get3A_1283, %get3A_1284, %get3A_1285] {strides = array<i32>} : memref<3x16x1024xf32, #tpu.memory_space<vmem>>, vector<1x1x16xf32>,
        %get3A_1287 = vector.shape_cast %get3A_1286 : vector<1x1x16xf32> to vector<16xf32>
        %get3A_1288 = arith.index_cast %select_n3A_149 : i32 to index
        %get3A_1289 = arith.index_cast %scan3A_298 : i32 to index
        %get3A_1290 = arith.constant 928 : index
        %get3A_1291 = tpu.vector_load %arg6[%get3A_1288, %get3A_1289, %get3A_1290] {strides = array<i32>} : memref<2x16x1024xf32, #tpu.memory_space<vmem>>, vector<1x1x16xf32>,
        %get3A_1292 = vector.shape_cast %get3A_1291 : vector<1x1x16xf32> to vector<16xf32>
        %add3A_1293 = arith.addf %get3A_1287, %get3A_1292 : vector<16xf32>
        %swap3A_1294 = arith.index_cast %select_n3A_96 : i32 to index
        %swap3A_1295 = arith.index_cast %scan3A_298 : i32 to index
        %swap3A_1296 = arith.constant 928 : index
        %swap3A_1297 = tpu.vector_load %arg5[%swap3A_1294, %swap3A_1295, %swap3A_1296] {strides = array<i32>} : memref<3x16x1024xf32, #tpu.memory_space<vmem>>, vector<1x1x16xf32>,
        %swap3A_1298 = vector.shape_cast %swap3A_1297 : vector<1x1x16xf32> to vector<16xf32>
        %swap3A_1299 = vector.shape_cast %add3A_1293 : vector<16xf32> to vector<1x1x16xf32>
        tpu.vector_store %arg5[%swap3A_1294, %swap3A_1295, %swap3A_1296], %swap3A_1299 {strides = array<i32>} : memref<3x16x1024xf32, #tpu.memory_space<vmem>>, vector<1x1x16xf32>,
        %get3A_1300 = arith.index_cast %select_n3A_96 : i32 to index
        %get3A_1301 = arith.index_cast %scan3A_298 : i32 to index
        %get3A_1302 = arith.constant 944 : index
        %get3A_1303 = tpu.vector_load %arg5[%get3A_1300, %get3A_1301, %get3A_1302] {strides = array<i32>} : memref<3x16x1024xf32, #tpu.memory_space<vmem>>, vector<1x1x16xf32>,
        %get3A_1304 = vector.shape_cast %get3A_1303 : vector<1x1x16xf32> to vector<16xf32>
        %get3A_1305 = arith.index_cast %select_n3A_149 : i32 to index
        %get3A_1306 = arith.index_cast %scan3A_298 : i32 to index
        %get3A_1307 = arith.constant 944 : index
        %get3A_1308 = tpu.vector_load %arg6[%get3A_1305, %get3A_1306, %get3A_1307] {strides = array<i32>} : memref<2x16x1024xf32, #tpu.memory_space<vmem>>, vector<1x1x16xf32>,
        %get3A_1309 = vector.shape_cast %get3A_1308 : vector<1x1x16xf32> to vector<16xf32>
        %add3A_1310 = arith.addf %get3A_1304, %get3A_1309 : vector<16xf32>
        %swap3A_1311 = arith.index_cast %select_n3A_96 : i32 to index
        %swap3A_1312 = arith.index_cast %scan3A_298 : i32 to index
        %swap3A_1313 = arith.constant 944 : index
        %swap3A_1314 = tpu.vector_load %arg5[%swap3A_1311, %swap3A_1312, %swap3A_1313] {strides = array<i32>} : memref<3x16x1024xf32, #tpu.memory_space<vmem>>, vector<1x1x16xf32>,
        %swap3A_1315 = vector.shape_cast %swap3A_1314 : vector<1x1x16xf32> to vector<16xf32>
        %swap3A_1316 = vector.shape_cast %add3A_1310 : vector<16xf32> to vector<1x1x16xf32>
        tpu.vector_store %arg5[%swap3A_1311, %swap3A_1312, %swap3A_1313], %swap3A_1316 {strides = array<i32>} : memref<3x16x1024xf32, #tpu.memory_space<vmem>>, vector<1x1x16xf32>,
        %get3A_1317 = arith.index_cast %select_n3A_96 : i32 to index
        %get3A_1318 = arith.index_cast %scan3A_298 : i32 to index
        %get3A_1319 = arith.constant 960 : index
        %get3A_1320 = tpu.vector_load %arg5[%get3A_1317, %get3A_1318, %get3A_1319] {strides = array<i32>} : memref<3x16x1024xf32, #tpu.memory_space<vmem>>, vector<1x1x16xf32>,
        %get3A_1321 = vector.shape_cast %get3A_1320 : vector<1x1x16xf32> to vector<16xf32>
        %get3A_1322 = arith.index_cast %select_n3A_149 : i32 to index
        %get3A_1323 = arith.index_cast %scan3A_298 : i32 to index
        %get3A_1324 = arith.constant 960 : index
        %get3A_1325 = tpu.vector_load %arg6[%get3A_1322, %get3A_1323, %get3A_1324] {strides = array<i32>} : memref<2x16x1024xf32, #tpu.memory_space<vmem>>, vector<1x1x16xf32>,
        %get3A_1326 = vector.shape_cast %get3A_1325 : vector<1x1x16xf32> to vector<16xf32>
        %add3A_1327 = arith.addf %get3A_1321, %get3A_1326 : vector<16xf32>
        %swap3A_1328 = arith.index_cast %select_n3A_96 : i32 to index
        %swap3A_1329 = arith.index_cast %scan3A_298 : i32 to index
        %swap3A_1330 = arith.constant 960 : index
        %swap3A_1331 = tpu.vector_load %arg5[%swap3A_1328, %swap3A_1329, %swap3A_1330] {strides = array<i32>} : memref<3x16x1024xf32, #tpu.memory_space<vmem>>, vector<1x1x16xf32>,
        %swap3A_1332 = vector.shape_cast %swap3A_1331 : vector<1x1x16xf32> to vector<16xf32>
        %swap3A_1333 = vector.shape_cast %add3A_1327 : vector<16xf32> to vector<1x1x16xf32>
        tpu.vector_store %arg5[%swap3A_1328, %swap3A_1329, %swap3A_1330], %swap3A_1333 {strides = array<i32>} : memref<3x16x1024xf32, #tpu.memory_space<vmem>>, vector<1x1x16xf32>,
        %get3A_1334 = arith.index_cast %select_n3A_96 : i32 to index
        %get3A_1335 = arith.index_cast %scan3A_298 : i32 to index
        %get3A_1336 = arith.constant 976 : index
        %get3A_1337 = tpu.vector_load %arg5[%get3A_1334, %get3A_1335, %get3A_1336] {strides = array<i32>} : memref<3x16x1024xf32, #tpu.memory_space<vmem>>, vector<1x1x16xf32>,
        %get3A_1338 = vector.shape_cast %get3A_1337 : vector<1x1x16xf32> to vector<16xf32>
        %get3A_1339 = arith.index_cast %select_n3A_149 : i32 to index
        %get3A_1340 = arith.index_cast %scan3A_298 : i32 to index
        %get3A_1341 = arith.constant 976 : index
        %get3A_1342 = tpu.vector_load %arg6[%get3A_1339, %get3A_1340, %get3A_1341] {strides = array<i32>} : memref<2x16x1024xf32, #tpu.memory_space<vmem>>, vector<1x1x16xf32>,
        %get3A_1343 = vector.shape_cast %get3A_1342 : vector<1x1x16xf32> to vector<16xf32>
        %add3A_1344 = arith.addf %get3A_1338, %get3A_1343 : vector<16xf32>
        %swap3A_1345 = arith.index_cast %select_n3A_96 : i32 to index
        %swap3A_1346 = arith.index_cast %scan3A_298 : i32 to index
        %swap3A_1347 = arith.constant 976 : index
        %swap3A_1348 = tpu.vector_load %arg5[%swap3A_1345, %swap3A_1346, %swap3A_1347] {strides = array<i32>} : memref<3x16x1024xf32, #tpu.memory_space<vmem>>, vector<1x1x16xf32>,
        %swap3A_1349 = vector.shape_cast %swap3A_1348 : vector<1x1x16xf32> to vector<16xf32>
        %swap3A_1350 = vector.shape_cast %add3A_1344 : vector<16xf32> to vector<1x1x16xf32>
        tpu.vector_store %arg5[%swap3A_1345, %swap3A_1346, %swap3A_1347], %swap3A_1350 {strides = array<i32>} : memref<3x16x1024xf32, #tpu.memory_space<vmem>>, vector<1x1x16xf32>,
        %get3A_1351 = arith.index_cast %select_n3A_96 : i32 to index
        %get3A_1352 = arith.index_cast %scan3A_298 : i32 to index
        %get3A_1353 = arith.constant 992 : index
        %get3A_1354 = tpu.vector_load %arg5[%get3A_1351, %get3A_1352, %get3A_1353] {strides = array<i32>} : memref<3x16x1024xf32, #tpu.memory_space<vmem>>, vector<1x1x16xf32>,
        %get3A_1355 = vector.shape_cast %get3A_1354 : vector<1x1x16xf32> to vector<16xf32>
        %get3A_1356 = arith.index_cast %select_n3A_149 : i32 to index
        %get3A_1357 = arith.index_cast %scan3A_298 : i32 to index
        %get3A_1358 = arith.constant 992 : index
        %get3A_1359 = tpu.vector_load %arg6[%get3A_1356, %get3A_1357, %get3A_1358] {strides = array<i32>} : memref<2x16x1024xf32, #tpu.memory_space<vmem>>, vector<1x1x16xf32>,
        %get3A_1360 = vector.shape_cast %get3A_1359 : vector<1x1x16xf32> to vector<16xf32>
        %add3A_1361 = arith.addf %get3A_1355, %get3A_1360 : vector<16xf32>
        %swap3A_1362 = arith.index_cast %select_n3A_96 : i32 to index
        %swap3A_1363 = arith.index_cast %scan3A_298 : i32 to index
        %swap3A_1364 = arith.constant 992 : index
        %swap3A_1365 = tpu.vector_load %arg5[%swap3A_1362, %swap3A_1363, %swap3A_1364] {strides = array<i32>} : memref<3x16x1024xf32, #tpu.memory_space<vmem>>, vector<1x1x16xf32>,
        %swap3A_1366 = vector.shape_cast %swap3A_1365 : vector<1x1x16xf32> to vector<16xf32>
        %swap3A_1367 = vector.shape_cast %add3A_1361 : vector<16xf32> to vector<1x1x16xf32>
        tpu.vector_store %arg5[%swap3A_1362, %swap3A_1363, %swap3A_1364], %swap3A_1367 {strides = array<i32>} : memref<3x16x1024xf32, #tpu.memory_space<vmem>>, vector<1x1x16xf32>,
        %get3A_1368 = arith.index_cast %select_n3A_96 : i32 to index
        %get3A_1369 = arith.index_cast %scan3A_298 : i32 to index
        %get3A_1370 = arith.constant 1008 : index
        %get3A_1371 = tpu.vector_load %arg5[%get3A_1368, %get3A_1369, %get3A_1370] {strides = array<i32>} : memref<3x16x1024xf32, #tpu.memory_space<vmem>>, vector<1x1x16xf32>,
        %get3A_1372 = vector.shape_cast %get3A_1371 : vector<1x1x16xf32> to vector<16xf32>
        %get3A_1373 = arith.index_cast %select_n3A_149 : i32 to index
        %get3A_1374 = arith.index_cast %scan3A_298 : i32 to index
        %get3A_1375 = arith.constant 1008 : index
        %get3A_1376 = tpu.vector_load %arg6[%get3A_1373, %get3A_1374, %get3A_1375] {strides = array<i32>} : memref<2x16x1024xf32, #tpu.memory_space<vmem>>, vector<1x1x16xf32>,
        %get3A_1377 = vector.shape_cast %get3A_1376 : vector<1x1x16xf32> to vector<16xf32>
        %add3A_1378 = arith.addf %get3A_1372, %get3A_1377 : vector<16xf32>
        %swap3A_1379 = arith.index_cast %select_n3A_96 : i32 to index
        %swap3A_1380 = arith.index_cast %scan3A_298 : i32 to index
        %swap3A_1381 = arith.constant 1008 : index
        %swap3A_1382 = tpu.vector_load %arg5[%swap3A_1379, %swap3A_1380, %swap3A_1381] {strides = array<i32>} : memref<3x16x1024xf32, #tpu.memory_space<vmem>>, vector<1x1x16xf32>,
        %swap3A_1383 = vector.shape_cast %swap3A_1382 : vector<1x1x16xf32> to vector<16xf32>
        %swap3A_1384 = vector.shape_cast %add3A_1378 : vector<16xf32> to vector<1x1x16xf32>
        tpu.vector_store %arg5[%swap3A_1379, %swap3A_1380, %swap3A_1381], %swap3A_1384 {strides = array<i32>} : memref<3x16x1024xf32, #tpu.memory_space<vmem>>, vector<1x1x16xf32>,
      }
      %scan3A_238 = arith.constant 16 : i32
      %jit3A_239 = arith.constant 4 : i32
      %div3A_240 = arith.divsi %scan3A_87, %jit3A_239 : i32
      %sign3A_241 = arith.constant 0 : i32
      %sign3A_242 = arith.cmpi sgt, %scan3A_87, %sign3A_241 : i32
      %sign3A_243 = arith.extui %sign3A_242 : i1 to i32
      %sign3A_244 = arith.constant 0 : i32
      %sign3A_245 = arith.cmpi slt, %scan3A_87, %sign3A_244 : i32
      %sign3A_246 = arith.extui %sign3A_245 : i1 to i32
      %sign3A_247 = arith.subi %sign3A_243, %sign3A_246 : i32
      %sign3A_248 = arith.constant 0 : i32
      %sign3A_249 = arith.cmpi sgt, %jit3A_239, %sign3A_248 : i32
      %sign3A_250 = arith.extui %sign3A_249 : i1 to i32
      %sign3A_251 = arith.constant 0 : i32
      %sign3A_252 = arith.cmpi slt, %jit3A_239, %sign3A_251 : i32
      %sign3A_253 = arith.extui %sign3A_252 : i1 to i32
      %sign3A_254 = arith.subi %sign3A_250, %sign3A_253 : i32
      %ne3A_255 = arith.cmpi ne, %sign3A_247, %sign3A_254 : i32
      %rem3A_256 = arith.remsi %scan3A_87, %jit3A_239 : i32
      %ne3A_257 = arith.constant 0 : i32
      %ne3A_258 = arith.cmpi ne, %rem3A_256, %ne3A_257 : i32
      %and3A_259 = arith.andi %ne3A_255, %ne3A_258 : i1
      %sub3A_260 = arith.constant 1 : i32
      %sub3A_261 = arith.subi %div3A_240, %sub3A_260 : i32
      %select_n3A_262 = arith.select %and3A_259, %sub3A_261, %div3A_240 : i32
      %jit3A_263 = arith.constant 4 : i32
      %eq3A_264 = arith.constant 0 : i32
      %eq3A_265 = arith.cmpi eq, %jit3A_263, %eq3A_264 : i32
      %jit3A_266 = arith.constant 1 : i32
      %select_n3A_267 = arith.select %eq3A_265, %jit3A_266, %jit3A_263 : i32
      %rem3A_268 = arith.remsi %scan3A_87, %select_n3A_267 : i32
      %ne3A_269 = arith.constant 0 : i32
      %ne3A_270 = arith.cmpi ne, %rem3A_268, %ne3A_269 : i32
      %lt3A_271 = arith.constant 0 : i32
      %lt3A_272 = arith.cmpi slt, %rem3A_268, %lt3A_271 : i32
      %lt3A_273 = arith.constant 0 : i32
      %lt3A_274 = arith.cmpi slt, %select_n3A_267, %lt3A_273 : i32
      %ne3A_275 = arith.xori %lt3A_272, %lt3A_274 : i1
      %and3A_276 = arith.andi %ne3A_275, %ne3A_270 : i1
      %add3A_277 = arith.addi %rem3A_268, %select_n3A_267 : i32
      %select_n3A_278 = arith.select %and3A_276, %add3A_277, %rem3A_268 : i32
      %mul3A_279 = arith.constant 16 : i32
      %mul3A_280 = arith.muli %select_n3A_262, %mul3A_279 : i32
      %add3A_281 = arith.addi %mul3A_2, %mul3A_280 : i32
      %dma_start3A_282 = arith.constant 0 : i32
      %dma_start3A_283 = arith.constant 0 : i32
      %dma_start3A_284 = tpu.memref_slice %arg5[%select_n3A_96, %dma_start3A_282, %dma_start3A_283] : memref<3x16x1024xf32, #tpu.memory_space<vmem>> -> memref<1x16x1024xf32, #tpu.memory_space<vmem>>
      %dma_start3A_285 = tpu.memref_squeeze %dma_start3A_284 : memref<1x16x1024xf32, #tpu.memory_space<vmem>> -> memref<16x1024xf32, #tpu.memory_space<vmem>>
      %dma_start3A_286 = arith.constant 0 : i32
      %dma_start3A_287 = tpu.memref_slice %arg4[%select_n3A_278, %add3A_281, %dma_start3A_286] : memref<4x8192x1024xf32, #tpu.memory_space<hbm>> -> memref<1x16x1024xf32, #tpu.memory_space<hbm>>
      %dma_start3A_288 = tpu.memref_squeeze %dma_start3A_287 : memref<1x16x1024xf32, #tpu.memory_space<hbm>> -> memref<16x1024xf32, #tpu.memory_space<hbm>>
      %dma_start3A_289 = tpu.memref_slice %arg8[%select_n3A_96] : memref<3x!tpu.dma_semaphore, #tpu.memory_space<semaphore_mem>> -> memref<1x!tpu.dma_semaphore, #tpu.memory_space<semaphore_mem>>
      %dma_start3A_290 = tpu.memref_squeeze %dma_start3A_289 : memref<1x!tpu.dma_semaphore, #tpu.memory_space<semaphore_mem>> -> memref<!tpu.dma_semaphore, #tpu.memory_space<semaphore_mem>>
      %dma_start3A_291 = arith.constant 0 : i32
      %dma_start3A_292 = tpu.memref_slice %arg4[%select_n3A_278, %add3A_281, %dma_start3A_291] : memref<4x8192x1024xf32, #tpu.memory_space<hbm>> -> memref<1x16x1024xf32, #tpu.memory_space<hbm>>
      %dma_start3A_293 = tpu.memref_squeeze %dma_start3A_292 : memref<1x16x1024xf32, #tpu.memory_space<hbm>> -> memref<16x1024xf32, #tpu.memory_space<hbm>>
      %dma_start3A_294 = arith.constant 0 : i32
      %dma_start3A_295 = arith.constant 0 : i32
      %dma_start3A_296 = tpu.memref_slice %arg5[%select_n3A_96, %dma_start3A_294, %dma_start3A_295] : memref<3x16x1024xf32, #tpu.memory_space<vmem>> -> memref<1x16x1024xf32, #tpu.memory_space<vmem>>
      %dma_start3A_297 = tpu.memref_squeeze %dma_start3A_296 : memref<1x16x1024xf32, #tpu.memory_space<vmem>> -> memref<16x1024xf32, #tpu.memory_space<vmem>>
      tpu.enqueue_dma source(%dma_start3A_297 : memref<16x1024xf32, #tpu.memory_space<vmem>>) target(%dma_start3A_293 : memref<16x1024xf32, #tpu.memory_space<hbm>>) target_semaphore(%dma_start3A_290 : memref<!tpu.dma_semaphore, #tpu.memory_space<semaphore_mem>>)
    }
    %scan3A_66 = arith.constant 64 : i32
    %add3A_67 = arith.constant 240 : i32
    %add3A_68 = arith.addi %mul3A_2, %add3A_67 : i32
    %dma_wait3A = arith.constant 0 : i32
    %dma_wait3A_69 = arith.constant 3 : i32
    %dma_wait3A_70 = arith.constant 0 : i32
    %dma_wait3A_71 = arith.constant 0 : i32
    %dma_wait3A_72 = arith.constant 0 : i32
    %dma_wait3A_73 = tpu.memref_slice %arg5[%dma_wait3A, %dma_wait3A_71, %dma_wait3A_72] : memref<3x16x1024xf32, #tpu.memory_space<vmem>> -> memref<1x16x1024xf32, #tpu.memory_space<vmem>>
    %dma_wait3A_74 = tpu.memref_squeeze %dma_wait3A_73 : memref<1x16x1024xf32, #tpu.memory_space<vmem>> -> memref<16x1024xf32, #tpu.memory_space<vmem>>
    %dma_wait3A_75 = arith.constant 0 : i32
    %dma_wait3A_76 = tpu.memref_slice %arg4[%dma_wait3A_69, %add3A_68, %dma_wait3A_75] : memref<4x8192x1024xf32, #tpu.memory_space<hbm>> -> memref<1x16x1024xf32, #tpu.memory_space<hbm>>
    %dma_wait3A_77 = tpu.memref_squeeze %dma_wait3A_76 : memref<1x16x1024xf32, #tpu.memory_space<hbm>> -> memref<16x1024xf32, #tpu.memory_space<hbm>>
    %dma_wait3A_78 = tpu.memref_slice %arg8[%dma_wait3A_70] : memref<3x!tpu.dma_semaphore, #tpu.memory_space<semaphore_mem>> -> memref<1x!tpu.dma_semaphore, #tpu.memory_space<semaphore_mem>>
    %dma_wait3A_79 = tpu.memref_squeeze %dma_wait3A_78 : memref<1x!tpu.dma_semaphore, #tpu.memory_space<semaphore_mem>> -> memref<!tpu.dma_semaphore, #tpu.memory_space<semaphore_mem>>
    %dma_wait3A_80 = arith.constant 0 : i32
    %dma_wait3A_81 = tpu.memref_slice %arg4[%dma_wait3A_69, %add3A_68, %dma_wait3A_80] : memref<4x8192x1024xf32, #tpu.memory_space<hbm>> -> memref<1x16x1024xf32, #tpu.memory_space<hbm>>
    %dma_wait3A_82 = tpu.memref_squeeze %dma_wait3A_81 : memref<1x16x1024xf32, #tpu.memory_space<hbm>> -> memref<16x1024xf32, #tpu.memory_space<hbm>>
    %dma_wait3A_83 = arith.constant 0 : i32
    %dma_wait3A_84 = arith.constant 0 : i32
    %dma_wait3A_85 = tpu.memref_slice %arg5[%dma_wait3A, %dma_wait3A_83, %dma_wait3A_84] : memref<3x16x1024xf32, #tpu.memory_space<vmem>> -> memref<1x16x1024xf32, #tpu.memory_space<vmem>>
    %dma_wait3A_86 = tpu.memref_squeeze %dma_wait3A_85 : memref<1x16x1024xf32, #tpu.memory_space<vmem>> -> memref<16x1024xf32, #tpu.memory_space<vmem>>
    tpu.wait_dma2 semaphore(%dma_wait3A_79 : memref<!tpu.dma_semaphore, #tpu.memory_space<semaphore_mem>>) src(%dma_wait3A_86 : memref<16x1024xf32, #tpu.memory_space<vmem>>) dst(%dma_wait3A_82 : memref<16x1024xf32, #tpu.memory_space<hbm>>)
    return
  }
}

</mosaic_0001>

<sc_bundles>
// kernel: kernel.3.cloned.1.call-start
scs
__scs_entry_jumppad:
0x0: {  	(pc) =	sbr.rel $0x88, $3  }
0x1: {  	(tag) =	ssettag $0x0;
	lr =	simm.s32 $0x1  }
0x2: {  	[smem:$0x3F9F] =	sst lr;
	_ =	strace $0xD0000000  }
0x3: {  	_ = 	snop  }
0x4: {  	_ = 	snop  }
0x5: {  	_ = 	snop  }
0x6: {  	_ = 	snop  }
0x7: {  	_ = 	snop  }
__scs_overlays_trampoline_lowered:
0x8: {  	[smem:$0x3FAE] =	sst s0  }
0x9: {  	[smem:$0x3FAF] =	sst s1  }
0xa: {  	[smem:$0x3FB0] =	sst s2  }
0xb: {  	[smem:$0x3FB1] =	sst s3  }
0xc: {  	[smem:$0x3FB2] =	sst s4  }
0xd: {  	[smem:$0x3FB3] =	sst s5  }
0xe: {  	[smem:$0x3FB4] =	sst s6  }
0xf: {  	[smem:$0x3FB5] =	sst s7  }
0x10: {  	[smem:$0x3FB6] =	sst s8  }
0x11: {  	[smem:$0x3FB7] =	sst s9;
	s0 =	simm.s32 @!p0 $0x0  }
0x12: {  	s1 =	sld [smem:$0x3F9D];
	s0 =	simm.s32 @p0 $0x1  }
0x13: {  	[smem:$0x3FB8] =	sst s0;
	s0 =	simm.s32 @!p1 $0x0  }
0x14: {  	s2 =	sld [smem:$0x3F9C];
	s0 =	simm.s32 @p1 $0x1  }
0x15: {  	[smem:$0x3FB9] =	sst s0;
	s0 =	simm.s32 @!p2 $0x0  }
0x16: {  	s3 =	sld [smem:$0x3FDB];
	s0 =	simm.s32 @p2 $0x1  }
0x17: {  	s4 =	simm.s32 $0x1BF5;
	[smem:$0x3FBB] =	sst s0  }
0x18: {  	s0 =	sld [smem:$0x3F9E];
	_ =	swait.ge [sflag:s4], $0x0  }
0x19: {  	s7 =	sld [smem:$0x3F9F]  }
0x1a: {  	s8 =	sadd.s32 $0xFFFFE003, lr  }
0x1b: {  	s9 =	sadd.s32 $0xFFFFFEF7, lr;
	s5 =	simm.s32 $0xFFFFFFFF;
	p2 =	slt.u32 s8, $0xFFFFF086  }
0x1c: {  	p1 =	slt.u32 s9, $0xF7A;
	s5 =	simm.s32 @!p2 $0x0  }
0x1d: {  	s5 =	simm.s32 @p1 $0x1;
	p0 =	seq.s32 s7, s2  }
0x1e: {  	s7 =	smul.u32 @!p0 $0xF7A, s2;
	p2 =	seq.s32 @!p0 s5, $0x0  }
0x1f: {  	s9 =	smul.u32 $0xF7A, s1;
	s8 =	simm.s32 @!p0 $0x1BF5;
	p2 =	por !p2, p0  }
0x20: {  	[sflag:s8] =	ssyncset.s32 @!p0 $0xFFFFF086;
	s6 =	sadd.s32 @!p0 s3, s7;
	s7 =	simm.s32 @!p0 $0x108  }
0x21: {  	s3 =	sadd.s32 s3, s9;
	s6 =	sadd.s32 @!p0 $0x88, s6;
	s7 =	simm.s32 @p2 $0x1082  }
0x22: {  	[simem:s7], [sflag:s8] =	dma.local @!p0 [hbm:s6], $0xF7A  }
0x23: {  	s9 =	sor.u32 $0xD0000000, s2;
	s6 =	simm.s32 $0x108;
	_ =	swait.ge @!p0 [sflag:s8], $0x0  }
0x24: {  	s3 =	sadd.s32 $0x88, s3;
	s6 =	simm.s32 @!p1 $0x1082;
	[sflag:s4] =	ssyncset.s32 $0xFFFFF086  }
0x25: {  	[simem:s6], [sflag:s4] =	dma.local [hbm:s3], $0xF7A  }
0x26: {  	[smem:$0x3F9F] =	sst s1;
	(tag) =	ssettag s2;
	_ =	strace s9  }
0x27: {  	s1 =	sld [smem:$0x3FAF]  }
0x28: {  	s2 =	sld [smem:$0x3FB0]  }
0x29: {  	s4 =	sld [smem:$0x3FB2]  }
0x2a: {  	p0 =	seq.s32 s5, $0x0;
	s5 =	sld [smem:$0x3FB3]  }
0x2b: {  	s6 =	sld [smem:$0x3FB4]  }
0x2c: {  	s7 =	sld [smem:$0x3FB5]  }
0x2d: {  	s3 =	simm.s32 $0x108;
	s8 =	sld [smem:$0x3FB6]  }
0x2e: {  	s3 =	simm.s32 @!p0 $0x1082;
	s9 =	sld [smem:$0x3FB7]  }
0x2f: {  	lr =	sadd.s32 s0, s3;
	s0 =	sld [smem:$0x3FAE]  }
0x30: {  	s3 =	sld [smem:$0x3FB1]  }
0x31: {  	[smem:$0x3FBA] =	sst s10  }
0x32: {  	s10 =	sld [smem:$0x3FB8];
	_ =	sdelay $0x3  }
0x33: {  	p0 =	seq.s32 s10, $0x1;
	s10 =	sld [smem:$0x3FBA];
	_ =	sdelay $0x3  }
0x34: {  	[smem:$0x3FBA] =	sst s10  }
0x35: {  	s10 =	sld [smem:$0x3FB9];
	_ =	sdelay $0x3  }
0x36: {  	p1 =	seq.s32 s10, $0x1;
	s10 =	sld [smem:$0x3FBA];
	_ =	sdelay $0x3  }
0x37: {  	[smem:$0x3FBA] =	sst s10  }
0x38: {  	s10 =	sld [smem:$0x3FBB]  }
0x39: {  	_ = 	snop;
	(pc) =	sbr.ind lr, $3  }
0x3a: {  	_ = 	snop  }
0x3b: {  	_ = 	snop  }
0x3c: {  	p2 =	seq.s32 s10, $0x1;
	s10 =	sld [smem:$0x3FBA]  }
0x3d: {  	_ =	shalt  }
0x3e: {  	_ =	shalt  }
0x3f: {  	_ =	shalt  }
0x40: {  	_ =	shalt  }
0x41: {  	_ =	shalt  }
0x42: {  	_ =	shalt  }
0x43: {  	_ =	shalt  }
0x44: {  	_ =	shalt  }
0x45: {  	_ =	shalt  }
0x46: {  	_ =	shalt  }
0x47: {  	_ =	shalt  }
0x48: {  	_ =	shalt  }
0x49: {  	_ =	shalt  }
0x4a: {  	_ =	shalt  }
0x4b: {  	_ =	shalt  }
0x4c: {  	_ =	shalt  }
0x4d: {  	_ =	shalt  }
0x4e: {  	_ =	shalt  }
0x4f: {  	_ =	shalt  }
0x50: {  	_ =	shalt  }
0x51: {  	_ =	shalt  }
0x52: {  	_ =	shalt  }
0x53: {  	_ =	shalt  }
0x54: {  	_ =	shalt  }
0x55: {  	_ =	shalt  }
0x56: {  	_ =	shalt  }
0x57: {  	_ =	shalt  }
0x58: {  	_ =	shalt  }
0x59: {  	_ =	shalt  }
0x5a: {  	_ =	shalt  }
0x5b: {  	_ =	shalt  }
0x5c: {  	_ =	shalt  }
0x5d: {  	_ =	shalt  }
0x5e: {  	_ =	shalt  }
0x5f: {  	_ =	shalt  }
0x60: {  	_ =	shalt  }
0x61: {  	_ =	shalt  }
0x62: {  	_ =	shalt  }
0x63: {  	_ =	shalt  }
0x64: {  	_ =	shalt  }
0x65: {  	_ =	shalt  }
0x66: {  	_ =	shalt  }
0x67: {  	_ =	shalt  }
0x68: {  	_ =	shalt  }
0x69: {  	_ =	shalt  }
0x6a: {  	_ =	shalt  }
0x6b: {  	_ =	shalt  }
0x6c: {  	_ =	shalt  }
0x6d: {  	_ =	shalt  }
0x6e: {  	_ =	shalt  }
0x6f: {  	_ =	shalt  }
0x70: {  	_ =	shalt  }
0x71: {  	_ =	shalt  }
0x72: {  	_ =	shalt  }
0x73: {  	_ =	shalt  }
0x74: {  	_ =	shalt  }
0x75: {  	_ =	shalt  }
0x76: {  	_ =	shalt  }
0x77: {  	_ =	shalt  }
0x78: {  	_ =	shalt  }
0x79: {  	_ =	shalt  }
0x7a: {  	_ =	shalt  }
0x7b: {  	_ =	shalt  }
0x7c: {  	_ =	shalt  }
0x7d: {  	_ =	shalt  }
0x7e: {  	_ =	shalt  }
0x7f: {  	_ =	shalt  }
0x80: {  	_ =	shalt  }
0x81: {  	_ =	shalt  }
0x82: {  	_ =	shalt  }
0x83: {  	_ =	shalt  }
0x84: {  	_ =	shalt  }
0x85: {  	_ =	shalt  }
0x86: {  	_ =	shalt  }
0x87: {  	_ =	shalt  }
.Lfunc_end0:
.L_simem_size_0:
called_computation_lowered:
.L_overlay_start_0:
0x88: {  	s2 =	sld [smem:$0x3FD9]  }
0x89: {  	s3 =	sld [smem:$0x3FFE];
	_ =	sdelay $0x1  }
0x8a: {  	s1 =	srdreg.scid  }
0x8b: {  	s0 =	sand.u32 $0x1, s1  }
0x8c: {  	s18 =	sshll.u32 s0, $0xA;
	s2 =	sadd.s32 s3, s2  }
0x8d: {  	s2 =	sadd.s32 s2, s18  }
0x8e: {  	[smem:$0x3FC6] =	sst s2  }
0x8f: {  	_ = 	snop  }
0x90: {  	s2 =	sld [smem:$0x3FC9]  }
0x91: {  	s19 =	sld [smem:$0x3FC8]  }
0x92: {  	s4 =	sld [smem:$0x3FD0];
	(tm) =	ssettm $0x1  }
0x93: {  	s5 =	sld [smem:$0x3FFB];
	_ =	sdelay $0x3  }
0x94: {  	_ =	strace s5  }
0x95: {  	s5 =	sld [smem:$0x3FFC];
	_ =	sdelay $0x3  }
0x96: {  	_ =	strace s5  }
0x97: {  	s5 =	sld [smem:$0x3FFD];
	_ =	sdelay $0x3  }
0x98: {  	_ =	strace s5  }
0x99: {  	_ =	strace $0x8FFFFFFF  }
0x9a: {  	s20 =	sld [smem:$0x3FDB];
	_ =	sdelay $0x1  }
0x9b: {  	s6 =	simm.s32 $_scs_section_size  }
0x9c: {  	s7 =	simm.s32 $_size__tile_overlayer_lowered;
	s8 =	simm.s32 $_tile_overlayer_lowered  }
0x9d: {  	s23 =	simm.s32 $0x1BFF;
	s22 =	sshll.u32 s8, $0x1;
	s5 =	sadd.s32 s6, s20  }
0x9e: {  	s9 =	simm.s32 $0x0;
	s21 =	sshll.u32 s7, $0x1;
	s7 =	sadd.s32 s22, s5  }
0x9f: {  	[timem:s9], [sflag:s23] =	dma.local [hbm:s7], s21  }
0xa0: {  	_ =	swait.ge [sflag:s23], s21  }
0xa1: {  	s6 =	ssub.s32 $0x0, s21;
	[sflag:s23] =	ssyncset.done $0x0  }
0xa2: {  	[sflag:s23] =	ssyncadd.s32 s6;
	_ =	sdelay $0x1  }
0xa3: {  	s24 =	simm.s32 $0x1B8B  }
0xa4: {  	_ =	swait.ge [sflag:s24], $0x1  }
0xa5: {  	[sflag:s24] =	ssyncset.done $0x0  }
0xa6: {  	s25 =	simm.s32 $0x1B8E;
	[sflag:s24] =	ssyncadd.s32 $0xFFFFFFFF  }
0xa7: {  	s26 =	simm.s32 $execute0_lowered;
	[smem:$0x3FD2] =	sst s25  }
0xa8: {  	s6 =	sshll.u32 s26, $0x1;
	_ =	strace $0x80000046;
	[dreg:$0x1] =	wrdreg $0xFFFFFFFF  }
0xa9: {  	s28 =	simm.s32 $_size_execute0_lowered;
	s5 =	sadd.s32 s5, s6;
	[dreg:$0x0] =	wrdreg $0x0  }
0xaa: {  	s6 =	sshll.u32 s28, $0x1;
	[dreg:$0x2] =	wrdreg s5  }
0xab: {  	[dreg:$0x3] =	wrdreg s6  }
0xac: {  	[dreg:$0x4] =	wrdreg $0xC0  }
0xad: {  	_ =	task [dreg:s9], $0x5FFFF  }
0xae: {  	[dreg:$0x1] =	wrdreg $0xFFFFFFFF  }
0xaf: {  	[dreg:$0x0] =	wrdreg $0x60  }
0xb0: {  	[dreg:$0x2] =	wrdreg s2  }
0xb1: {  	[dreg:$0x3] =	wrdreg s19  }
0xb2: {  	[dreg:$0x4] =	wrdreg s4  }
0xb3: {  	[dreg:$0x5] =	wrdreg $0x9  }
0xb4: {  	_ =	task.clear_ibuf [dreg:s9], $0x6FFFF;
	_ =	strace $0x90000046  }
0xb5: {  	s29 =	simm.s32 $0x9;
	_ =	strace $0x80000048  }
0xb6: {  	_ =	swait.ge [sflag:s29], $0x1  }
0xb7: {  	[sflag:s29] =	ssyncadd.s32 $0xFFFFFFFF  }
0xb8: {  	_ =	strace $0x90000048  }
0xb9: {  	_ =	sfence  }
0xba: {  	s30 =	sld [smem:$0x0];
	_ =	sdelay $0x2  }
0xbb: {  	s31 =	sshll.u32 s1, $0xD;
	s1 =	sshrl.u32 s1, $0x2  }
0xbc: {  	s3 =	sand.u32 $0x4000, s31;
	s1 =	sadd.s32 s1, s30  }
0xbd: {  	s0 =	sor.u32 s3, s0;
	s1 =	sshll.u32 s1, $0x11  }
0xbe: {  	s0 =	sor.u32 s1, s0  }
0xbf: {  	s0 =	sadd.s32 $0x8F2B, s0  }
0xc0: {  	[sflag:s0] =	ssyncadd.remote.s32 $0x1  }
0xc1: {  	_ =	sfence.sel $0xFFFF  }
0xc2: {  	[dreg:$0x0] =	wrdreg $0xFFFFFFFF;
	(pc) =	sbr.abs _section_cstart, $3  }
0xc3: {  	[dreg:$0x1] =	wrdreg $0xFFFFFFFF  }
0xc4: {  	_ =	task.clear_ibuf [dreg:s9], $0x2FFFF;
	_ =	strace $0x9FFFFFFF  }
0xc5: {  	(tm) =	ssettm $0x7FFFFFFF  }
tec
execute0_lowered:
.L_overlay_start_1:
0x0: {  	(tag) =	ssettag $0x1  }
0x1: {  	s3 =	rddreg [dreg:$0x0]  }
0x2: {  	s4 =	rddreg [dreg:$0x1]  }
0x3: {  	s6 =	rddreg [dreg:$0x2];
	s2 =	srdreg.scid  }
0x4: {  	s0 =	rddreg [dreg:$0x3];
	s1 =	stileid.u32;
	s9 =	simm.s32 $0x4000  }
0x5: {  	s10 =	simm.s32 $0x4;
	s11 =	simm.s32 $0x0;
	s5 =	sand.u32 $0x1, s2  }
0x6: {  	s2 =	simm.s32 $0x0;
	s7 =	sshll.u32 s1, $0x10;
	s8 =	sshll.u32 s5, $0xF  }
0x7: {  	[smem:$0x7FF] =	sst s2;
	s5 =	ssub.s32 $0x2, s5;
	s7 =	sor.u32 s8, s7  }
0x8: {  	_ =	strace $0x80000047;
	s31 =	sshrl.u32 s5, $0x1;
	s3 =	sadd.s32 s3, s7  }
0x9: {  	s8 =	ssub.s32 s5, s31;
	s4 =	sadd.s32 s4, s7;
	s6 =	sadd.s32 s6, s7  }
0xa: {  	s5 =	sadd.s32 $0x100000, s3;
	s7 =	smax.u32 s8, $0x1;
	s8 =	simm.s32 $0xC000  }
.LBB2_1:
0xb: {  	[tilespmem:s2], [sflag:$0x1] =	stream.linear.gather [hbm4b:s3+s2], $0x4000, $0x38;
	[tilespmem:$0x14000] =	vst v63  }
0xc: {  	_ = 	snop  }
0xd: {  	[tilespmem:s8], [sflag:$0x7] =	stream.linear.gather [hbm4b:s4+s2], $0x4000, $0x38;
	[tilespmem:$0x14000] =	vst v63  }
0xe: {  	s12 =	simm.s32 $0x0  }
0xf: {  	[tilespmem:s9], [sflag:$0x2] =	stream.linear.gather [hbm4b:s5+s2], $0x4000, $0x38;
	[tilespmem:$0x14000] =	vst v63  }
.LBB2_2:
0x10: {  	p0 =	seq.s32 s12, $0x0  }
0x11: {  	s13 =	sadd.s32 @!p0 $0xFFFFFFFF, s12  }
0x12: {  	s14 =	sand.u32 @!p0 $0xFF, s13  }
0x13: {  	s14 =	smul.u32 @!p0 $0xAB, s14;
	_ =	sdelay $0x1  }
0x14: {  	s14 =	sshrl.u32 @!p0 s14, $0x9  }
0x15: {  	s14 =	smul.u32 @!p0 $0x3, s14  }
0x16: {  	p1 =	slt.u32 @!p0 s12, $0x3E  }
0x17: {  	p1 =	por p0, p1;
	s13 =	ssub.s32 @!p0 s13, s14  }
.Ltmp0:
0x18: {  	s13 =	sor.u32 @!p0 $0x4, s13;
	(pc) =	sbr.rel @!p1 .LBB2_3-.Ltmp0, $4  }
0x19: {  	s15 =	sand.u32 @!p0 $0xFF, s13  }
0x1a: {  	_ =	swait.ge @!p0 [sflag:s15], $0x4000  }
0x1b: {  	[sflag:s15] =	ssyncset.done @!p0 $0x0  }
0x1c: {  	s14 =	sand.u32 $0x3, s12;
	s13 =	sshrl.u32 s12, $0x2;
	[sflag:s15] =	ssyncadd.s32 @!p0 $0xFFFFC000  }
0x1d: {  	s15 =	sadd.s32 $0x2, s12  }
0x1e: {  	s16 =	smul.u32 $0xAB, s15;
	_ =	sdelay $0x1  }
0x1f: {  	s16 =	sshrl.u32 s16, $0x9  }
0x20: {  	s16 =	sand.u32 $0x7F, s16  }
0x21: {  	p1 =	sgt.u32 s12, $0x3B;
	s16 =	smul.u32 $0x3, s16  }
0x22: {  	s17 =	sshll.u32 s15, $0x9;
	s18 =	sshll.u32 s15, $0x14;
	p2 =	sne.s32 @!p1 s14, $0x0  }
0x23: {  	s17 =	sand.u32 $0xF800, s17;
	s30 =	sand.u32 $0x300000, s18;
	s15 =	ssub.s32 s15, s16  }
0x24: {  	p3 =	por p2, p1;
	s17 =	sadd.s32 s17, s3;
	s15 =	sand.u32 $0xFF, s15  }
0x25: {  	s16 =	sadd.s32 s30, s17;
	s31 =	sshll.u32 s15, $0xE;
	s15 =	sadd.s32 $0x1, s15  }
0x26: {  	[tilespmem:s31], [sflag:s15] =	stream.linear.gather [hbm4b:s16+s2], $0x4000, $0x38;
	[tilespmem:$0x14000] =	vst v63  }
0x27: {  	s15 =	sadd.s32 @!p3 $0x1, s13  }
0x28: {  	s18 =	simm.s32 @!p3 $0x0;
	s16 =	sand.u32 @!p3 $0x1, s15  }
0x29: {  	s15 =	sshll.u32 @!p3 s15, $0xB;
	s17 =	sshll.u32 @!p3 s16, $0xE;
	s16 =	sadd.s32 @!p3 $0x7, s16  }
.Ltmp1:
0x2a: {  	s15 =	sadd.s32 @!p3 s15, s4;
	s17 =	sadd.s32 @!p3 $0xC000, s17;
	(pc) =	sbr.rel .LBB2_5-.Ltmp1, $4  }
0x2b: {  	[tilespmem:s17], [sflag:s16] =	stream.linear.gather @!p3 [hbm4b:s15+s18], $0x4000, $0x38;
	[tilespmem:$0x14000] =	vst v63  }
0x2c: {  	p0 =	seq.s32 s14, $0x0;
	p2 =	por !p2, p1;
	p3 =	por @!p3 $0x1, $0x1  }
0x2d: {  	p3 =	por @!p2 p0, p0  }
0x2e: {  	p0 =	por @!p1 p3, p3  }
.LBB2_3:
0x2f: {  	p0 =	seq.s32 s14, $0x0  }
.LBB2_5:
0x30: {  	s15 =	smul.u32 $0xAB, s12;
	_ =	sdelay $0x1  }
0x31: {  	s15 =	sshrl.u32 s15, $0x9  }
0x32: {  	s15 =	sand.u32 $0x7F, s15  }
0x33: {  	s15 =	smul.u32 $0x3, s15;
	_ =	sdelay $0x1  }
0x34: {  	s15 =	ssub.s32 s12, s15  }
0x35: {  	s15 =	sand.u32 $0xFF, s15  }
0x36: {  	s16 =	sadd.s32 $0x1, s15  }
0x37: {  	s17 =	sand.u32 $0x1, s13;
	_ =	swait.ge [sflag:s16], $0x4000  }
0x38: {  	s19 =	simm.s32 $0x0;
	s18 =	sadd.s32 @p0 $0x7, s17;
	[sflag:s16] =	ssyncset.done $0x0  }
0x39: {  	s17 =	sshll.u32 s17, $0xE;
	s20 =	sand.u32 $0x2000, s19;
	[sflag:s16] =	ssyncadd.s32 $0xFFFFC000  }
0x3a: {  	s19 =	sand.u32 $0x380, s19;
	s16 =	sshll.u32 s15, $0xE;
	_ =	swait.ge @p0 [sflag:s18], $0x4000  }
0x3b: {  	s17 =	sadd.s32 $0xC000, s17;
	s21 =	sadd.s32 s20, s16;
	[sflag:s18] =	ssyncset.done @p0 $0x0  }
0x3c: {  	s20 =	sadd.s32 s20, s17;
	[sflag:s18] =	ssyncadd.s32 @p0 $0xFFFFC000;
	s18 =	sadd.s32 s19, s21  }
0x3d: {  	s19 =	sadd.s32 s19, s20;
	v0 =	vld [tilespmem:s18+$0x0]  }
0x3e: {  	v1 =	vld [tilespmem:s19+$0x0];
	_ =	sdelay $0x4  }
0x3f: {  	v0 =	vadd.f32 v1, v0;
	_ =	sdelay $0x1  }
0x40: {  	[tilespmem:s18+$0x0] =	vst v0;
	v0 =	vld [tilespmem:s18+$0x10]  }
0x41: {  	v1 =	vld [tilespmem:s19+$0x10];
	_ =	sdelay $0x4  }
0x42: {  	v0 =	vadd.f32 v1, v0;
	_ =	sdelay $0x1  }
0x43: {  	[tilespmem:s18+$0x10] =	vst v0;
	v0 =	vld [tilespmem:s18+$0x20]  }
0x44: {  	v1 =	vld [tilespmem:s19+$0x20];
	_ =	sdelay $0x4  }
0x45: {  	v0 =	vadd.f32 v1, v0;
	_ =	sdelay $0x1  }
0x46: {  	[tilespmem:s18+$0x20] =	vst v0;
	v0 =	vld [tilespmem:s18+$0x30]  }
0x47: {  	v1 =	vld [tilespmem:s19+$0x30];
	_ =	sdelay $0x4  }
0x48: {  	v0 =	vadd.f32 v1, v0;
	_ =	sdelay $0x1  }
0x49: {  	[tilespmem:s18+$0x30] =	vst v0;
	v0 =	vld [tilespmem:s18+$0x40]  }
0x4a: {  	v1 =	vld [tilespmem:s19+$0x40];
	_ =	sdelay $0x4  }
0x4b: {  	v0 =	vadd.f32 v1, v0;
	_ =	sdelay $0x1  }
0x4c: {  	[tilespmem:s18+$0x40] =	vst v0;
	v0 =	vld [tilespmem:s18+$0x50]  }
0x4d: {  	v1 =	vld [tilespmem:s19+$0x50];
	_ =	sdelay $0x4  }
0x4e: {  	v0 =	vadd.f32 v1, v0;
	_ =	sdelay $0x1  }
0x4f: {  	[tilespmem:s18+$0x50] =	vst v0;
	v0 =	vld [tilespmem:s18+$0x60]  }
0x50: {  	v1 =	vld [tilespmem:s19+$0x60];
	_ =	sdelay $0x4  }
0x51: {  	v0 =	vadd.f32 v1, v0;
	_ =	sdelay $0x1  }
0x52: {  	[tilespmem:s18+$0x60] =	vst v0;
	v0 =	vld [tilespmem:s18+$0x70]  }
0x53: {  	v1 =	vld [tilespmem:s19+$0x70];
	_ =	sdelay $0x4  }
0x54: {  	v0 =	vadd.f32 v1, v0;
	_ =	sdelay $0x1  }
0x55: {  	[tilespmem:s18+$0x70] =	vst v0;
	v0 =	vld [tilespmem:s18+$0x400]  }
0x56: {  	v1 =	vld [tilespmem:s19+$0x400];
	_ =	sdelay $0x4  }
0x57: {  	v0 =	vadd.f32 v1, v0;
	_ =	sdelay $0x1  }
0x58: {  	[tilespmem:s18+$0x400] =	vst v0;
	v0 =	vld [tilespmem:s18+$0x410]  }
0x59: {  	v1 =	vld [tilespmem:s19+$0x410];
	_ =	sdelay $0x4  }
0x5a: {  	v0 =	vadd.f32 v1, v0;
	_ =	sdelay $0x1  }
0x5b: {  	[tilespmem:s18+$0x410] =	vst v0;
	v0 =	vld [tilespmem:s18+$0x420]  }
0x5c: {  	v1 =	vld [tilespmem:s19+$0x420];
	_ =	sdelay $0x4  }
0x5d: {  	v0 =	vadd.f32 v1, v0;
	_ =	sdelay $0x1  }
0x5e: {  	[tilespmem:s18+$0x420] =	vst v0;
	v0 =	vld [tilespmem:s18+$0x430]  }
0x5f: {  	v1 =	vld [tilespmem:s19+$0x430];
	_ =	sdelay $0x4  }
0x60: {  	v0 =	vadd.f32 v1, v0;
	_ =	sdelay $0x1  }
0x61: {  	[tilespmem:s18+$0x430] =	vst v0;
	v0 =	vld [tilespmem:s18+$0x440]  }
0x62: {  	v1 =	vld [tilespmem:s19+$0x440];
	_ =	sdelay $0x4  }
0x63: {  	v0 =	vadd.f32 v1, v0;
	_ =	sdelay $0x1  }
0x64: {  	[tilespmem:s18+$0x440] =	vst v0;
	v0 =	vld [tilespmem:s18+$0x450]  }
0x65: {  	v1 =	vld [tilespmem:s19+$0x450];
	_ =	sdelay $0x4  }
0x66: {  	v0 =	vadd.f32 v1, v0;
	_ =	sdelay $0x1  }
0x67: {  	[tilespmem:s18+$0x450] =	vst v0;
	v0 =	vld [tilespmem:s18+$0x460]  }
0x68: {  	v1 =	vld [tilespmem:s19+$0x460];
	_ =	sdelay $0x4  }
0x69: {  	v0 =	vadd.f32 v1, v0;
	_ =	sdelay $0x1  }
0x6a: {  	[tilespmem:s18+$0x460] =	vst v0;
	v0 =	vld [tilespmem:s18+$0x470]  }
0x6b: {  	v1 =	vld [tilespmem:s19+$0x470];
	_ =	sdelay $0x4  }
0x6c: {  	v0 =	vadd.f32 v1, v0;
	_ =	sdelay $0x1  }
0x6d: {  	[tilespmem:s18+$0x470] =	vst v0;
	v0 =	vld [tilespmem:s18+$0x800]  }
0x6e: {  	v1 =	vld [tilespmem:s19+$0x800];
	_ =	sdelay $0x4  }
0x6f: {  	v0 =	vadd.f32 v1, v0;
	_ =	sdelay $0x1  }
0x70: {  	[tilespmem:s18+$0x800] =	vst v0;
	v0 =	vld [tilespmem:s18+$0x810]  }
0x71: {  	v1 =	vld [tilespmem:s19+$0x810];
	_ =	sdelay $0x4  }
0x72: {  	v0 =	vadd.f32 v1, v0;
	_ =	sdelay $0x1  }
0x73: {  	[tilespmem:s18+$0x810] =	vst v0;
	v0 =	vld [tilespmem:s18+$0x820]  }
0x74: {  	v1 =	vld [tilespmem:s19+$0x820];
	_ =	sdelay $0x4  }
0x75: {  	v0 =	vadd.f32 v1, v0;
	_ =	sdelay $0x1  }
0x76: {  	[tilespmem:s18+$0x820] =	vst v0;
	v0 =	vld [tilespmem:s18+$0x830]  }
0x77: {  	v1 =	vld [tilespmem:s19+$0x830];
	_ =	sdelay $0x4  }
0x78: {  	v0 =	vadd.f32 v1, v0;
	_ =	sdelay $0x1  }
0x79: {  	[tilespmem:s18+$0x830] =	vst v0;
	v0 =	vld [tilespmem:s18+$0x840]  }
0x7a: {  	v1 =	vld [tilespmem:s19+$0x840];
	_ =	sdelay $0x4  }
0x7b: {  	v0 =	vadd.f32 v1, v0;
	_ =	sdelay $0x1  }
0x7c: {  	[tilespmem:s18+$0x840] =	vst v0;
	v0 =	vld [tilespmem:s18+$0x850]  }
0x7d: {  	v1 =	vld [tilespmem:s19+$0x850];
	_ =	sdelay $0x4  }
0x7e: {  	v0 =	vadd.f32 v1, v0;
	_ =	sdelay $0x1  }
0x7f: {  	[tilespmem:s18+$0x850] =	vst v0;
	v0 =	vld [tilespmem:s18+$0x860]  }
0x80: {  	v1 =	vld [tilespmem:s19+$0x860];
	_ =	sdelay $0x4  }
0x81: {  	v0 =	vadd.f32 v1, v0;
	_ =	sdelay $0x1  }
0x82: {  	[tilespmem:s18+$0x860] =	vst v0;
	v0 =	vld [tilespmem:s18+$0x870]  }
0x83: {  	v1 =	vld [tilespmem:s19+$0x870];
	_ =	sdelay $0x4  }
0x84: {  	v0 =	vadd.f32 v1, v0;
	_ =	sdelay $0x1  }
0x85: {  	[tilespmem:s18+$0x870] =	vst v0;
	v0 =	vld [tilespmem:s18+$0xC00]  }
0x86: {  	v1 =	vld [tilespmem:s19+$0xC00];
	_ =	sdelay $0x4  }
0x87: {  	v0 =	vadd.f32 v1, v0;
	_ =	sdelay $0x1  }
0x88: {  	[tilespmem:s18+$0xC00] =	vst v0;
	v0 =	vld [tilespmem:s18+$0xC10]  }
0x89: {  	v1 =	vld [tilespmem:s19+$0xC10];
	_ =	sdelay $0x4  }
0x8a: {  	v0 =	vadd.f32 v1, v0;
	_ =	sdelay $0x1  }
0x8b: {  	[tilespmem:s18+$0xC10] =	vst v0;
	v0 =	vld [tilespmem:s18+$0xC20]  }
0x8c: {  	v1 =	vld [tilespmem:s19+$0xC20];
	_ =	sdelay $0x4  }
0x8d: {  	v0 =	vadd.f32 v1, v0;
	_ =	sdelay $0x1  }
0x8e: {  	[tilespmem:s18+$0xC20] =	vst v0;
	v0 =	vld [tilespmem:s18+$0xC30]  }
0x8f: {  	v1 =	vld [tilespmem:s19+$0xC30];
	_ =	sdelay $0x4  }
0x90: {  	v0 =	vadd.f32 v1, v0;
	_ =	sdelay $0x1  }
0x91: {  	[tilespmem:s18+$0xC30] =	vst v0;
	v0 =	vld [tilespmem:s18+$0xC40]  }
0x92: {  	v1 =	vld [tilespmem:s19+$0xC40];
	_ =	sdelay $0x4  }
0x93: {  	v0 =	vadd.f32 v1, v0;
	_ =	sdelay $0x1  }
0x94: {  	[tilespmem:s18+$0xC40] =	vst v0;
	v0 =	vld [tilespmem:s18+$0xC50]  }
0x95: {  	v1 =	vld [tilespmem:s19+$0xC50];
	_ =	sdelay $0x4  }
0x96: {  	v0 =	vadd.f32 v1, v0;
	_ =	sdelay $0x1  }
0x97: {  	[tilespmem:s18+$0xC50] =	vst v0;
	v0 =	vld [tilespmem:s18+$0xC60]  }
0x98: {  	v1 =	vld [tilespmem:s19+$0xC60];
	_ =	sdelay $0x4  }
0x99: {  	v0 =	vadd.f32 v1, v0;
	_ =	sdelay $0x1  }
0x9a: {  	[tilespmem:s18+$0xC60] =	vst v0;
	v0 =	vld [tilespmem:s18+$0xC70]  }
0x9b: {  	v1 =	vld [tilespmem:s19+$0xC70];
	_ =	sdelay $0x4  }
0x9c: {  	v0 =	vadd.f32 v1, v0;
	_ =	sdelay $0x1  }
0x9d: {  	[tilespmem:s18+$0xC70] =	vst v0;
	v0 =	vld [tilespmem:s18+$0x1000]  }
0x9e: {  	v1 =	vld [tilespmem:s19+$0x1000];
	_ =	sdelay $0x4  }
0x9f: {  	v0 =	vadd.f32 v1, v0;
	_ =	sdelay $0x1  }
0xa0: {  	[tilespmem:s18+$0x1000] =	vst v0;
	v0 =	vld [tilespmem:s18+$0x1010]  }
0xa1: {  	v1 =	vld [tilespmem:s19+$0x1010];
	_ =	sdelay $0x4  }
0xa2: {  	v0 =	vadd.f32 v1, v0;
	_ =	sdelay $0x1  }
0xa3: {  	[tilespmem:s18+$0x1010] =	vst v0;
	v0 =	vld [tilespmem:s18+$0x1020]  }
0xa4: {  	v1 =	vld [tilespmem:s19+$0x1020];
	_ =	sdelay $0x4  }
0xa5: {  	v0 =	vadd.f32 v1, v0;
	_ =	sdelay $0x1  }
0xa6: {  	[tilespmem:s18+$0x1020] =	vst v0;
	v0 =	vld [tilespmem:s18+$0x1030]  }
0xa7: {  	v1 =	vld [tilespmem:s19+$0x1030];
	_ =	sdelay $0x4  }
0xa8: {  	v0 =	vadd.f32 v1, v0;
	_ =	sdelay $0x1  }
0xa9: {  	[tilespmem:s18+$0x1030] =	vst v0;
	v0 =	vld [tilespmem:s18+$0x1040]  }
0xaa: {  	v1 =	vld [tilespmem:s19+$0x1040];
	_ =	sdelay $0x4  }
0xab: {  	v0 =	vadd.f32 v1, v0;
	_ =	sdelay $0x1  }
0xac: {  	[tilespmem:s18+$0x1040] =	vst v0;
	v0 =	vld [tilespmem:s18+$0x1050]  }
0xad: {  	v1 =	vld [tilespmem:s19+$0x1050];
	_ =	sdelay $0x4  }
0xae: {  	v0 =	vadd.f32 v1, v0;
	_ =	sdelay $0x1  }
0xaf: {  	[tilespmem:s18+$0x1050] =	vst v0;
	v0 =	vld [tilespmem:s18+$0x1060]  }
0xb0: {  	v1 =	vld [tilespmem:s19+$0x1060];
	_ =	sdelay $0x4  }
0xb1: {  	v0 =	vadd.f32 v1, v0;
	_ =	sdelay $0x1  }
0xb2: {  	[tilespmem:s18+$0x1060] =	vst v0;
	v0 =	vld [tilespmem:s18+$0x1070]  }
0xb3: {  	v1 =	vld [tilespmem:s19+$0x1070];
	_ =	sdelay $0x4  }
0xb4: {  	v0 =	vadd.f32 v1, v0;
	_ =	sdelay $0x1  }
0xb5: {  	[tilespmem:s18+$0x1070] =	vst v0;
	v0 =	vld [tilespmem:s18+$0x1400]  }
0xb6: {  	v1 =	vld [tilespmem:s19+$0x1400];
	_ =	sdelay $0x4  }
0xb7: {  	v0 =	vadd.f32 v1, v0;
	_ =	sdelay $0x1  }
0xb8: {  	[tilespmem:s18+$0x1400] =	vst v0;
	v0 =	vld [tilespmem:s18+$0x1410]  }
0xb9: {  	v1 =	vld [tilespmem:s19+$0x1410];
	_ =	sdelay $0x4  }
0xba: {  	v0 =	vadd.f32 v1, v0;
	_ =	sdelay $0x1  }
0xbb: {  	[tilespmem:s18+$0x1410] =	vst v0;
	v0 =	vld [tilespmem:s18+$0x1420]  }
0xbc: {  	v1 =	vld [tilespmem:s19+$0x1420];
	_ =	sdelay $0x4  }
0xbd: {  	v0 =	vadd.f32 v1, v0;
	_ =	sdelay $0x1  }
0xbe: {  	[tilespmem:s18+$0x1420] =	vst v0;
	v0 =	vld [tilespmem:s18+$0x1430]  }
0xbf: {  	v1 =	vld [tilespmem:s19+$0x1430];
	_ =	sdelay $0x4  }
0xc0: {  	v0 =	vadd.f32 v1, v0;
	_ =	sdelay $0x1  }
0xc1: {  	[tilespmem:s18+$0x1430] =	vst v0;
	v0 =	vld [tilespmem:s18+$0x1440]  }
0xc2: {  	v1 =	vld [tilespmem:s19+$0x1440];
	_ =	sdelay $0x4  }
0xc3: {  	v0 =	vadd.f32 v1, v0;
	_ =	sdelay $0x1  }
0xc4: {  	[tilespmem:s18+$0x1440] =	vst v0;
	v0 =	vld [tilespmem:s18+$0x1450]  }
0xc5: {  	v1 =	vld [tilespmem:s19+$0x1450];
	_ =	sdelay $0x4  }
0xc6: {  	v0 =	vadd.f32 v1, v0;
	_ =	sdelay $0x1  }
0xc7: {  	[tilespmem:s18+$0x1450] =	vst v0;
	v0 =	vld [tilespmem:s18+$0x1460]  }
0xc8: {  	v1 =	vld [tilespmem:s19+$0x1460];
	_ =	sdelay $0x4  }
0xc9: {  	v0 =	vadd.f32 v1, v0;
	_ =	sdelay $0x1  }
0xca: {  	[tilespmem:s18+$0x1460] =	vst v0;
	v0 =	vld [tilespmem:s18+$0x1470]  }
0xcb: {  	v1 =	vld [tilespmem:s19+$0x1470];
	_ =	sdelay $0x4  }
0xcc: {  	v0 =	vadd.f32 v1, v0;
	_ =	sdelay $0x1  }
0xcd: {  	[tilespmem:s18+$0x1470] =	vst v0;
	v0 =	vld [tilespmem:s18+$0x1800]  }
0xce: {  	v1 =	vld [tilespmem:s19+$0x1800];
	_ =	sdelay $0x4  }
0xcf: {  	v0 =	vadd.f32 v1, v0;
	_ =	sdelay $0x1  }
0xd0: {  	[tilespmem:s18+$0x1800] =	vst v0;
	v0 =	vld [tilespmem:s18+$0x1810]  }
0xd1: {  	v1 =	vld [tilespmem:s19+$0x1810];
	_ =	sdelay $0x4  }
0xd2: {  	v0 =	vadd.f32 v1, v0;
	_ =	sdelay $0x1  }
0xd3: {  	[tilespmem:s18+$0x1810] =	vst v0;
	v0 =	vld [tilespmem:s18+$0x1820]  }
0xd4: {  	v1 =	vld [tilespmem:s19+$0x1820];
	_ =	sdelay $0x4  }
0xd5: {  	v0 =	vadd.f32 v1, v0;
	_ =	sdelay $0x1  }
0xd6: {  	[tilespmem:s18+$0x1820] =	vst v0;
	v0 =	vld [tilespmem:s18+$0x1830]  }
0xd7: {  	v1 =	vld [tilespmem:s19+$0x1830];
	_ =	sdelay $0x4  }
0xd8: {  	v0 =	vadd.f32 v1, v0;
	_ =	sdelay $0x1  }
0xd9: {  	[tilespmem:s18+$0x1830] =	vst v0;
	v0 =	vld [tilespmem:s18+$0x1840]  }
0xda: {  	v1 =	vld [tilespmem:s19+$0x1840];
	_ =	sdelay $0x4  }
0xdb: {  	v0 =	vadd.f32 v1, v0;
	_ =	sdelay $0x1  }
0xdc: {  	[tilespmem:s18+$0x1840] =	vst v0;
	v0 =	vld [tilespmem:s18+$0x1850]  }
0xdd: {  	v1 =	vld [tilespmem:s19+$0x1850];
	_ =	sdelay $0x4  }
0xde: {  	v0 =	vadd.f32 v1, v0;
	_ =	sdelay $0x1  }
0xdf: {  	[tilespmem:s18+$0x1850] =	vst v0;
	v0 =	vld [tilespmem:s18+$0x1860]  }
0xe0: {  	v1 =	vld [tilespmem:s19+$0x1860];
	_ =	sdelay $0x4  }
0xe1: {  	v0 =	vadd.f32 v1, v0;
	_ =	sdelay $0x1  }
0xe2: {  	[tilespmem:s18+$0x1860] =	vst v0;
	v0 =	vld [tilespmem:s18+$0x1870]  }
0xe3: {  	v1 =	vld [tilespmem:s19+$0x1870];
	_ =	sdelay $0x4  }
0xe4: {  	v0 =	vadd.f32 v1, v0;
	_ =	sdelay $0x1  }
0xe5: {  	[tilespmem:s18+$0x1870] =	vst v0;
	v0 =	vld [tilespmem:s18+$0x1C00]  }
0xe6: {  	v1 =	vld [tilespmem:s19+$0x1C00];
	_ =	sdelay $0x4  }
0xe7: {  	v0 =	vadd.f32 v1, v0;
	_ =	sdelay $0x1  }
0xe8: {  	[tilespmem:s18+$0x1C00] =	vst v0;
	v0 =	vld [tilespmem:s18+$0x1C10]  }
0xe9: {  	v1 =	vld [tilespmem:s19+$0x1C10];
	_ =	sdelay $0x4  }
0xea: {  	v0 =	vadd.f32 v1, v0;
	_ =	sdelay $0x1  }
0xeb: {  	[tilespmem:s18+$0x1C10] =	vst v0;
	v0 =	vld [tilespmem:s18+$0x1C20]  }
0xec: {  	v1 =	vld [tilespmem:s19+$0x1C20];
	_ =	sdelay $0x4  }
0xed: {  	v0 =	vadd.f32 v1, v0;
	_ =	sdelay $0x1  }
0xee: {  	[tilespmem:s18+$0x1C20] =	vst v0;
	v0 =	vld [tilespmem:s18+$0x1C30]  }
0xef: {  	v1 =	vld [tilespmem:s19+$0x1C30];
	_ =	sdelay $0x4  }
0xf0: {  	v0 =	vadd.f32 v1, v0;
	_ =	sdelay $0x1  }
0xf1: {  	[tilespmem:s18+$0x1C30] =	vst v0;
	v0 =	vld [tilespmem:s18+$0x1C40]  }
0xf2: {  	v1 =	vld [tilespmem:s19+$0x1C40];
	_ =	sdelay $0x4  }
0xf3: {  	v0 =	vadd.f32 v1, v0;
	_ =	sdelay $0x1  }
0xf4: {  	[tilespmem:s18+$0x1C40] =	vst v0;
	v0 =	vld [tilespmem:s18+$0x1C50]  }
0xf5: {  	v1 =	vld [tilespmem:s19+$0x1C50];
	_ =	sdelay $0x4  }
0xf6: {  	v0 =	vadd.f32 v1, v0;
	_ =	sdelay $0x1  }
0xf7: {  	[tilespmem:s18+$0x1C50] =	vst v0;
	v0 =	vld [tilespmem:s18+$0x1C60]  }
0xf8: {  	v1 =	vld [tilespmem:s19+$0x1C60];
	_ =	sdelay $0x4  }
0xf9: {  	v0 =	vadd.f32 v1, v0;
	_ =	sdelay $0x1  }
0xfa: {  	[tilespmem:s18+$0x1C60] =	vst v0;
	v0 =	vld [tilespmem:s18+$0x1C70]  }
0xfb: {  	v1 =	vld [tilespmem:s19+$0x1C70];
	_ =	sdelay $0x2  }
0xfc: {  	s31 =	simm.s32 $0x400  }
0xfd: {  	s22 =	sand.u32 $0x2000, s31;
	s19 =	simm.s32 $0x80  }
0xfe: {  	s23 =	sadd.s32 s22, s16;
	s20 =	simm.s32 $0x800;
	s21 =	sand.u32 $0x380, s19;
	v0 =	vadd.f32 v1, v0  }
.LBB2_6:
0xff: {  	p0 =	sne.s32 s20, $0x3C00;
	s23 =	sadd.s32 s21, s23;
	s22 =	sadd.s32 s22, s17  }
0x100: {  	v1 =	vld [tilespmem:s23+$0x0];
	s21 =	sadd.s32 s21, s22;
	[tilespmem:s18+$0x1C70] =	vst v0;
	s18 =	smov.u32 s23  }
0x101: {  	v0 =	vld [tilespmem:s21+$0x0];
	_ =	sdelay $0x4  }
0x102: {  	v0 =	vadd.f32 v0, v1;
	_ =	sdelay $0x1  }
0x103: {  	[tilespmem:s18+$0x0] =	vst v0;
	v0 =	vld [tilespmem:s18+$0x10]  }
0x104: {  	v1 =	vld [tilespmem:s21+$0x10];
	_ =	sdelay $0x4  }
0x105: {  	v0 =	vadd.f32 v1, v0;
	_ =	sdelay $0x1  }
0x106: {  	[tilespmem:s18+$0x10] =	vst v0;
	v0 =	vld [tilespmem:s18+$0x20]  }
0x107: {  	v1 =	vld [tilespmem:s21+$0x20];
	_ =	sdelay $0x4  }
0x108: {  	v0 =	vadd.f32 v1, v0;
	_ =	sdelay $0x1  }
0x109: {  	[tilespmem:s18+$0x20] =	vst v0;
	v0 =	vld [tilespmem:s18+$0x30]  }
0x10a: {  	v1 =	vld [tilespmem:s21+$0x30];
	_ =	sdelay $0x4  }
0x10b: {  	v0 =	vadd.f32 v1, v0;
	_ =	sdelay $0x1  }
0x10c: {  	[tilespmem:s18+$0x30] =	vst v0;
	v0 =	vld [tilespmem:s18+$0x40]  }
0x10d: {  	v1 =	vld [tilespmem:s21+$0x40];
	_ =	sdelay $0x4  }
0x10e: {  	v0 =	vadd.f32 v1, v0;
	_ =	sdelay $0x1  }
0x10f: {  	[tilespmem:s18+$0x40] =	vst v0;
	v0 =	vld [tilespmem:s18+$0x50]  }
0x110: {  	v1 =	vld [tilespmem:s21+$0x50];
	_ =	sdelay $0x4  }
0x111: {  	v0 =	vadd.f32 v1, v0;
	_ =	sdelay $0x1  }
0x112: {  	[tilespmem:s18+$0x50] =	vst v0;
	v0 =	vld [tilespmem:s18+$0x60]  }
0x113: {  	v1 =	vld [tilespmem:s21+$0x60];
	_ =	sdelay $0x4  }
0x114: {  	v0 =	vadd.f32 v1, v0;
	_ =	sdelay $0x1  }
0x115: {  	[tilespmem:s18+$0x60] =	vst v0;
	v0 =	vld [tilespmem:s18+$0x70]  }
0x116: {  	v1 =	vld [tilespmem:s21+$0x70];
	_ =	sdelay $0x4  }
0x117: {  	v0 =	vadd.f32 v1, v0;
	_ =	sdelay $0x1  }
0x118: {  	[tilespmem:s18+$0x70] =	vst v0;
	v0 =	vld [tilespmem:s18+$0x400]  }
0x119: {  	v1 =	vld [tilespmem:s21+$0x400];
	_ =	sdelay $0x4  }
0x11a: {  	v0 =	vadd.f32 v1, v0;
	_ =	sdelay $0x1  }
0x11b: {  	[tilespmem:s18+$0x400] =	vst v0;
	v0 =	vld [tilespmem:s18+$0x410]  }
0x11c: {  	v1 =	vld [tilespmem:s21+$0x410];
	_ =	sdelay $0x4  }
0x11d: {  	v0 =	vadd.f32 v1, v0;
	_ =	sdelay $0x1  }
0x11e: {  	[tilespmem:s18+$0x410] =	vst v0;
	v0 =	vld [tilespmem:s18+$0x420]  }
0x11f: {  	v1 =	vld [tilespmem:s21+$0x420];
	_ =	sdelay $0x4  }
0x120: {  	v0 =	vadd.f32 v1, v0;
	_ =	sdelay $0x1  }
0x121: {  	[tilespmem:s18+$0x420] =	vst v0;
	v0 =	vld [tilespmem:s18+$0x430]  }
0x122: {  	v1 =	vld [tilespmem:s21+$0x430];
	_ =	sdelay $0x4  }
0x123: {  	v0 =	vadd.f32 v1, v0;
	_ =	sdelay $0x1  }
0x124: {  	[tilespmem:s18+$0x430] =	vst v0;
	v0 =	vld [tilespmem:s18+$0x440]  }
0x125: {  	v1 =	vld [tilespmem:s21+$0x440];
	_ =	sdelay $0x4  }
0x126: {  	v0 =	vadd.f32 v1, v0;
	_ =	sdelay $0x1  }
0x127: {  	[tilespmem:s18+$0x440] =	vst v0;
	v0 =	vld [tilespmem:s18+$0x450]  }
0x128: {  	v1 =	vld [tilespmem:s21+$0x450];
	_ =	sdelay $0x4  }
0x129: {  	v0 =	vadd.f32 v1, v0;
	_ =	sdelay $0x1  }
0x12a: {  	[tilespmem:s18+$0x450] =	vst v0;
	v0 =	vld [tilespmem:s18+$0x460]  }
0x12b: {  	v1 =	vld [tilespmem:s21+$0x460];
	_ =	sdelay $0x4  }
0x12c: {  	v0 =	vadd.f32 v1, v0;
	_ =	sdelay $0x1  }
0x12d: {  	[tilespmem:s18+$0x460] =	vst v0;
	v0 =	vld [tilespmem:s18+$0x470]  }
0x12e: {  	v1 =	vld [tilespmem:s21+$0x470];
	_ =	sdelay $0x4  }
0x12f: {  	v0 =	vadd.f32 v1, v0;
	_ =	sdelay $0x1  }
0x130: {  	[tilespmem:s18+$0x470] =	vst v0;
	v0 =	vld [tilespmem:s18+$0x800]  }
0x131: {  	v1 =	vld [tilespmem:s21+$0x800];
	_ =	sdelay $0x4  }
0x132: {  	v0 =	vadd.f32 v1, v0;
	_ =	sdelay $0x1  }
0x133: {  	[tilespmem:s18+$0x800] =	vst v0;
	v0 =	vld [tilespmem:s18+$0x810]  }
0x134: {  	v1 =	vld [tilespmem:s21+$0x810];
	_ =	sdelay $0x4  }
0x135: {  	v0 =	vadd.f32 v1, v0;
	_ =	sdelay $0x1  }
0x136: {  	[tilespmem:s18+$0x810] =	vst v0;
	v0 =	vld [tilespmem:s18+$0x820]  }
0x137: {  	v1 =	vld [tilespmem:s21+$0x820];
	_ =	sdelay $0x4  }
0x138: {  	v0 =	vadd.f32 v1, v0;
	_ =	sdelay $0x1  }
0x139: {  	[tilespmem:s18+$0x820] =	vst v0;
	v0 =	vld [tilespmem:s18+$0x830]  }
0x13a: {  	v1 =	vld [tilespmem:s21+$0x830];
	_ =	sdelay $0x4  }
0x13b: {  	v0 =	vadd.f32 v1, v0;
	_ =	sdelay $0x1  }
0x13c: {  	[tilespmem:s18+$0x830] =	vst v0;
	v0 =	vld [tilespmem:s18+$0x840]  }
0x13d: {  	v1 =	vld [tilespmem:s21+$0x840];
	_ =	sdelay $0x4  }
0x13e: {  	v0 =	vadd.f32 v1, v0;
	_ =	sdelay $0x1  }
0x13f: {  	[tilespmem:s18+$0x840] =	vst v0;
	v0 =	vld [tilespmem:s18+$0x850]  }
0x140: {  	v1 =	vld [tilespmem:s21+$0x850];
	_ =	sdelay $0x4  }
0x141: {  	v0 =	vadd.f32 v1, v0;
	_ =	sdelay $0x1  }
0x142: {  	[tilespmem:s18+$0x850] =	vst v0;
	v0 =	vld [tilespmem:s18+$0x860]  }
0x143: {  	v1 =	vld [tilespmem:s21+$0x860];
	_ =	sdelay $0x4  }
0x144: {  	v0 =	vadd.f32 v1, v0;
	_ =	sdelay $0x1  }
0x145: {  	[tilespmem:s18+$0x860] =	vst v0;
	v0 =	vld [tilespmem:s18+$0x870]  }
0x146: {  	v1 =	vld [tilespmem:s21+$0x870];
	_ =	sdelay $0x4  }
0x147: {  	v0 =	vadd.f32 v1, v0;
	_ =	sdelay $0x1  }
0x148: {  	[tilespmem:s18+$0x870] =	vst v0;
	v0 =	vld [tilespmem:s18+$0xC00]  }
0x149: {  	v1 =	vld [tilespmem:s21+$0xC00];
	_ =	sdelay $0x4  }
0x14a: {  	v0 =	vadd.f32 v1, v0;
	_ =	sdelay $0x1  }
0x14b: {  	[tilespmem:s18+$0xC00] =	vst v0;
	v0 =	vld [tilespmem:s18+$0xC10]  }
0x14c: {  	v1 =	vld [tilespmem:s21+$0xC10];
	_ =	sdelay $0x4  }
0x14d: {  	v0 =	vadd.f32 v1, v0;
	_ =	sdelay $0x1  }
0x14e: {  	[tilespmem:s18+$0xC10] =	vst v0;
	v0 =	vld [tilespmem:s18+$0xC20]  }
0x14f: {  	v1 =	vld [tilespmem:s21+$0xC20];
	_ =	sdelay $0x4  }
0x150: {  	v0 =	vadd.f32 v1, v0;
	_ =	sdelay $0x1  }
0x151: {  	[tilespmem:s18+$0xC20] =	vst v0;
	v0 =	vld [tilespmem:s18+$0xC30]  }
0x152: {  	v1 =	vld [tilespmem:s21+$0xC30];
	_ =	sdelay $0x4  }
0x153: {  	v0 =	vadd.f32 v1, v0;
	_ =	sdelay $0x1  }
0x154: {  	[tilespmem:s18+$0xC30] =	vst v0;
	v0 =	vld [tilespmem:s18+$0xC40]  }
0x155: {  	v1 =	vld [tilespmem:s21+$0xC40];
	_ =	sdelay $0x4  }
0x156: {  	v0 =	vadd.f32 v1, v0;
	_ =	sdelay $0x1  }
0x157: {  	[tilespmem:s18+$0xC40] =	vst v0;
	v0 =	vld [tilespmem:s18+$0xC50]  }
0x158: {  	v1 =	vld [tilespmem:s21+$0xC50];
	_ =	sdelay $0x4  }
0x159: {  	v0 =	vadd.f32 v1, v0;
	_ =	sdelay $0x1  }
0x15a: {  	[tilespmem:s18+$0xC50] =	vst v0;
	v0 =	vld [tilespmem:s18+$0xC60]  }
0x15b: {  	v1 =	vld [tilespmem:s21+$0xC60];
	_ =	sdelay $0x4  }
0x15c: {  	v0 =	vadd.f32 v1, v0;
	_ =	sdelay $0x1  }
0x15d: {  	[tilespmem:s18+$0xC60] =	vst v0;
	v0 =	vld [tilespmem:s18+$0xC70]  }
0x15e: {  	v1 =	vld [tilespmem:s21+$0xC70];
	_ =	sdelay $0x4  }
0x15f: {  	v0 =	vadd.f32 v1, v0;
	_ =	sdelay $0x1  }
0x160: {  	[tilespmem:s18+$0xC70] =	vst v0;
	v0 =	vld [tilespmem:s18+$0x1000]  }
0x161: {  	v1 =	vld [tilespmem:s21+$0x1000];
	_ =	sdelay $0x4  }
0x162: {  	v0 =	vadd.f32 v1, v0;
	_ =	sdelay $0x1  }
0x163: {  	[tilespmem:s18+$0x1000] =	vst v0;
	v0 =	vld [tilespmem:s18+$0x1010]  }
0x164: {  	v1 =	vld [tilespmem:s21+$0x1010];
	_ =	sdelay $0x4  }
0x165: {  	v0 =	vadd.f32 v1, v0;
	_ =	sdelay $0x1  }
0x166: {  	[tilespmem:s18+$0x1010] =	vst v0;
	v0 =	vld [tilespmem:s18+$0x1020]  }
0x167: {  	v1 =	vld [tilespmem:s21+$0x1020];
	_ =	sdelay $0x4  }
0x168: {  	v0 =	vadd.f32 v1, v0;
	_ =	sdelay $0x1  }
0x169: {  	[tilespmem:s18+$0x1020] =	vst v0;
	v0 =	vld [tilespmem:s18+$0x1030]  }
0x16a: {  	v1 =	vld [tilespmem:s21+$0x1030];
	_ =	sdelay $0x4  }
0x16b: {  	v0 =	vadd.f32 v1, v0;
	_ =	sdelay $0x1  }
0x16c: {  	[tilespmem:s18+$0x1030] =	vst v0;
	v0 =	vld [tilespmem:s18+$0x1040]  }
0x16d: {  	v1 =	vld [tilespmem:s21+$0x1040];
	_ =	sdelay $0x4  }
0x16e: {  	v0 =	vadd.f32 v1, v0;
	_ =	sdelay $0x1  }
0x16f: {  	[tilespmem:s18+$0x1040] =	vst v0;
	v0 =	vld [tilespmem:s18+$0x1050]  }
0x170: {  	v1 =	vld [tilespmem:s21+$0x1050];
	_ =	sdelay $0x4  }
0x171: {  	v0 =	vadd.f32 v1, v0;
	_ =	sdelay $0x1  }
0x172: {  	[tilespmem:s18+$0x1050] =	vst v0;
	v0 =	vld [tilespmem:s18+$0x1060]  }
0x173: {  	v1 =	vld [tilespmem:s21+$0x1060];
	_ =	sdelay $0x4  }
0x174: {  	v0 =	vadd.f32 v1, v0;
	_ =	sdelay $0x1  }
0x175: {  	[tilespmem:s18+$0x1060] =	vst v0;
	v0 =	vld [tilespmem:s18+$0x1070]  }
0x176: {  	v1 =	vld [tilespmem:s21+$0x1070];
	_ =	sdelay $0x4  }
0x177: {  	v0 =	vadd.f32 v1, v0;
	_ =	sdelay $0x1  }
0x178: {  	[tilespmem:s18+$0x1070] =	vst v0;
	v0 =	vld [tilespmem:s18+$0x1400]  }
0x179: {  	v1 =	vld [tilespmem:s21+$0x1400];
	_ =	sdelay $0x4  }
0x17a: {  	v0 =	vadd.f32 v1, v0;
	_ =	sdelay $0x1  }
0x17b: {  	[tilespmem:s18+$0x1400] =	vst v0;
	v0 =	vld [tilespmem:s18+$0x1410]  }
0x17c: {  	v1 =	vld [tilespmem:s21+$0x1410];
	_ =	sdelay $0x4  }
0x17d: {  	v0 =	vadd.f32 v1, v0;
	_ =	sdelay $0x1  }
0x17e: {  	[tilespmem:s18+$0x1410] =	vst v0;
	v0 =	vld [tilespmem:s18+$0x1420]  }
0x17f: {  	v1 =	vld [tilespmem:s21+$0x1420];
	_ =	sdelay $0x4  }
0x180: {  	v0 =	vadd.f32 v1, v0;
	_ =	sdelay $0x1  }
0x181: {  	[tilespmem:s18+$0x1420] =	vst v0;
	v0 =	vld [tilespmem:s18+$0x1430]  }
0x182: {  	v1 =	vld [tilespmem:s21+$0x1430];
	_ =	sdelay $0x4  }
0x183: {  	v0 =	vadd.f32 v1, v0;
	_ =	sdelay $0x1  }
0x184: {  	[tilespmem:s18+$0x1430] =	vst v0;
	v0 =	vld [tilespmem:s18+$0x1440]  }
0x185: {  	v1 =	vld [tilespmem:s21+$0x1440];
	_ =	sdelay $0x4  }
0x186: {  	v0 =	vadd.f32 v1, v0;
	_ =	sdelay $0x1  }
0x187: {  	[tilespmem:s18+$0x1440] =	vst v0;
	v0 =	vld [tilespmem:s18+$0x1450]  }
0x188: {  	v1 =	vld [tilespmem:s21+$0x1450];
	_ =	sdelay $0x4  }
0x189: {  	v0 =	vadd.f32 v1, v0;
	_ =	sdelay $0x1  }
0x18a: {  	[tilespmem:s18+$0x1450] =	vst v0;
	v0 =	vld [tilespmem:s18+$0x1460]  }
0x18b: {  	v1 =	vld [tilespmem:s21+$0x1460];
	_ =	sdelay $0x4  }
0x18c: {  	v0 =	vadd.f32 v1, v0;
	_ =	sdelay $0x1  }
0x18d: {  	[tilespmem:s18+$0x1460] =	vst v0;
	v0 =	vld [tilespmem:s18+$0x1470]  }
0x18e: {  	v1 =	vld [tilespmem:s21+$0x1470];
	_ =	sdelay $0x4  }
0x18f: {  	v0 =	vadd.f32 v1, v0;
	_ =	sdelay $0x1  }
0x190: {  	[tilespmem:s18+$0x1470] =	vst v0;
	v0 =	vld [tilespmem:s18+$0x1800]  }
0x191: {  	v1 =	vld [tilespmem:s21+$0x1800];
	_ =	sdelay $0x4  }
0x192: {  	v0 =	vadd.f32 v1, v0;
	_ =	sdelay $0x1  }
0x193: {  	[tilespmem:s18+$0x1800] =	vst v0;
	v0 =	vld [tilespmem:s18+$0x1810]  }
0x194: {  	v1 =	vld [tilespmem:s21+$0x1810];
	_ =	sdelay $0x4  }
0x195: {  	v0 =	vadd.f32 v1, v0;
	_ =	sdelay $0x1  }
0x196: {  	[tilespmem:s18+$0x1810] =	vst v0;
	v0 =	vld [tilespmem:s18+$0x1820]  }
0x197: {  	v1 =	vld [tilespmem:s21+$0x1820];
	_ =	sdelay $0x4  }
0x198: {  	v0 =	vadd.f32 v1, v0;
	_ =	sdelay $0x1  }
0x199: {  	[tilespmem:s18+$0x1820] =	vst v0;
	v0 =	vld [tilespmem:s18+$0x1830]  }
0x19a: {  	v1 =	vld [tilespmem:s21+$0x1830];
	_ =	sdelay $0x4  }
0x19b: {  	v0 =	vadd.f32 v1, v0;
	_ =	sdelay $0x1  }
0x19c: {  	[tilespmem:s18+$0x1830] =	vst v0;
	v0 =	vld [tilespmem:s18+$0x1840]  }
0x19d: {  	v1 =	vld [tilespmem:s21+$0x1840];
	_ =	sdelay $0x4  }
0x19e: {  	v0 =	vadd.f32 v1, v0;
	_ =	sdelay $0x1  }
0x19f: {  	[tilespmem:s18+$0x1840] =	vst v0;
	v0 =	vld [tilespmem:s18+$0x1850]  }
0x1a0: {  	v1 =	vld [tilespmem:s21+$0x1850];
	_ =	sdelay $0x4  }
0x1a1: {  	v0 =	vadd.f32 v1, v0;
	_ =	sdelay $0x1  }
0x1a2: {  	[tilespmem:s18+$0x1850] =	vst v0;
	v0 =	vld [tilespmem:s18+$0x1860]  }
0x1a3: {  	v1 =	vld [tilespmem:s21+$0x1860];
	_ =	sdelay $0x4  }
0x1a4: {  	v0 =	vadd.f32 v1, v0;
	_ =	sdelay $0x1  }
0x1a5: {  	[tilespmem:s18+$0x1860] =	vst v0;
	v0 =	vld [tilespmem:s18+$0x1870]  }
0x1a6: {  	v1 =	vld [tilespmem:s21+$0x1870];
	_ =	sdelay $0x4  }
0x1a7: {  	v0 =	vadd.f32 v1, v0;
	_ =	sdelay $0x1  }
0x1a8: {  	[tilespmem:s18+$0x1870] =	vst v0;
	v0 =	vld [tilespmem:s18+$0x1C00]  }
0x1a9: {  	v1 =	vld [tilespmem:s21+$0x1C00];
	_ =	sdelay $0x4  }
0x1aa: {  	v0 =	vadd.f32 v1, v0;
	_ =	sdelay $0x1  }
0x1ab: {  	[tilespmem:s18+$0x1C00] =	vst v0;
	v0 =	vld [tilespmem:s18+$0x1C10]  }
0x1ac: {  	v1 =	vld [tilespmem:s21+$0x1C10];
	_ =	sdelay $0x4  }
0x1ad: {  	v0 =	vadd.f32 v1, v0;
	_ =	sdelay $0x1  }
0x1ae: {  	[tilespmem:s18+$0x1C10] =	vst v0;
	v0 =	vld [tilespmem:s18+$0x1C20]  }
0x1af: {  	v1 =	vld [tilespmem:s21+$0x1C20];
	_ =	sdelay $0x4  }
0x1b0: {  	v0 =	vadd.f32 v1, v0;
	_ =	sdelay $0x1  }
0x1b1: {  	[tilespmem:s18+$0x1C20] =	vst v0;
	v0 =	vld [tilespmem:s18+$0x1C30]  }
0x1b2: {  	v1 =	vld [tilespmem:s21+$0x1C30];
	_ =	sdelay $0x4  }
0x1b3: {  	v0 =	vadd.f32 v1, v0;
	_ =	sdelay $0x1  }
0x1b4: {  	[tilespmem:s18+$0x1C30] =	vst v0;
	v0 =	vld [tilespmem:s18+$0x1C40]  }
0x1b5: {  	v1 =	vld [tilespmem:s21+$0x1C40];
	_ =	sdelay $0x4  }
0x1b6: {  	v0 =	vadd.f32 v1, v0;
	_ =	sdelay $0x1  }
0x1b7: {  	[tilespmem:s18+$0x1C40] =	vst v0;
	v0 =	vld [tilespmem:s18+$0x1C50]  }
0x1b8: {  	v1 =	vld [tilespmem:s21+$0x1C50];
	_ =	sdelay $0x4  }
0x1b9: {  	v0 =	vadd.f32 v1, v0;
	_ =	sdelay $0x1  }
0x1ba: {  	[tilespmem:s18+$0x1C50] =	vst v0;
	v0 =	vld [tilespmem:s18+$0x1C60]  }
0x1bb: {  	v1 =	vld [tilespmem:s21+$0x1C60];
	_ =	sdelay $0x4  }
0x1bc: {  	v0 =	vadd.f32 v1, v0;
	_ =	sdelay $0x1  }
0x1bd: {  	[tilespmem:s18+$0x1C60] =	vst v0;
	v0 =	vld [tilespmem:s18+$0x1C70]  }
0x1be: {  	v1 =	vld [tilespmem:s21+$0x1C70]  }
.Ltmp2:
0x1bf: {  	(pc) =	sbr.rel @p0 .LBB2_6-.Ltmp2, $3  }
0x1c0: {  	_ =	sdelay $0x1  }
0x1c1: {  	s19 =	sadd.s32 $0x80, s19;
	s22 =	sand.u32 $0x2000, s20  }
0x1c2: {  	s20 =	sadd.s32 $0x400, s20;
	s23 =	sadd.s32 s22, s16;
	s21 =	sand.u32 $0x380, s19;
	v0 =	vadd.f32 v1, v0  }
0x1c3: {  	s19 =	sadd.s32 s21, s23;
	s17 =	sadd.s32 s22, s17  }
0x1c4: {  	v1 =	vld [tilespmem:s19+$0x0];
	s17 =	sadd.s32 s21, s17;
	[tilespmem:s18+$0x1C70] =	vst v0  }
0x1c5: {  	v0 =	vld [tilespmem:s17+$0x0];
	_ =	sdelay $0x4  }
0x1c6: {  	v0 =	vadd.f32 v0, v1;
	_ =	sdelay $0x1  }
0x1c7: {  	v58 =	vld [tilespmem:s19+$0x10];
	[tilespmem:s19+$0x0] =	vst v0  }
0x1c8: {  	v59 =	vld [tilespmem:s17+$0x10];
	_ =	sdelay $0x4  }
0x1c9: {  	v0 =	vadd.f32 v59, v58;
	_ =	sdelay $0x1  }
0x1ca: {  	v60 =	vld [tilespmem:s19+$0x20];
	[tilespmem:s19+$0x10] =	vst v0  }
0x1cb: {  	v61 =	vld [tilespmem:s17+$0x20];
	_ =	sdelay $0x4  }
0x1cc: {  	v0 =	vadd.f32 v61, v60;
	_ =	sdelay $0x1  }
0x1cd: {  	v62 =	vld [tilespmem:s19+$0x30];
	[tilespmem:s19+$0x20] =	vst v0  }
0x1ce: {  	v63 =	vld [tilespmem:s17+$0x30];
	_ =	sdelay $0x4  }
0x1cf: {  	v0 =	vadd.f32 v63, v62;
	_ =	sdelay $0x1  }
0x1d0: {  	v4 =	vld [tilespmem:s19+$0x40];
	[tilespmem:s19+$0x30] =	vst v0  }
0x1d1: {  	v5 =	vld [tilespmem:s17+$0x40];
	_ =	sdelay $0x4  }
0x1d2: {  	v0 =	vadd.f32 v5, v4;
	_ =	sdelay $0x1  }
0x1d3: {  	v6 =	vld [tilespmem:s19+$0x50];
	[tilespmem:s19+$0x40] =	vst v0  }
0x1d4: {  	v7 =	vld [tilespmem:s17+$0x50];
	_ =	sdelay $0x4  }
0x1d5: {  	v0 =	vadd.f32 v7, v6;
	_ =	sdelay $0x1  }
0x1d6: {  	v8 =	vld [tilespmem:s19+$0x60];
	[tilespmem:s19+$0x50] =	vst v0  }
0x1d7: {  	v9 =	vld [tilespmem:s17+$0x60];
	_ =	sdelay $0x4  }
0x1d8: {  	v0 =	vadd.f32 v9, v8;
	_ =	sdelay $0x1  }
0x1d9: {  	v10 =	vld [tilespmem:s19+$0x70];
	[tilespmem:s19+$0x60] =	vst v0  }
0x1da: {  	v11 =	vld [tilespmem:s17+$0x70];
	_ =	sdelay $0x4  }
0x1db: {  	v0 =	vadd.f32 v11, v10;
	_ =	sdelay $0x1  }
0x1dc: {  	v12 =	vld [tilespmem:s19+$0x400];
	[tilespmem:s19+$0x70] =	vst v0  }
0x1dd: {  	v13 =	vld [tilespmem:s17+$0x400];
	_ =	sdelay $0x4  }
0x1de: {  	v0 =	vadd.f32 v13, v12;
	_ =	sdelay $0x1  }
0x1df: {  	v14 =	vld [tilespmem:s19+$0x410];
	[tilespmem:s19+$0x400] =	vst v0  }
0x1e0: {  	v15 =	vld [tilespmem:s17+$0x410];
	_ =	sdelay $0x4  }
0x1e1: {  	v0 =	vadd.f32 v15, v14;
	_ =	sdelay $0x1  }
0x1e2: {  	v16 =	vld [tilespmem:s19+$0x420];
	[tilespmem:s19+$0x410] =	vst v0  }
0x1e3: {  	v17 =	vld [tilespmem:s17+$0x420];
	_ =	sdelay $0x4  }
0x1e4: {  	v0 =	vadd.f32 v17, v16;
	_ =	sdelay $0x1  }
0x1e5: {  	v18 =	vld [tilespmem:s19+$0x430];
	[tilespmem:s19+$0x420] =	vst v0  }
0x1e6: {  	v19 =	vld [tilespmem:s17+$0x430];
	_ =	sdelay $0x4  }
0x1e7: {  	v0 =	vadd.f32 v19, v18;
	_ =	sdelay $0x1  }
0x1e8: {  	v20 =	vld [tilespmem:s19+$0x440];
	[tilespmem:s19+$0x430] =	vst v0  }
0x1e9: {  	v21 =	vld [tilespmem:s17+$0x440];
	_ =	sdelay $0x4  }
0x1ea: {  	v0 =	vadd.f32 v21, v20;
	_ =	sdelay $0x1  }
0x1eb: {  	v22 =	vld [tilespmem:s19+$0x450];
	[tilespmem:s19+$0x440] =	vst v0  }
0x1ec: {  	v23 =	vld [tilespmem:s17+$0x450];
	_ =	sdelay $0x4  }
0x1ed: {  	v0 =	vadd.f32 v23, v22;
	_ =	sdelay $0x1  }
0x1ee: {  	v24 =	vld [tilespmem:s19+$0x460];
	[tilespmem:s19+$0x450] =	vst v0  }
0x1ef: {  	v25 =	vld [tilespmem:s17+$0x460];
	_ =	sdelay $0x4  }
0x1f0: {  	v0 =	vadd.f32 v25, v24;
	_ =	sdelay $0x1  }
0x1f1: {  	v26 =	vld [tilespmem:s19+$0x470];
	[tilespmem:s19+$0x460] =	vst v0  }
0x1f2: {  	v27 =	vld [tilespmem:s17+$0x470];
	_ =	sdelay $0x4  }
0x1f3: {  	v0 =	vadd.f32 v27, v26;
	_ =	sdelay $0x1  }
0x1f4: {  	v28 =	vld [tilespmem:s19+$0x800];
	[tilespmem:s19+$0x470] =	vst v0  }
0x1f5: {  	v29 =	vld [tilespmem:s17+$0x800];
	_ =	sdelay $0x4  }
0x1f6: {  	v0 =	vadd.f32 v29, v28;
	_ =	sdelay $0x1  }
0x1f7: {  	v30 =	vld [tilespmem:s19+$0x810];
	[tilespmem:s19+$0x800] =	vst v0  }
0x1f8: {  	v31 =	vld [tilespmem:s17+$0x810];
	_ =	sdelay $0x4  }
0x1f9: {  	v0 =	vadd.f32 v31, v30;
	_ =	sdelay $0x1  }
0x1fa: {  	v32 =	vld [tilespmem:s19+$0x820];
	[tilespmem:s19+$0x810] =	vst v0  }
0x1fb: {  	v33 =	vld [tilespmem:s17+$0x820];
	_ =	sdelay $0x4  }
0x1fc: {  	v0 =	vadd.f32 v33, v32;
	_ =	sdelay $0x1  }
0x1fd: {  	v34 =	vld [tilespmem:s19+$0x830];
	[tilespmem:s19+$0x820] =	vst v0  }
0x1fe: {  	v35 =	vld [tilespmem:s17+$0x830];
	_ =	sdelay $0x4  }
0x1ff: {  	v0 =	vadd.f32 v35, v34;
	_ =	sdelay $0x1  }
0x200: {  	v36 =	vld [tilespmem:s19+$0x840];
	[tilespmem:s19+$0x830] =	vst v0  }
0x201: {  	v37 =	vld [tilespmem:s17+$0x840];
	_ =	sdelay $0x4  }
0x202: {  	v0 =	vadd.f32 v37, v36;
	_ =	sdelay $0x1  }
0x203: {  	v38 =	vld [tilespmem:s19+$0x850];
	[tilespmem:s19+$0x840] =	vst v0  }
0x204: {  	v39 =	vld [tilespmem:s17+$0x850];
	_ =	sdelay $0x4  }
0x205: {  	v0 =	vadd.f32 v39, v38;
	_ =	sdelay $0x1  }
0x206: {  	v40 =	vld [tilespmem:s19+$0x860];
	[tilespmem:s19+$0x850] =	vst v0  }
0x207: {  	v41 =	vld [tilespmem:s17+$0x860];
	_ =	sdelay $0x4  }
0x208: {  	v0 =	vadd.f32 v41, v40;
	_ =	sdelay $0x1  }
0x209: {  	v42 =	vld [tilespmem:s19+$0x870];
	[tilespmem:s19+$0x860] =	vst v0  }
0x20a: {  	v43 =	vld [tilespmem:s17+$0x870];
	_ =	sdelay $0x4  }
0x20b: {  	v0 =	vadd.f32 v43, v42;
	_ =	sdelay $0x1  }
0x20c: {  	v44 =	vld [tilespmem:s19+$0xC00];
	[tilespmem:s19+$0x870] =	vst v0  }
0x20d: {  	v45 =	vld [tilespmem:s17+$0xC00];
	_ =	sdelay $0x4  }
0x20e: {  	v0 =	vadd.f32 v45, v44;
	_ =	sdelay $0x1  }
0x20f: {  	v46 =	vld [tilespmem:s19+$0xC10];
	[tilespmem:s19+$0xC00] =	vst v0  }
0x210: {  	v47 =	vld [tilespmem:s17+$0xC10];
	_ =	sdelay $0x4  }
0x211: {  	v0 =	vadd.f32 v47, v46;
	_ =	sdelay $0x1  }
0x212: {  	v48 =	vld [tilespmem:s19+$0xC20];
	[tilespmem:s19+$0xC10] =	vst v0  }
0x213: {  	v49 =	vld [tilespmem:s17+$0xC20];
	_ =	sdelay $0x4  }
0x214: {  	v0 =	vadd.f32 v49, v48;
	_ =	sdelay $0x1  }
0x215: {  	v50 =	vld [tilespmem:s19+$0xC30];
	[tilespmem:s19+$0xC20] =	vst v0  }
0x216: {  	v51 =	vld [tilespmem:s17+$0xC30];
	_ =	sdelay $0x4  }
0x217: {  	v0 =	vadd.f32 v51, v50;
	_ =	sdelay $0x1  }
0x218: {  	v52 =	vld [tilespmem:s19+$0xC40];
	[tilespmem:s19+$0xC30] =	vst v0  }
0x219: {  	v53 =	vld [tilespmem:s17+$0xC40];
	_ =	sdelay $0x4  }
0x21a: {  	v0 =	vadd.f32 v53, v52;
	_ =	sdelay $0x1  }
0x21b: {  	v54 =	vld [tilespmem:s19+$0xC50];
	[tilespmem:s19+$0xC40] =	vst v0  }
0x21c: {  	v55 =	vld [tilespmem:s17+$0xC50];
	_ =	sdelay $0x4  }
0x21d: {  	v0 =	vadd.f32 v55, v54;
	_ =	sdelay $0x1  }
0x21e: {  	v56 =	vld [tilespmem:s19+$0xC60];
	[tilespmem:s19+$0xC50] =	vst v0  }
0x21f: {  	v57 =	vld [tilespmem:s17+$0xC60];
	_ =	sdelay $0x4  }
0x220: {  	v0 =	vadd.f32 v57, v56;
	_ =	sdelay $0x1  }
0x221: {  	v58 =	vld [tilespmem:s19+$0xC70];
	[tilespmem:s19+$0xC60] =	vst v0  }
0x222: {  	v59 =	vld [tilespmem:s17+$0xC70];
	_ =	sdelay $0x4  }
0x223: {  	v0 =	vadd.f32 v59, v58;
	_ =	sdelay $0x1  }
0x224: {  	v60 =	vld [tilespmem:s19+$0x1000];
	[tilespmem:s19+$0xC70] =	vst v0  }
0x225: {  	v61 =	vld [tilespmem:s17+$0x1000];
	_ =	sdelay $0x4  }
0x226: {  	v0 =	vadd.f32 v61, v60;
	_ =	sdelay $0x1  }
0x227: {  	v62 =	vld [tilespmem:s19+$0x1010];
	[tilespmem:s19+$0x1000] =	vst v0  }
0x228: {  	v63 =	vld [tilespmem:s17+$0x1010];
	_ =	sdelay $0x4  }
0x229: {  	v0 =	vadd.f32 v63, v62;
	_ =	sdelay $0x1  }
0x22a: {  	v4 =	vld [tilespmem:s19+$0x1020];
	[tilespmem:s19+$0x1010] =	vst v0  }
0x22b: {  	v5 =	vld [tilespmem:s17+$0x1020];
	_ =	sdelay $0x4  }
0x22c: {  	v0 =	vadd.f32 v5, v4;
	_ =	sdelay $0x1  }
0x22d: {  	v6 =	vld [tilespmem:s19+$0x1030];
	[tilespmem:s19+$0x1020] =	vst v0  }
0x22e: {  	v7 =	vld [tilespmem:s17+$0x1030];
	_ =	sdelay $0x4  }
0x22f: {  	v0 =	vadd.f32 v7, v6;
	_ =	sdelay $0x1  }
0x230: {  	v8 =	vld [tilespmem:s19+$0x1040];
	[tilespmem:s19+$0x1030] =	vst v0  }
0x231: {  	v9 =	vld [tilespmem:s17+$0x1040];
	_ =	sdelay $0x4  }
0x232: {  	v0 =	vadd.f32 v9, v8;
	_ =	sdelay $0x1  }
0x233: {  	v10 =	vld [tilespmem:s19+$0x1050];
	[tilespmem:s19+$0x1040] =	vst v0  }
0x234: {  	v11 =	vld [tilespmem:s17+$0x1050];
	_ =	sdelay $0x4  }
0x235: {  	v0 =	vadd.f32 v11, v10;
	_ =	sdelay $0x1  }
0x236: {  	v12 =	vld [tilespmem:s19+$0x1060];
	[tilespmem:s19+$0x1050] =	vst v0  }
0x237: {  	v13 =	vld [tilespmem:s17+$0x1060];
	_ =	sdelay $0x4  }
0x238: {  	v0 =	vadd.f32 v13, v12;
	_ =	sdelay $0x1  }
0x239: {  	v14 =	vld [tilespmem:s19+$0x1070];
	[tilespmem:s19+$0x1060] =	vst v0  }
0x23a: {  	v15 =	vld [tilespmem:s17+$0x1070];
	_ =	sdelay $0x4  }
0x23b: {  	v0 =	vadd.f32 v15, v14;
	_ =	sdelay $0x1  }
0x23c: {  	v16 =	vld [tilespmem:s19+$0x1400];
	[tilespmem:s19+$0x1070] =	vst v0  }
0x23d: {  	v17 =	vld [tilespmem:s17+$0x1400];
	_ =	sdelay $0x4  }
0x23e: {  	v0 =	vadd.f32 v17, v16;
	_ =	sdelay $0x1  }
0x23f: {  	v18 =	vld [tilespmem:s19+$0x1410];
	[tilespmem:s19+$0x1400] =	vst v0  }
0x240: {  	v19 =	vld [tilespmem:s17+$0x1410];
	_ =	sdelay $0x4  }
0x241: {  	v0 =	vadd.f32 v19, v18;
	_ =	sdelay $0x1  }
0x242: {  	v20 =	vld [tilespmem:s19+$0x1420];
	[tilespmem:s19+$0x1410] =	vst v0  }
0x243: {  	v21 =	vld [tilespmem:s17+$0x1420];
	_ =	sdelay $0x4  }
0x244: {  	v0 =	vadd.f32 v21, v20;
	_ =	sdelay $0x1  }
0x245: {  	v22 =	vld [tilespmem:s19+$0x1430];
	[tilespmem:s19+$0x1420] =	vst v0  }
0x246: {  	v23 =	vld [tilespmem:s17+$0x1430];
	_ =	sdelay $0x4  }
0x247: {  	v0 =	vadd.f32 v23, v22;
	_ =	sdelay $0x1  }
0x248: {  	v24 =	vld [tilespmem:s19+$0x1440];
	[tilespmem:s19+$0x1430] =	vst v0  }
0x249: {  	v25 =	vld [tilespmem:s17+$0x1440];
	_ =	sdelay $0x4  }
0x24a: {  	v0 =	vadd.f32 v25, v24;
	_ =	sdelay $0x1  }
0x24b: {  	v26 =	vld [tilespmem:s19+$0x1450];
	[tilespmem:s19+$0x1440] =	vst v0  }
0x24c: {  	v27 =	vld [tilespmem:s17+$0x1450];
	_ =	sdelay $0x4  }
0x24d: {  	v0 =	vadd.f32 v27, v26;
	_ =	sdelay $0x1  }
0x24e: {  	v28 =	vld [tilespmem:s19+$0x1460];
	[tilespmem:s19+$0x1450] =	vst v0  }
0x24f: {  	v29 =	vld [tilespmem:s17+$0x1460];
	_ =	sdelay $0x4  }
0x250: {  	v0 =	vadd.f32 v29, v28;
	_ =	sdelay $0x1  }
0x251: {  	v30 =	vld [tilespmem:s19+$0x1470];
	[tilespmem:s19+$0x1460] =	vst v0  }
0x252: {  	v31 =	vld [tilespmem:s17+$0x1470];
	_ =	sdelay $0x4  }
0x253: {  	v0 =	vadd.f32 v31, v30;
	_ =	sdelay $0x1  }
0x254: {  	v32 =	vld [tilespmem:s19+$0x1800];
	[tilespmem:s19+$0x1470] =	vst v0  }
0x255: {  	v33 =	vld [tilespmem:s17+$0x1800];
	_ =	sdelay $0x4  }
0x256: {  	v0 =	vadd.f32 v33, v32;
	_ =	sdelay $0x1  }
0x257: {  	v34 =	vld [tilespmem:s19+$0x1810];
	[tilespmem:s19+$0x1800] =	vst v0  }
0x258: {  	v35 =	vld [tilespmem:s17+$0x1810];
	_ =	sdelay $0x4  }
0x259: {  	v0 =	vadd.f32 v35, v34;
	_ =	sdelay $0x1  }
0x25a: {  	v36 =	vld [tilespmem:s19+$0x1820];
	[tilespmem:s19+$0x1810] =	vst v0  }
0x25b: {  	v37 =	vld [tilespmem:s17+$0x1820];
	_ =	sdelay $0x4  }
0x25c: {  	v0 =	vadd.f32 v37, v36;
	_ =	sdelay $0x1  }
0x25d: {  	v38 =	vld [tilespmem:s19+$0x1830];
	[tilespmem:s19+$0x1820] =	vst v0  }
0x25e: {  	v39 =	vld [tilespmem:s17+$0x1830];
	_ =	sdelay $0x4  }
0x25f: {  	v0 =	vadd.f32 v39, v38;
	_ =	sdelay $0x1  }
0x260: {  	v40 =	vld [tilespmem:s19+$0x1840];
	[tilespmem:s19+$0x1830] =	vst v0  }
0x261: {  	v41 =	vld [tilespmem:s17+$0x1840];
	_ =	sdelay $0x4  }
0x262: {  	v0 =	vadd.f32 v41, v40;
	_ =	sdelay $0x1  }
0x263: {  	v42 =	vld [tilespmem:s19+$0x1850];
	[tilespmem:s19+$0x1840] =	vst v0  }
0x264: {  	v43 =	vld [tilespmem:s17+$0x1850];
	_ =	sdelay $0x4  }
0x265: {  	v0 =	vadd.f32 v43, v42;
	_ =	sdelay $0x1  }
0x266: {  	v44 =	vld [tilespmem:s19+$0x1860];
	[tilespmem:s19+$0x1850] =	vst v0  }
0x267: {  	v45 =	vld [tilespmem:s17+$0x1860];
	_ =	sdelay $0x4  }
0x268: {  	v0 =	vadd.f32 v45, v44;
	_ =	sdelay $0x1  }
0x269: {  	v46 =	vld [tilespmem:s19+$0x1870];
	[tilespmem:s19+$0x1860] =	vst v0  }
0x26a: {  	v47 =	vld [tilespmem:s17+$0x1870];
	_ =	sdelay $0x4  }
0x26b: {  	v0 =	vadd.f32 v47, v46;
	_ =	sdelay $0x1  }
0x26c: {  	v48 =	vld [tilespmem:s19+$0x1C00];
	[tilespmem:s19+$0x1870] =	vst v0  }
0x26d: {  	v49 =	vld [tilespmem:s17+$0x1C00];
	_ =	sdelay $0x4  }
0x26e: {  	v0 =	vadd.f32 v49, v48;
	_ =	sdelay $0x1  }
0x26f: {  	v50 =	vld [tilespmem:s19+$0x1C10];
	[tilespmem:s19+$0x1C00] =	vst v0  }
0x270: {  	v51 =	vld [tilespmem:s17+$0x1C10];
	_ =	sdelay $0x4  }
0x271: {  	v0 =	vadd.f32 v51, v50;
	_ =	sdelay $0x1  }
0x272: {  	v52 =	vld [tilespmem:s19+$0x1C20];
	[tilespmem:s19+$0x1C10] =	vst v0  }
0x273: {  	v53 =	vld [tilespmem:s17+$0x1C20];
	_ =	sdelay $0x4  }
0x274: {  	v0 =	vadd.f32 v53, v52;
	_ =	sdelay $0x1  }
0x275: {  	v54 =	vld [tilespmem:s19+$0x1C30];
	[tilespmem:s19+$0x1C20] =	vst v0  }
0x276: {  	v55 =	vld [tilespmem:s17+$0x1C30];
	_ =	sdelay $0x4  }
0x277: {  	v0 =	vadd.f32 v55, v54;
	_ =	sdelay $0x1  }
0x278: {  	v56 =	vld [tilespmem:s19+$0x1C40];
	[tilespmem:s19+$0x1C30] =	vst v0  }
0x279: {  	v57 =	vld [tilespmem:s17+$0x1C40];
	_ =	sdelay $0x4  }
0x27a: {  	v0 =	vadd.f32 v57, v56;
	_ =	sdelay $0x1  }
0x27b: {  	v58 =	vld [tilespmem:s19+$0x1C50];
	[tilespmem:s19+$0x1C40] =	vst v0  }
0x27c: {  	v59 =	vld [tilespmem:s17+$0x1C50];
	_ =	sdelay $0x4  }
0x27d: {  	v0 =	vadd.f32 v59, v58;
	_ =	sdelay $0x1  }
0x27e: {  	v60 =	vld [tilespmem:s19+$0x1C60];
	[tilespmem:s19+$0x1C50] =	vst v0  }
0x27f: {  	v61 =	vld [tilespmem:s17+$0x1C60];
	_ =	sdelay $0x4  }
0x280: {  	v0 =	vadd.f32 v61, v60;
	_ =	sdelay $0x1  }
0x281: {  	v62 =	vld [tilespmem:s19+$0x1C70];
	[tilespmem:s19+$0x1C60] =	vst v0  }
0x282: {  	v63 =	vld [tilespmem:s17+$0x1C70];
	_ =	sdelay $0x1  }
0x283: {  	s12 =	sadd.s32 $0x1, s12  }
0x284: {  	p0 =	sne.s32 s12, $0x40  }
.Ltmp3:
0x285: {  	_ = 	snop;
	(pc) =	sbr.rel @p0 .LBB2_2-.Ltmp3, $4  }
0x286: {  	s14 =	sshll.u32 s14, $0x14;
	v0 =	vadd.f32 v63, v62  }
0x287: {  	s13 =	sshll.u32 s13, $0xB;
	s14 =	sadd.s32 s14, s6  }
0x288: {  	s15 =	sadd.s32 $0x4, s15;
	s13 =	sadd.s32 s13, s14;
	[tilespmem:s19+$0x1C70] =	vst v0  }
0x289: {  	[hbm4b:s13+s2] =	stream.linear.scatter [tilespmem:s16], [sflag:s15], $0x4000, $0x38;
	[tilespmem:$0x14000] =	vst v63  }
0x28a: {  	s11 =	sadd.s32 $0x1, s11  }
0x28b: {  	p0 =	sne.s32 s11, s7  }
.Ltmp4:
0x28c: {  	_ = 	snop;
	(pc) =	sbr.rel @p0 .LBB2_1-.Ltmp4, $4  }
0x28d: {  	_ = 	snop  }
0x28e: {  	_ =	swait.ge [sflag:s10], $0x4000  }
0x28f: {  	[sflag:s10] =	ssyncset.done $0x0  }
0x290: {  	[sflag:s10] =	ssyncadd.s32 $0xFFFFC000  }
0x291: {  	_ =	sfence.sel $0x180000  }
0x292: {  	[bflag:$0x0] =	sbarrier.arrive $0xFFFF  }
0x293: {  	p0 =	sne.s32 s1, $0x0;
	_ =	strace $0x90000047  }
0x294: {  	s0 =	sadd.s32 @!p0 $0x100000, s0;
	[bflag:$0x2] =	sbarrier.arrive $0xFFFF  }
0x295: {  	[sflag:s0] =	ssyncadd.tile.s32 @!p0 $0x1;
	_ =	shalt  }
.Lfunc_end2:
_tile_overlayer_lowered:
.L_overlay_start_2:
0x296: {  	(tag) =	ssettag $0x2  }
0x297: {  	s0 =	rddreg [dreg:$0x0];
	s2 =	stileid.u32  }
0x298: {  	s1 =	rddreg [dreg:$0x1];
	p0 =	sne.s32 s2, $0x0  }
0x299: {  	s3 =	rddreg [dreg:$0x2];
	[bflag:$0x3] =	sbarrier.arrive $0xFFFF;
	s2 =	simm.s32 @!p0 $0x1C09  }
0x29a: {  	[timem:s3], [sflag:s2] =	dma.local @!p0 [hbm:s0], s1  }
0x29b: {  	s0 =	simm.s32 @!p0 $0x9  }
0x29c: {  	_ =	swait.ge @!p0 [sflag:s0], s1  }
0x29d: {  	s1 =	ssub.s32 @!p0 $0x0, s1;
	[sflag:s0] =	ssyncset.done @!p0 $0x0  }
0x29e: {  	[sflag:s0] =	ssyncadd.s32 @!p0 s1  }
0x29f: {  	[bflag:$0x3] =	sbarrier.arrive $0xFFFF  }
0x2a0: {  	_ =	shalt  }

</sc_bundles>
